<compile_context>
chip_gen: v7x
topology: tpu7x:2x2x1
jax: 0.10.2.dev20260603
libtpu: 0.0.44.dev20260713+nightly
codegen_flags: <defaults>
</compile_context>

<pallas_src>
import functools
import math

import jax
import jax.numpy as jnp
from jax import lax
from jax.experimental import pallas as pl
from jax.experimental.pallas import tpu as pltpu
from jax.experimental.pallas import tpu_sc as plsc

_N = 10000
_E = 160000
_D = 128
_A = 16
_CE = 4
_CF = 8
_H = 64
_NUM_AVG_NEIGHBORS = 16.0

_BN = 2000


def _h_body(nf_ref, wup_ref, h_ref):
    h_ref[...] = jnp.dot(nf_ref[...], wup_ref[...],
                         preferred_element_type=jnp.float32) * (1.0 / math.sqrt(_D))


def _h_call(node_feats, W_up):
    return pl.pallas_call(
        _h_body,
        grid=(_N // _BN,),
        in_specs=[
            pl.BlockSpec((_BN, _D), lambda i: (i, 0)),
            pl.BlockSpec((_D, _D), lambda i: (0, 0)),
        ],
        out_specs=pl.BlockSpec((_BN, _D), lambda i: (i, 0)),
        out_shape=jax.ShapeDtypeStruct((_N, _D), jnp.float32),
    )(node_feats, W_up)


_BE = 2000


def _edge_body(efr_ref, w1_ref, w2_ref, w3_ref, w4w_ref, s_ref, acc_ref):
    efr = efr_ref[...]
    ef = efr[:, 0:_CF]
    t = jax.nn.silu(jnp.dot(ef, w1_ref[...],
                            preferred_element_type=jnp.float32) * (1.0 / math.sqrt(_CF)))
    t = jax.nn.silu(jnp.dot(t, w2_ref[...],
                            preferred_element_type=jnp.float32) * (1.0 / math.sqrt(_H)))
    t = jax.nn.silu(jnp.dot(t, w3_ref[...],
                            preferred_element_type=jnp.float32) * (1.0 / math.sqrt(_H)))
    u = jnp.dot(t, w4w_ref[...], preferred_element_type=jnp.float32)
    er = efr[:, _CF:_CF + _CE]
    erb = jnp.dot(er, s_ref[...], preferred_element_type=jnp.float32)
    p = u * erb
    acc = p[:, 0:_D]
    for v in range(1, _CE):
        acc = acc + p[:, v * _D:(v + 1) * _D]
    acc_ref[...] = acc * (1.0 / (math.sqrt(_H) * math.sqrt(_CE)))


def _edge_call(efr, W1, W2, W3, W4w, S):
    return pl.pallas_call(
        _edge_body,
        grid=(_E // _BE,),
        in_specs=[
            pl.BlockSpec((_BE, _CF + _CE), lambda i: (i, 0)),
            pl.BlockSpec((_CF, _H), lambda i: (0, 0)),
            pl.BlockSpec((_H, _H), lambda i: (0, 0)),
            pl.BlockSpec((_H, _H), lambda i: (0, 0)),
            pl.BlockSpec((_H, _CE * _D), lambda i: (0, 0)),
            pl.BlockSpec((_CE, _CE * _D), lambda i: (0, 0)),
        ],
        out_specs=pl.BlockSpec((_BE, _D), lambda i: (i, 0)),
        out_shape=jax.ShapeDtypeStruct((_E, _D), jnp.float32),
        compiler_params=pltpu.CompilerParams(dimension_semantics=("parallel",)),
    )(efr, W1, W2, W3, W4w, S)


_NC = 2
_NS = 16
_NW = _NC * _NS
_CH = 128
_NCHUNKS = _E // _CH
_CPW = -(-_NCHUNKS // _NW)
_RPT = 632
_RPT_LAST = _N - 15 * _RPT
_RZB = 8


def _sc_body(h_hbm, acc_hbm, ei_hbm, out_hbm,
             sidx_v, ridx_v, hrows_v, arows_v, zbuf_v, msh, sem0, sem1):
    cid = lax.axis_index("c")
    sid = lax.axis_index("s")
    wid = sid * _NC + cid
    sems = (sem0, sem1)

    def _zfill(i, carry):
        r = i // (_D // 16)
        c = (i % (_D // 16)) * 16
        zbuf_v[r, pl.ds(c, 16)] = jnp.zeros((16,), jnp.float32)
        return carry

    lax.fori_loop(0, _RZB * (_D // 16), _zfill, 0)

    row0 = sid * _RPT
    nrows = jnp.where(sid == _NS - 1, _RPT_LAST, _RPT)

    def _zcopy(m, carry):
        pltpu.sync_copy(zbuf_v, msh.at[pl.ds(row0 + m * _RZB, _RZB)])
        return carry

    lax.fori_loop(0, nrows // _RZB, _zcopy, 0)

    def _issue(k, b):
        c = k * _NW + wid

        @pl.when(c < _NCHUNKS)
        def _():
            base = c * _CH
            pltpu.sync_copy(ei_hbm.at[pl.ds(base, _CH)], sidx_v.at[b])
            pltpu.sync_copy(ei_hbm.at[pl.ds(_E + base, _CH)], ridx_v.at[b])
            pltpu.async_copy(h_hbm.at[sidx_v.at[b]], hrows_v.at[b], sems[b])

    plsc.subcore_barrier()
    _issue(0, 0)

    def _pair(p, carry):
        for b in range(2):
            k = p * 2 + b
            c = k * _NW + wid

            @pl.when(c < _NCHUNKS)
            def _():
                pltpu.make_async_copy(h_hbm.at[pl.ds(0, _CH)], hrows_v.at[b],
                                      sems[b]).wait()
                _issue(k + 1, 1 - b)
                pltpu.sync_copy(acc_hbm.at[pl.ds(c * _CH, _CH)], arows_v)

                hb = hrows_v.at[b]
                ab = arows_v

                def _mul(q, carry2):
                    for rr in range(4):
                        r = q * 4 + rr
                        for j in range(_D // 16):
                            col = j * 16
                            hb[r, pl.ds(col, 16)] = (
                                hb[r, pl.ds(col, 16)] * ab[r, pl.ds(col, 16)])
                    return carry2

                lax.fori_loop(0, _CH // 4, _mul, 0)
                pltpu.sync_copy(hb, msh.at[ridx_v.at[b]], add=True)

        return carry

    lax.fori_loop(0, _CPW // 2, _pair, 0)
    plsc.subcore_barrier()

    @pl.when(sid < _NS - 1)
    def _():
        pltpu.sync_copy(msh.at[pl.ds(row0, _RPT)],
                        out_hbm.at[cid, pl.ds(row0, _RPT)])

    @pl.when(sid == _NS - 1)
    def _():
        pltpu.sync_copy(msh.at[pl.ds(row0, _RPT_LAST)],
                        out_hbm.at[cid, pl.ds(row0, _RPT_LAST)])


def _sc_call(h, acc, ei_flat):
    mesh = plsc.VectorSubcoreMesh(core_axis_name="c", subcore_axis_name="s")
    f = pl.kernel(
        _sc_body,
        mesh=mesh,
        out_type=jax.ShapeDtypeStruct((_NC, _N, _D), jnp.float32),
        scratch_types=[
            pltpu.VMEM((2, _CH), jnp.int32),
            pltpu.VMEM((2, _CH), jnp.int32),
            pltpu.VMEM((2, _CH, _D), jnp.float32),
            pltpu.VMEM((_CH, _D), jnp.float32),
            pltpu.VMEM((_RZB, _D), jnp.float32),
            pltpu.VMEM_SHARED((_N, _D), jnp.float32),
            pltpu.SemaphoreType.DMA,
            pltpu.SemaphoreType.DMA,
        ],
    )
    return f(h, acc, ei_flat)


def _post_body(mp_ref, nf_ref, na_ref, wlin_ref, wskip_ref, mr_ref, mi_ref):
    m = mp_ref[0] + mp_ref[1]
    nf = nf_ref[...]
    na = na_ref[...]
    sc = jnp.zeros((_BN, _D), jnp.float32)
    for v in range(_A):
        sc = sc + na[:, v:v + 1] * jnp.dot(nf, wskip_ref[:, v, :],
                                           preferred_element_type=jnp.float32)
    sc = sc * (1.0 / math.sqrt(_D * _A))
    s = 1.0 / (math.sqrt(_D) * 2.0 * _NUM_AVG_NEIGHBORS)
    mr = jnp.dot(m, wlin_ref[...], preferred_element_type=jnp.float32) * s + sc
    mr = jax.nn.silu(mr)
    mi = jax.nn.silu(jnp.dot(mr, wlin_ref[...],
                             preferred_element_type=jnp.float32) * s)
    mr_ref[...] = mr
    mi_ref[...] = mi


def _post_call(mp, node_feats, node_attrs, W_lin, W_skip):
    return pl.pallas_call(
        _post_body,
        grid=(_N // _BN,),
        in_specs=[
            pl.BlockSpec((_NC, _BN, _D), lambda i: (0, i, 0)),
            pl.BlockSpec((_BN, _D), lambda i: (i, 0)),
            pl.BlockSpec((_BN, _A), lambda i: (i, 0)),
            pl.BlockSpec((_D, _D), lambda i: (0, 0)),
            pl.BlockSpec((_D, _A, _D), lambda i: (0, 0, 0)),
        ],
        out_specs=[
            pl.BlockSpec((_BN, _D), lambda i: (i, 0)),
            pl.BlockSpec((_BN, _D), lambda i: (i, 0)),
        ],
        out_shape=[
            jax.ShapeDtypeStruct((_N, _D), jnp.float32),
            jax.ShapeDtypeStruct((_N, _D), jnp.float32),
        ],
        compiler_params=pltpu.CompilerParams(dimension_semantics=("parallel",)),
    )(mp, node_feats, node_attrs, W_lin, W_skip)


def kernel(node_attrs, node_feats, edge_attrs_real, edge_attrs_imag, edge_feats,
           edge_index, W_up, W1, W2, W3, W4, W_lin, W_skip):
    del edge_attrs_imag
    W4w = W4.reshape(_H, _D, _CE).transpose(0, 2, 1).reshape(_H, _CE * _D)
    S = jnp.kron(jnp.eye(_CE, dtype=jnp.float32),
                 jnp.ones((1, _D), jnp.float32))
    ei_flat = edge_index.reshape(2 * _E)
    efr = jnp.concatenate([edge_feats, edge_attrs_real], axis=1)
    h = _h_call(node_feats, W_up)
    acc = _edge_call(efr, W1, W2, W3, W4w, S)
    mp = _sc_call(h, acc, ei_flat)
    mr, mi = _post_call(mp, node_feats, node_attrs, W_lin, W_skip)
    return jnp.stack((mr, mi), axis=-1).reshape(_N, _D, 1, 2)

# --- scband reference (transcript-rebuilt; emitter-appended) ---
"""Pipeline reference for scband-agnostic-residual-interaction-block-44676249813161 (READ-ONLY COPY).

The authoritative reference and input builder live on the scoring server;
editing this copy changes nothing except your own understanding.
"""

import jax, jax.numpy as jnp
import numpy as np

N = 10000
E = 160000
D = 128   # node feature multiplicity (128x0e)
A = 16    # node attr multiplicity (16x0e)
CE = 4    # edge attr (spherical) channels (4x0e), complex -> real/imag
CF = 8    # edge feats (radial basis) channels (8x0e)
H = 64    # FullyConnectedNet hidden width
NUM_AVG_NEIGHBORS = 16.0


def setup_inputs(seed: int = 0) -> dict:
    key = jax.random.key(seed)
    ks = jax.random.split(key, 13)
    node_attrs = jax.random.uniform(ks[0], (N, A), dtype=jnp.float32)
    node_feats = jax.random.normal(ks[1], (N, D), dtype=jnp.float32)
    edge_attrs_real = jax.random.normal(ks[2], (E, CE), dtype=jnp.float32)
    edge_attrs_imag = jax.random.normal(ks[3], (E, CE), dtype=jnp.float32)
    edge_feats = jax.random.uniform(ks[4], (E, CF), dtype=jnp.float32)
    edge_index = jax.random.randint(ks[5], (2, E), 0, N, dtype=jnp.int32)
    # learned parameters (all irreps are scalar 0e, so equivariant ops reduce to dense/bilinear maps)
    W_up = jax.random.normal(ks[6], (D, D), dtype=jnp.float32)          # o3.Linear up-projection
    W1 = jax.random.normal(ks[7], (CF, H), dtype=jnp.float32)           # conv_tp_weights MLP
    W2 = jax.random.normal(ks[8], (H, H), dtype=jnp.float32)
    W3 = jax.random.normal(ks[9], (H, H), dtype=jnp.float32)
    W4 = jax.random.normal(ks[10], (H, D * CE), dtype=jnp.float32)      # -> conv_tp.weight_numel = 128*4
    W_lin = jax.random.normal(ks[11], (D, D), dtype=jnp.float32)        # o3.Linear on aggregated messages
    W_skip = jax.random.normal(ks[12], (D, A, D), dtype=jnp.float32)    # FullyConnectedTensorProduct skip
    return {"node_attrs": node_attrs, "node_feats": node_feats,
            "edge_attrs_real": edge_attrs_real, "edge_attrs_imag": edge_attrs_imag,
            "edge_feats": edge_feats, "edge_index": edge_index,
            "W_up": W_up, "W1": W1, "W2": W2, "W3": W3, "W4": W4,
            "W_lin": W_lin, "W_skip": W_skip}


def reference(node_attrs, node_feats, edge_attrs_real, edge_attrs_imag, edge_feats,
              edge_index, W_up, W1, W2, W3, W4, W_lin, W_skip):
    sender = edge_index[0]
    receiver = edge_index[1]
    num_nodes = node_feats.shape[0]
    num_features = D  # count of 0e in node_feats_irreps
    # skip_tp: FullyConnectedTensorProduct(node_feats, node_attrs) -> irreps_nonlin (all 0e -> bilinear)
    sc = jnp.einsum('nu,nv,uvk->nk', node_feats, node_attrs, W_skip) / np.sqrt(D * A)
    # linear_up (e3nn o3.Linear normalizes by sqrt(fan_in))
    h = node_feats @ W_up / np.sqrt(D)
    # conv_tp_weights: FullyConnectedNet([CF, 64, 64, 64, weight_numel], silu)
    t = jax.nn.silu(edge_feats @ W1 / np.sqrt(CF))
    t = jax.nn.silu(t @ W2 / np.sqrt(H))
    t = jax.nn.silu(t @ W3 / np.sqrt(H))
    tp_w = (t @ W4 / np.sqrt(H)).reshape(-1, D, CE)  # per-edge 'uvu' path weights
    # conv_tp ('uvu' tensor product of scalars): out[e,u] = x[e,u] * sum_v w[e,u,v]*y[e,v] / sqrt(CE)
    xs = h[sender]  # gather over edges
    mji_real = xs * (jnp.einsum('euv,ev->eu', tp_w, edge_attrs_real) / np.sqrt(CE))
    mji_imag = xs * (jnp.einsum('euv,ev->eu', tp_w, edge_attrs_imag) / np.sqrt(CE))
    # scatter_sum over receiver
    message_real = jax.ops.segment_sum(mji_real, receiver, num_segments=num_nodes)
    message_imag_scattered = jax.ops.segment_sum(mji_imag, receiver, num_segments=num_nodes)  # computed then overwritten, as in original
    del message_imag_scattered
    message_real = (message_real @ W_lin / np.sqrt(D)) / (2.0 * NUM_AVG_NEIGHBORS)
    message_real = message_real + sc
    message_real = jax.nn.silu(message_real)  # Gate with only even scalars -> silu
    message_imag = (message_real @ W_lin / np.sqrt(D)) / (2.0 * NUM_AVG_NEIGHBORS)
    message_imag = jax.nn.silu(message_imag)
    # view_as_complex represented as trailing (real, imag) dim of size 2
    message = jnp.stack((message_real, message_imag), axis=-1)  # [N, D, 2]
    return message.reshape(num_nodes, num_features, message_real.shape[1] // num_features, 2)

if __name__ == "__main__":
    import jax
    _d = setup_inputs()
    print(jax.jit(kernel)(*tuple(_d.values())))

</pallas_src>

<mosaic_0001>
#map = affine_map<(d0, d1) -> (0, 0)>
#map1 = affine_map<(d0, d1) -> (0)>
#map2 = affine_map<(d0, d1) -> (0, 0, 0)>
module attributes {stable_mosaic.version = 14 : i64} {
  func.func @_sc_body(%arg0: i32, %arg1: i32, %arg2: memref<10000x128xf32, #tpu.memory_space<hbm>>, %arg3: memref<160000x128xf32, #tpu.memory_space<hbm>>, %arg4: memref<320000xi32, #tpu.memory_space<hbm>>, %arg5: memref<2x10000x128xf32, #tpu.memory_space<hbm>>, %arg6: memref<2x128xi32, #tpu.memory_space<vmem>>, %arg7: memref<2x128xi32, #tpu.memory_space<vmem>>, %arg8: memref<2x128x128xf32, #tpu.memory_space<vmem>>, %arg9: memref<128x128xf32, #tpu.memory_space<vmem>>, %arg10: memref<8x128xf32, #tpu.memory_space<vmem>>, %arg11: memref<10000x128xf32, #tpu.memory_space<vmem_shared>>, %arg12: memref<!tpu.dma_semaphore, #tpu.memory_space<semaphore_mem>>, %arg13: memref<!tpu.dma_semaphore, #tpu.memory_space<semaphore_mem>>) attributes {dimension_semantics = [#tpu.dimension_semantics<core_parallel>, #tpu.dimension_semantics<subcore_parallel>], iteration_bounds = array<i64: 2, 16>, scalar_prefetch = 0 : i64, scratch_operands = 8 : i64, tpu.core_type = #tpu.core_type<sc_vector_subcore>, window_params = [{transform_indices = #map}, {transform_indices = #map}, {transform_indices = #map1}, {transform_indices = #map2}]} {
    %mul3A = arith.constant 2 : i32
    %mul3A_0 = arith.muli %arg1, %mul3A : i32
    %add3A = arith.addi %mul3A_0, %arg0 : i32
    %scan3A = arith.constant 0 : i32
    %scan3A_1 = arith.constant 0 : i32
    %scan3A_2 = arith.constant 64 : i32
    %scan3A_3 = arith.addi %scan3A_1, %scan3A_2 : i32
    %scan3A_4 = arith.constant 1 : i32
    scf.for %scan3A_58 = %scan3A_1 to %scan3A_3 step %scan3A_4  : i32 {
      %jit3A_59 = arith.constant 8 : i32
      %div3A_60 = arith.divsi %scan3A_58, %jit3A_59 : i32
      %sign3A_61 = arith.constant 0 : i32
      %sign3A_62 = arith.cmpi sgt, %scan3A_58, %sign3A_61 : i32
      %sign3A_63 = arith.extui %sign3A_62 : i1 to i32
      %sign3A_64 = arith.constant 0 : i32
      %sign3A_65 = arith.cmpi slt, %scan3A_58, %sign3A_64 : i32
      %sign3A_66 = arith.extui %sign3A_65 : i1 to i32
      %sign3A_67 = arith.subi %sign3A_63, %sign3A_66 : i32
      %sign3A_68 = arith.constant 0 : i32
      %sign3A_69 = arith.cmpi sgt, %jit3A_59, %sign3A_68 : i32
      %sign3A_70 = arith.extui %sign3A_69 : i1 to i32
      %sign3A_71 = arith.constant 0 : i32
      %sign3A_72 = arith.cmpi slt, %jit3A_59, %sign3A_71 : i32
      %sign3A_73 = arith.extui %sign3A_72 : i1 to i32
      %sign3A_74 = arith.subi %sign3A_70, %sign3A_73 : i32
      %ne3A_75 = arith.cmpi ne, %sign3A_67, %sign3A_74 : i32
      %rem3A_76 = arith.remsi %scan3A_58, %jit3A_59 : i32
      %ne3A_77 = arith.constant 0 : i32
      %ne3A_78 = arith.cmpi ne, %rem3A_76, %ne3A_77 : i32
      %and3A_79 = arith.andi %ne3A_75, %ne3A_78 : i1
      %sub3A_80 = arith.constant 1 : i32
      %sub3A_81 = arith.subi %div3A_60, %sub3A_80 : i32
      %select_n3A_82 = arith.select %and3A_79, %sub3A_81, %div3A_60 : i32
      %jit3A_83 = arith.constant 8 : i32
      %eq3A_84 = arith.constant 0 : i32
      %eq3A_85 = arith.cmpi eq, %jit3A_83, %eq3A_84 : i32
      %jit3A_86 = arith.constant 1 : i32
      %select_n3A_87 = arith.select %eq3A_85, %jit3A_86, %jit3A_83 : i32
      %rem3A_88 = arith.remsi %scan3A_58, %select_n3A_87 : i32
      %ne3A_89 = arith.constant 0 : i32
      %ne3A_90 = arith.cmpi ne, %rem3A_88, %ne3A_89 : i32
      %lt3A_91 = arith.constant 0 : i32
      %lt3A_92 = arith.cmpi slt, %rem3A_88, %lt3A_91 : i32
      %lt3A_93 = arith.constant 0 : i32
      %lt3A_94 = arith.cmpi slt, %select_n3A_87, %lt3A_93 : i32
      %ne3A_95 = arith.xori %lt3A_92, %lt3A_94 : i1
      %and3A_96 = arith.andi %ne3A_95, %ne3A_90 : i1
      %add3A_97 = arith.addi %rem3A_88, %select_n3A_87 : i32
      %select_n3A_98 = arith.select %and3A_96, %add3A_97, %rem3A_88 : i32
      %mul3A_99 = arith.constant 16 : i32
      %mul3A_100 = arith.muli %select_n3A_98, %mul3A_99 : i32
      %broadcast_in_dim3A = arith.constant 0.000000e+00 : f32
      %broadcast_in_dim3A_101 = vector.broadcast %broadcast_in_dim3A : f32 to vector<16xf32>
      %swap3A = arith.index_cast %select_n3A_82 : i32 to index
      %swap3A_102 = arith.index_cast %mul3A_100 : i32 to index
      %swap3A_103 = tpu.vector_load %arg10[%swap3A, %swap3A_102] {strides = array<i32>} : memref<8x128xf32, #tpu.memory_space<vmem>>, vector<1x16xf32>,
      %swap3A_104 = vector.shape_cast %swap3A_103 : vector<1x16xf32> to vector<16xf32>
      %swap3A_105 = vector.shape_cast %broadcast_in_dim3A_101 : vector<16xf32> to vector<1x16xf32>
      tpu.vector_store %arg10[%swap3A, %swap3A_102], %swap3A_105 {strides = array<i32>} : memref<8x128xf32, #tpu.memory_space<vmem>>, vector<1x16xf32>,
    }
    %scan3A_5 = arith.constant 64 : i32
    %mul3A_6 = arith.constant 632 : i32
    %mul3A_7 = arith.muli %arg1, %mul3A_6 : i32
    %eq3A = arith.constant 15 : i32
    %eq3A_8 = arith.cmpi eq, %arg1, %eq3A : i32
    %jit3A = arith.constant 520 : i32
    %jit3A_9 = arith.constant 632 : i32
    %select_n3A = arith.select %eq3A_8, %jit3A, %jit3A_9 : i32
    %jit3A_10 = arith.constant 8 : i32
    %div3A = arith.divsi %select_n3A, %jit3A_10 : i32
    %sign3A = arith.constant 0 : i32
    %sign3A_11 = arith.cmpi sgt, %select_n3A, %sign3A : i32
    %sign3A_12 = arith.extui %sign3A_11 : i1 to i32
    %sign3A_13 = arith.constant 0 : i32
    %sign3A_14 = arith.cmpi slt, %select_n3A, %sign3A_13 : i32
    %sign3A_15 = arith.extui %sign3A_14 : i1 to i32
    %sign3A_16 = arith.subi %sign3A_12, %sign3A_15 : i32
    %sign3A_17 = arith.constant 0 : i32
    %sign3A_18 = arith.cmpi sgt, %jit3A_10, %sign3A_17 : i32
    %sign3A_19 = arith.extui %sign3A_18 : i1 to i32
    %sign3A_20 = arith.constant 0 : i32
    %sign3A_21 = arith.cmpi slt, %jit3A_10, %sign3A_20 : i32
    %sign3A_22 = arith.extui %sign3A_21 : i1 to i32
    %sign3A_23 = arith.subi %sign3A_19, %sign3A_22 : i32
    %ne3A = arith.cmpi ne, %sign3A_16, %sign3A_23 : i32
    %rem3A = arith.remsi %select_n3A, %jit3A_10 : i32
    %ne3A_24 = arith.constant 0 : i32
    %ne3A_25 = arith.cmpi ne, %rem3A, %ne3A_24 : i32
    %and3A = arith.andi %ne3A, %ne3A_25 : i1
    %sub3A = arith.constant 1 : i32
    %sub3A_26 = arith.subi %div3A, %sub3A : i32
    %select_n3A_27 = arith.select %and3A, %sub3A_26, %div3A : i32
    %while3A = arith.constant 0 : i32
    %while3A_28 = arith.constant 0 : i32
    %while3A_29 = arith.subi %select_n3A_27, %while3A_28 : i32
    %while3A_30 = arith.addi %while3A_28, %while3A_29 : i32
    %while3A_31 = arith.constant 1 : i32
    %while3A_32 = arith.divsi %while3A_29, %while3A_31 : i32
    %while3A_33 = arith.muli %while3A_32, %while3A_31 : i32
    %while3A_34 = arith.addi %while3A_28, %while3A_33 : i32
    %while3A_35 = arith.constant 1 : i32
    scf.for %while3A_58 = %while3A_28 to %while3A_34 step %while3A_35  : i32 {
      %mul3A_59 = arith.constant 8 : i32
      %mul3A_60 = arith.muli %while3A_58, %mul3A_59 : i32
      %add3A_61 = arith.addi %mul3A_7, %mul3A_60 : i32
      "tpu.region"() ({
        %run_scoped3A = tpu.sem_alloc : memref<!tpu.dma_semaphore, #tpu.memory_space<semaphore_mem>>
        %dma_start3A = arith.constant 0 : i32
        %dma_start3A_62 = tpu.memref_slice %arg11[%add3A_61, %dma_start3A] : memref<10000x128xf32, #tpu.memory_space<vmem_shared>> -> memref<8x128xf32, #tpu.memory_space<vmem_shared>>
        %dma_start3A_63 = arith.constant 0 : i32
        %dma_start3A_64 = tpu.memref_slice %arg11[%add3A_61, %dma_start3A_63] : memref<10000x128xf32, #tpu.memory_space<vmem_shared>> -> memref<8x128xf32, #tpu.memory_space<vmem_shared>>
        tpu.enqueue_dma source(%arg10 : memref<8x128xf32, #tpu.memory_space<vmem>>) target(%dma_start3A_64 : memref<8x128xf32, #tpu.memory_space<vmem_shared>>) target_semaphore(%run_scoped3A : memref<!tpu.dma_semaphore, #tpu.memory_space<semaphore_mem>>)
        %dma_wait3A = arith.constant 0 : i32
        %dma_wait3A_65 = tpu.memref_slice %arg11[%add3A_61, %dma_wait3A] : memref<10000x128xf32, #tpu.memory_space<vmem_shared>> -> memref<8x128xf32, #tpu.memory_space<vmem_shared>>
        %dma_wait3A_66 = arith.constant 0 : i32
        %dma_wait3A_67 = tpu.memref_slice %arg11[%add3A_61, %dma_wait3A_66] : memref<10000x128xf32, #tpu.memory_space<vmem_shared>> -> memref<8x128xf32, #tpu.memory_space<vmem_shared>>
        tpu.wait_dma2 semaphore(%run_scoped3A : memref<!tpu.dma_semaphore, #tpu.memory_space<semaphore_mem>>) src(%arg10 : memref<8x128xf32, #tpu.memory_space<vmem>>) dst(%dma_wait3A_67 : memref<8x128xf32, #tpu.memory_space<vmem_shared>>)
        tpu.yield
      }) : () -> ()
    }
    %while3A_36 = arith.constant 1 : i32
    scf.for %while3A_58 = %while3A_34 to %while3A_30 step %while3A_36  : i32 {
      %mul3A_59 = arith.constant 8 : i32
      %mul3A_60 = arith.muli %while3A_58, %mul3A_59 : i32
      %add3A_61 = arith.addi %mul3A_7, %mul3A_60 : i32
      "tpu.region"() ({
        %run_scoped3A = tpu.sem_alloc : memref<!tpu.dma_semaphore, #tpu.memory_space<semaphore_mem>>
        %dma_start3A = arith.constant 0 : i32
        %dma_start3A_62 = tpu.memref_slice %arg11[%add3A_61, %dma_start3A] : memref<10000x128xf32, #tpu.memory_space<vmem_shared>> -> memref<8x128xf32, #tpu.memory_space<vmem_shared>>
        %dma_start3A_63 = arith.constant 0 : i32
        %dma_start3A_64 = tpu.memref_slice %arg11[%add3A_61, %dma_start3A_63] : memref<10000x128xf32, #tpu.memory_space<vmem_shared>> -> memref<8x128xf32, #tpu.memory_space<vmem_shared>>
        tpu.enqueue_dma source(%arg10 : memref<8x128xf32, #tpu.memory_space<vmem>>) target(%dma_start3A_64 : memref<8x128xf32, #tpu.memory_space<vmem_shared>>) target_semaphore(%run_scoped3A : memref<!tpu.dma_semaphore, #tpu.memory_space<semaphore_mem>>)
        %dma_wait3A = arith.constant 0 : i32
        %dma_wait3A_65 = tpu.memref_slice %arg11[%add3A_61, %dma_wait3A] : memref<10000x128xf32, #tpu.memory_space<vmem_shared>> -> memref<8x128xf32, #tpu.memory_space<vmem_shared>>
        %dma_wait3A_66 = arith.constant 0 : i32
        %dma_wait3A_67 = tpu.memref_slice %arg11[%add3A_61, %dma_wait3A_66] : memref<10000x128xf32, #tpu.memory_space<vmem_shared>> -> memref<8x128xf32, #tpu.memory_space<vmem_shared>>
        tpu.wait_dma2 semaphore(%run_scoped3A : memref<!tpu.dma_semaphore, #tpu.memory_space<semaphore_mem>>) src(%arg10 : memref<8x128xf32, #tpu.memory_space<vmem>>) dst(%dma_wait3A_67 : memref<8x128xf32, #tpu.memory_space<vmem_shared>>)
        tpu.yield
      }) : () -> ()
    }
    %barrier3A = arith.constant 0 : index
    tpu.barrier barrier_id(%barrier3A)
    %add3A_37 = arith.constant 0 : i32
    %add3A_38 = arith.addi %add3A_37, %add3A : i32
    %lt3A = arith.constant 1250 : i32
    %lt3A_39 = arith.cmpi slt, %add3A_38, %lt3A : i32
    %convert_element_type3A = arith.extui %lt3A_39 : i1 to i32
    %cond3A = arith.constant 0 : i32
    %cond3A_40 = arith.cmpi ne, %convert_element_type3A, %cond3A : i32
    scf.if %cond3A_40 {
      %mul3A_58 = arith.constant 128 : i32
      %mul3A_59 = arith.muli %add3A_38, %mul3A_58 : i32
      %run_scoped3A = arith.constant 0 : i32
      "tpu.region"() ({
        %run_scoped3A_74 = tpu.sem_alloc : memref<!tpu.dma_semaphore, #tpu.memory_space<semaphore_mem>>
        %dma_start3A_75 = arith.constant 0 : i32
        %dma_start3A_76 = tpu.memref_slice %arg6[%run_scoped3A, %dma_start3A_75] : memref<2x128xi32, #tpu.memory_space<vmem>> -> memref<1x128xi32, #tpu.memory_space<vmem>>
        %dma_start3A_77 = tpu.memref_squeeze %dma_start3A_76 : memref<1x128xi32, #tpu.memory_space<vmem>> -> memref<128xi32, #tpu.memory_space<vmem>>
        %dma_start3A_78 = tpu.memref_slice %arg4[%mul3A_59] : memref<320000xi32, #tpu.memory_space<hbm>> -> memref<128xi32, #tpu.memory_space<hbm>>
        %dma_start3A_79 = arith.constant 0 : i32
        %dma_start3A_80 = tpu.memref_slice %arg6[%run_scoped3A, %dma_start3A_79] : memref<2x128xi32, #tpu.memory_space<vmem>> -> memref<1x128xi32, #tpu.memory_space<vmem>>
        %dma_start3A_81 = tpu.memref_squeeze %dma_start3A_80 : memref<1x128xi32, #tpu.memory_space<vmem>> -> memref<128xi32, #tpu.memory_space<vmem>>
        %dma_start3A_82 = tpu.memref_slice %arg4[%mul3A_59] : memref<320000xi32, #tpu.memory_space<hbm>> -> memref<128xi32, #tpu.memory_space<hbm>>
        tpu.enqueue_dma source(%dma_start3A_82 : memref<128xi32, #tpu.memory_space<hbm>>) target(%dma_start3A_81 : memref<128xi32, #tpu.memory_space<vmem>>) target_semaphore(%run_scoped3A_74 : memref<!tpu.dma_semaphore, #tpu.memory_space<semaphore_mem>>)
        %dma_wait3A = arith.constant 0 : i32
        %dma_wait3A_83 = tpu.memref_slice %arg6[%run_scoped3A, %dma_wait3A] : memref<2x128xi32, #tpu.memory_space<vmem>> -> memref<1x128xi32, #tpu.memory_space<vmem>>
        %dma_wait3A_84 = tpu.memref_squeeze %dma_wait3A_83 : memref<1x128xi32, #tpu.memory_space<vmem>> -> memref<128xi32, #tpu.memory_space<vmem>>
        %dma_wait3A_85 = tpu.memref_slice %arg4[%mul3A_59] : memref<320000xi32, #tpu.memory_space<hbm>> -> memref<128xi32, #tpu.memory_space<hbm>>
        %dma_wait3A_86 = arith.constant 0 : i32
        %dma_wait3A_87 = tpu.memref_slice %arg6[%run_scoped3A, %dma_wait3A_86] : memref<2x128xi32, #tpu.memory_space<vmem>> -> memref<1x128xi32, #tpu.memory_space<vmem>>
        %dma_wait3A_88 = tpu.memref_squeeze %dma_wait3A_87 : memref<1x128xi32, #tpu.memory_space<vmem>> -> memref<128xi32, #tpu.memory_space<vmem>>
        %dma_wait3A_89 = tpu.memref_slice %arg4[%mul3A_59] : memref<320000xi32, #tpu.memory_space<hbm>> -> memref<128xi32, #tpu.memory_space<hbm>>
        tpu.wait_dma2 semaphore(%run_scoped3A_74 : memref<!tpu.dma_semaphore, #tpu.memory_space<semaphore_mem>>) src(%dma_wait3A_89 : memref<128xi32, #tpu.memory_space<hbm>>) dst(%dma_wait3A_88 : memref<128xi32, #tpu.memory_space<vmem>>)
        tpu.yield
      }) : () -> ()
      %add3A_60 = arith.constant 160000 : i32
      %add3A_61 = arith.addi %add3A_60, %mul3A_59 : i32
      %run_scoped3A_62 = arith.constant 0 : i32
      "tpu.region"() ({
        %run_scoped3A_74 = tpu.sem_alloc : memref<!tpu.dma_semaphore, #tpu.memory_space<semaphore_mem>>
        %dma_start3A_75 = arith.constant 0 : i32
        %dma_start3A_76 = tpu.memref_slice %arg7[%run_scoped3A_62, %dma_start3A_75] : memref<2x128xi32, #tpu.memory_space<vmem>> -> memref<1x128xi32, #tpu.memory_space<vmem>>
        %dma_start3A_77 = tpu.memref_squeeze %dma_start3A_76 : memref<1x128xi32, #tpu.memory_space<vmem>> -> memref<128xi32, #tpu.memory_space<vmem>>
        %dma_start3A_78 = tpu.memref_slice %arg4[%add3A_61] : memref<320000xi32, #tpu.memory_space<hbm>> -> memref<128xi32, #tpu.memory_space<hbm>>
        %dma_start3A_79 = arith.constant 0 : i32
        %dma_start3A_80 = tpu.memref_slice %arg7[%run_scoped3A_62, %dma_start3A_79] : memref<2x128xi32, #tpu.memory_space<vmem>> -> memref<1x128xi32, #tpu.memory_space<vmem>>
        %dma_start3A_81 = tpu.memref_squeeze %dma_start3A_80 : memref<1x128xi32, #tpu.memory_space<vmem>> -> memref<128xi32, #tpu.memory_space<vmem>>
        %dma_start3A_82 = tpu.memref_slice %arg4[%add3A_61] : memref<320000xi32, #tpu.memory_space<hbm>> -> memref<128xi32, #tpu.memory_space<hbm>>
        tpu.enqueue_dma source(%dma_start3A_82 : memref<128xi32, #tpu.memory_space<hbm>>) target(%dma_start3A_81 : memref<128xi32, #tpu.memory_space<vmem>>) target_semaphore(%run_scoped3A_74 : memref<!tpu.dma_semaphore, #tpu.memory_space<semaphore_mem>>)
        %dma_wait3A = arith.constant 0 : i32
        %dma_wait3A_83 = tpu.memref_slice %arg7[%run_scoped3A_62, %dma_wait3A] : memref<2x128xi32, #tpu.memory_space<vmem>> -> memref<1x128xi32, #tpu.memory_space<vmem>>
        %dma_wait3A_84 = tpu.memref_squeeze %dma_wait3A_83 : memref<1x128xi32, #tpu.memory_space<vmem>> -> memref<128xi32, #tpu.memory_space<vmem>>
        %dma_wait3A_85 = tpu.memref_slice %arg4[%add3A_61] : memref<320000xi32, #tpu.memory_space<hbm>> -> memref<128xi32, #tpu.memory_space<hbm>>
        %dma_wait3A_86 = arith.constant 0 : i32
        %dma_wait3A_87 = tpu.memref_slice %arg7[%run_scoped3A_62, %dma_wait3A_86] : memref<2x128xi32, #tpu.memory_space<vmem>> -> memref<1x128xi32, #tpu.memory_space<vmem>>
        %dma_wait3A_88 = tpu.memref_squeeze %dma_wait3A_87 : memref<1x128xi32, #tpu.memory_space<vmem>> -> memref<128xi32, #tpu.memory_space<vmem>>
        %dma_wait3A_89 = tpu.memref_slice %arg4[%add3A_61] : memref<320000xi32, #tpu.memory_space<hbm>> -> memref<128xi32, #tpu.memory_space<hbm>>
        tpu.wait_dma2 semaphore(%run_scoped3A_74 : memref<!tpu.dma_semaphore, #tpu.memory_space<semaphore_mem>>) src(%dma_wait3A_89 : memref<128xi32, #tpu.memory_space<hbm>>) dst(%dma_wait3A_88 : memref<128xi32, #tpu.memory_space<vmem>>)
        tpu.yield
      }) : () -> ()
      %dma_start3A = arith.constant 0 : i32
      %dma_start3A_63 = arith.constant 0 : i32
      %dma_start3A_64 = arith.constant 0 : i32
      %dma_start3A_65 = arith.constant 0 : i32
      %dma_start3A_66 = tpu.memref_slice %arg8[%dma_start3A_63, %dma_start3A_64, %dma_start3A_65] : memref<2x128x128xf32, #tpu.memory_space<vmem>> -> memref<1x128x128xf32, #tpu.memory_space<vmem>>
      %dma_start3A_67 = tpu.memref_squeeze %dma_start3A_66 : memref<1x128x128xf32, #tpu.memory_space<vmem>> -> memref<128x128xf32, #tpu.memory_space<vmem>>
      %dma_start3A_68 = arith.constant 0 : i32
      %dma_start3A_69 = tpu.memref_slice %arg6[%dma_start3A, %dma_start3A_68] : memref<2x128xi32, #tpu.memory_space<vmem>> -> memref<1x128xi32, #tpu.memory_space<vmem>>
      %dma_start3A_70 = tpu.memref_squeeze %dma_start3A_69 : memref<1x128xi32, #tpu.memory_space<vmem>> -> memref<128xi32, #tpu.memory_space<vmem>>
      %dma_start3A_71 = arith.constant 0 : i32
      %dma_start3A_72 = arith.constant 0 : i32
      %dma_start3A_73 = tpu.memref_slice %arg2[%dma_start3A_71, %dma_start3A_72] : memref<10000x128xf32, #tpu.memory_space<hbm>> -> memref<10000x128xf32, #tpu.memory_space<hbm>>
      tpu.enqueue_indirect_dma source(%dma_start3A_73 : memref<10000x128xf32, #tpu.memory_space<hbm>>) target(%dma_start3A_67 : memref<128x128xf32, #tpu.memory_space<vmem>>) offsets(%dma_start3A_70 : memref<128xi32, #tpu.memory_space<vmem>>) semaphore(%arg12 : memref<!tpu.dma_semaphore, #tpu.memory_space<semaphore_mem>>)
    } else {
    }
    %scan3A_41 = arith.constant 0 : i32
    %scan3A_42 = arith.constant 0 : i32
    %scan3A_43 = arith.constant 20 : i32
    %scan3A_44 = arith.addi %scan3A_42, %scan3A_43 : i32
    %scan3A_45 = arith.constant 1 : i32
    scf.for %scan3A_58 = %scan3A_42 to %scan3A_44 step %scan3A_45  : i32 {
      %mul3A_59 = arith.constant 2 : i32
      %mul3A_60 = arith.muli %scan3A_58, %mul3A_59 : i32
      %add3A_61 = arith.constant 0 : i32
      %add3A_62 = arith.addi %mul3A_60, %add3A_61 : i32
      %mul3A_63 = arith.constant 32 : i32
      %mul3A_64 = arith.muli %add3A_62, %mul3A_63 : i32
      %add3A_65 = arith.addi %mul3A_64, %add3A : i32
      %lt3A_66 = arith.constant 1250 : i32
      %lt3A_67 = arith.cmpi slt, %add3A_65, %lt3A_66 : i32
      %convert_element_type3A_68 = arith.extui %lt3A_67 : i1 to i32
      %cond3A_69 = arith.constant 0 : i32
      %cond3A_70 = arith.cmpi ne, %convert_element_type3A_68, %cond3A_69 : i32
      scf.if %cond3A_70 {
        %dma_wait3A = arith.constant 0 : i32
        %dma_wait3A_83 = arith.constant 0 : i32
        %dma_wait3A_84 = arith.constant 0 : i32
        %dma_wait3A_85 = tpu.memref_slice %arg8[%dma_wait3A, %dma_wait3A_83, %dma_wait3A_84] : memref<2x128x128xf32, #tpu.memory_space<vmem>> -> memref<1x128x128xf32, #tpu.memory_space<vmem>>
        %dma_wait3A_86 = tpu.memref_squeeze %dma_wait3A_85 : memref<1x128x128xf32, #tpu.memory_space<vmem>> -> memref<128x128xf32, #tpu.memory_space<vmem>>
        %dma_wait3A_87 = arith.constant 0 : i32
        %dma_wait3A_88 = arith.constant 0 : i32
        %dma_wait3A_89 = tpu.memref_slice %arg2[%dma_wait3A_87, %dma_wait3A_88] : memref<10000x128xf32, #tpu.memory_space<hbm>> -> memref<128x128xf32, #tpu.memory_space<hbm>>
        %dma_wait3A_90 = arith.constant 0 : i32
        %dma_wait3A_91 = arith.constant 0 : i32
        %dma_wait3A_92 = tpu.memref_slice %arg8[%dma_wait3A, %dma_wait3A_90, %dma_wait3A_91] : memref<2x128x128xf32, #tpu.memory_space<vmem>> -> memref<1x128x128xf32, #tpu.memory_space<vmem>>
        %dma_wait3A_93 = tpu.memref_squeeze %dma_wait3A_92 : memref<1x128x128xf32, #tpu.memory_space<vmem>> -> memref<128x128xf32, #tpu.memory_space<vmem>>
        %dma_wait3A_94 = arith.constant 0 : i32
        %dma_wait3A_95 = arith.constant 0 : i32
        %dma_wait3A_96 = tpu.memref_slice %arg2[%dma_wait3A_94, %dma_wait3A_95] : memref<10000x128xf32, #tpu.memory_space<hbm>> -> memref<128x128xf32, #tpu.memory_space<hbm>>
        tpu.wait_dma2 semaphore(%arg12 : memref<!tpu.dma_semaphore, #tpu.memory_space<semaphore_mem>>) src(%dma_wait3A_96 : memref<128x128xf32, #tpu.memory_space<hbm>>) dst(%dma_wait3A_93 : memref<128x128xf32, #tpu.memory_space<vmem>>)
        %add3A_97 = arith.constant 1 : i32
        %add3A_98 = arith.addi %add3A_62, %add3A_97 : i32
        %mul3A_99 = arith.constant 32 : i32
        %mul3A_100 = arith.muli %add3A_98, %mul3A_99 : i32
        %add3A_101 = arith.addi %mul3A_100, %add3A : i32
        %lt3A_102 = arith.constant 1250 : i32
        %lt3A_103 = arith.cmpi slt, %add3A_101, %lt3A_102 : i32
        %convert_element_type3A_104 = arith.extui %lt3A_103 : i1 to i32
        %cond3A_105 = arith.constant 0 : i32
        %cond3A_106 = arith.cmpi ne, %convert_element_type3A_104, %cond3A_105 : i32
        scf.if %cond3A_106 {
          %mul3A_117 = arith.constant 128 : i32
          %mul3A_118 = arith.muli %add3A_101, %mul3A_117 : i32
          %run_scoped3A_119 = arith.constant 1 : i32
          "tpu.region"() ({
            %run_scoped3A_134 = tpu.sem_alloc : memref<!tpu.dma_semaphore, #tpu.memory_space<semaphore_mem>>
            %dma_start3A_135 = arith.constant 0 : i32
            %dma_start3A_136 = tpu.memref_slice %arg6[%run_scoped3A_119, %dma_start3A_135] : memref<2x128xi32, #tpu.memory_space<vmem>> -> memref<1x128xi32, #tpu.memory_space<vmem>>
            %dma_start3A_137 = tpu.memref_squeeze %dma_start3A_136 : memref<1x128xi32, #tpu.memory_space<vmem>> -> memref<128xi32, #tpu.memory_space<vmem>>
            %dma_start3A_138 = tpu.memref_slice %arg4[%mul3A_118] : memref<320000xi32, #tpu.memory_space<hbm>> -> memref<128xi32, #tpu.memory_space<hbm>>
            %dma_start3A_139 = arith.constant 0 : i32
            %dma_start3A_140 = tpu.memref_slice %arg6[%run_scoped3A_119, %dma_start3A_139] : memref<2x128xi32, #tpu.memory_space<vmem>> -> memref<1x128xi32, #tpu.memory_space<vmem>>
            %dma_start3A_141 = tpu.memref_squeeze %dma_start3A_140 : memref<1x128xi32, #tpu.memory_space<vmem>> -> memref<128xi32, #tpu.memory_space<vmem>>
            %dma_start3A_142 = tpu.memref_slice %arg4[%mul3A_118] : memref<320000xi32, #tpu.memory_space<hbm>> -> memref<128xi32, #tpu.memory_space<hbm>>
            tpu.enqueue_dma source(%dma_start3A_142 : memref<128xi32, #tpu.memory_space<hbm>>) target(%dma_start3A_141 : memref<128xi32, #tpu.memory_space<vmem>>) target_semaphore(%run_scoped3A_134 : memref<!tpu.dma_semaphore, #tpu.memory_space<semaphore_mem>>)
            %dma_wait3A_143 = arith.constant 0 : i32
            %dma_wait3A_144 = tpu.memref_slice %arg6[%run_scoped3A_119, %dma_wait3A_143] : memref<2x128xi32, #tpu.memory_space<vmem>> -> memref<1x128xi32, #tpu.memory_space<vmem>>
            %dma_wait3A_145 = tpu.memref_squeeze %dma_wait3A_144 : memref<1x128xi32, #tpu.memory_space<vmem>> -> memref<128xi32, #tpu.memory_space<vmem>>
            %dma_wait3A_146 = tpu.memref_slice %arg4[%mul3A_118] : memref<320000xi32, #tpu.memory_space<hbm>> -> memref<128xi32, #tpu.memory_space<hbm>>
            %dma_wait3A_147 = arith.constant 0 : i32
            %dma_wait3A_148 = tpu.memref_slice %arg6[%run_scoped3A_119, %dma_wait3A_147] : memref<2x128xi32, #tpu.memory_space<vmem>> -> memref<1x128xi32, #tpu.memory_space<vmem>>
            %dma_wait3A_149 = tpu.memref_squeeze %dma_wait3A_148 : memref<1x128xi32, #tpu.memory_space<vmem>> -> memref<128xi32, #tpu.memory_space<vmem>>
            %dma_wait3A_150 = tpu.memref_slice %arg4[%mul3A_118] : memref<320000xi32, #tpu.memory_space<hbm>> -> memref<128xi32, #tpu.memory_space<hbm>>
            tpu.wait_dma2 semaphore(%run_scoped3A_134 : memref<!tpu.dma_semaphore, #tpu.memory_space<semaphore_mem>>) src(%dma_wait3A_150 : memref<128xi32, #tpu.memory_space<hbm>>) dst(%dma_wait3A_149 : memref<128xi32, #tpu.memory_space<vmem>>)
            tpu.yield
          }) : () -> ()
          %add3A_120 = arith.constant 160000 : i32
          %add3A_121 = arith.addi %add3A_120, %mul3A_118 : i32
          %run_scoped3A_122 = arith.constant 1 : i32
          "tpu.region"() ({
            %run_scoped3A_134 = tpu.sem_alloc : memref<!tpu.dma_semaphore, #tpu.memory_space<semaphore_mem>>
            %dma_start3A_135 = arith.constant 0 : i32
            %dma_start3A_136 = tpu.memref_slice %arg7[%run_scoped3A_122, %dma_start3A_135] : memref<2x128xi32, #tpu.memory_space<vmem>> -> memref<1x128xi32, #tpu.memory_space<vmem>>
            %dma_start3A_137 = tpu.memref_squeeze %dma_start3A_136 : memref<1x128xi32, #tpu.memory_space<vmem>> -> memref<128xi32, #tpu.memory_space<vmem>>
            %dma_start3A_138 = tpu.memref_slice %arg4[%add3A_121] : memref<320000xi32, #tpu.memory_space<hbm>> -> memref<128xi32, #tpu.memory_space<hbm>>
            %dma_start3A_139 = arith.constant 0 : i32
            %dma_start3A_140 = tpu.memref_slice %arg7[%run_scoped3A_122, %dma_start3A_139] : memref<2x128xi32, #tpu.memory_space<vmem>> -> memref<1x128xi32, #tpu.memory_space<vmem>>
            %dma_start3A_141 = tpu.memref_squeeze %dma_start3A_140 : memref<1x128xi32, #tpu.memory_space<vmem>> -> memref<128xi32, #tpu.memory_space<vmem>>
            %dma_start3A_142 = tpu.memref_slice %arg4[%add3A_121] : memref<320000xi32, #tpu.memory_space<hbm>> -> memref<128xi32, #tpu.memory_space<hbm>>
            tpu.enqueue_dma source(%dma_start3A_142 : memref<128xi32, #tpu.memory_space<hbm>>) target(%dma_start3A_141 : memref<128xi32, #tpu.memory_space<vmem>>) target_semaphore(%run_scoped3A_134 : memref<!tpu.dma_semaphore, #tpu.memory_space<semaphore_mem>>)
            %dma_wait3A_143 = arith.constant 0 : i32
            %dma_wait3A_144 = tpu.memref_slice %arg7[%run_scoped3A_122, %dma_wait3A_143] : memref<2x128xi32, #tpu.memory_space<vmem>> -> memref<1x128xi32, #tpu.memory_space<vmem>>
            %dma_wait3A_145 = tpu.memref_squeeze %dma_wait3A_144 : memref<1x128xi32, #tpu.memory_space<vmem>> -> memref<128xi32, #tpu.memory_space<vmem>>
            %dma_wait3A_146 = tpu.memref_slice %arg4[%add3A_121] : memref<320000xi32, #tpu.memory_space<hbm>> -> memref<128xi32, #tpu.memory_space<hbm>>
            %dma_wait3A_147 = arith.constant 0 : i32
            %dma_wait3A_148 = tpu.memref_slice %arg7[%run_scoped3A_122, %dma_wait3A_147] : memref<2x128xi32, #tpu.memory_space<vmem>> -> memref<1x128xi32, #tpu.memory_space<vmem>>
            %dma_wait3A_149 = tpu.memref_squeeze %dma_wait3A_148 : memref<1x128xi32, #tpu.memory_space<vmem>> -> memref<128xi32, #tpu.memory_space<vmem>>
            %dma_wait3A_150 = tpu.memref_slice %arg4[%add3A_121] : memref<320000xi32, #tpu.memory_space<hbm>> -> memref<128xi32, #tpu.memory_space<hbm>>
            tpu.wait_dma2 semaphore(%run_scoped3A_134 : memref<!tpu.dma_semaphore, #tpu.memory_space<semaphore_mem>>) src(%dma_wait3A_150 : memref<128xi32, #tpu.memory_space<hbm>>) dst(%dma_wait3A_149 : memref<128xi32, #tpu.memory_space<vmem>>)
            tpu.yield
          }) : () -> ()
          %dma_start3A = arith.constant 1 : i32
          %dma_start3A_123 = arith.constant 1 : i32
          %dma_start3A_124 = arith.constant 0 : i32
          %dma_start3A_125 = arith.constant 0 : i32
          %dma_start3A_126 = tpu.memref_slice %arg8[%dma_start3A_123, %dma_start3A_124, %dma_start3A_125] : memref<2x128x128xf32, #tpu.memory_space<vmem>> -> memref<1x128x128xf32, #tpu.memory_space<vmem>>
          %dma_start3A_127 = tpu.memref_squeeze %dma_start3A_126 : memref<1x128x128xf32, #tpu.memory_space<vmem>> -> memref<128x128xf32, #tpu.memory_space<vmem>>
          %dma_start3A_128 = arith.constant 0 : i32
          %dma_start3A_129 = tpu.memref_slice %arg6[%dma_start3A, %dma_start3A_128] : memref<2x128xi32, #tpu.memory_space<vmem>> -> memref<1x128xi32, #tpu.memory_space<vmem>>
          %dma_start3A_130 = tpu.memref_squeeze %dma_start3A_129 : memref<1x128xi32, #tpu.memory_space<vmem>> -> memref<128xi32, #tpu.memory_space<vmem>>
          %dma_start3A_131 = arith.constant 0 : i32
          %dma_start3A_132 = arith.constant 0 : i32
          %dma_start3A_133 = tpu.memref_slice %arg2[%dma_start3A_131, %dma_start3A_132] : memref<10000x128xf32, #tpu.memory_space<hbm>> -> memref<10000x128xf32, #tpu.memory_space<hbm>>
          tpu.enqueue_indirect_dma source(%dma_start3A_133 : memref<10000x128xf32, #tpu.memory_space<hbm>>) target(%dma_start3A_127 : memref<128x128xf32, #tpu.memory_space<vmem>>) offsets(%dma_start3A_130 : memref<128xi32, #tpu.memory_space<vmem>>) semaphore(%arg13 : memref<!tpu.dma_semaphore, #tpu.memory_space<semaphore_mem>>)
        } else {
        }
        %mul3A_107 = arith.constant 128 : i32
        %mul3A_108 = arith.muli %add3A_65, %mul3A_107 : i32
        "tpu.region"() ({
          %run_scoped3A_117 = tpu.sem_alloc : memref<!tpu.dma_semaphore, #tpu.memory_space<semaphore_mem>>
          %dma_start3A = arith.constant 0 : i32
          %dma_start3A_118 = tpu.memref_slice %arg3[%mul3A_108, %dma_start3A] : memref<160000x128xf32, #tpu.memory_space<hbm>> -> memref<128x128xf32, #tpu.memory_space<hbm>>
          %dma_start3A_119 = arith.constant 0 : i32
          %dma_start3A_120 = tpu.memref_slice %arg3[%mul3A_108, %dma_start3A_119] : memref<160000x128xf32, #tpu.memory_space<hbm>> -> memref<128x128xf32, #tpu.memory_space<hbm>>
          tpu.enqueue_dma source(%dma_start3A_120 : memref<128x128xf32, #tpu.memory_space<hbm>>) target(%arg9 : memref<128x128xf32, #tpu.memory_space<vmem>>) target_semaphore(%run_scoped3A_117 : memref<!tpu.dma_semaphore, #tpu.memory_space<semaphore_mem>>)
          %dma_wait3A_121 = arith.constant 0 : i32
          %dma_wait3A_122 = tpu.memref_slice %arg3[%mul3A_108, %dma_wait3A_121] : memref<160000x128xf32, #tpu.memory_space<hbm>> -> memref<128x128xf32, #tpu.memory_space<hbm>>
          %dma_wait3A_123 = arith.constant 0 : i32
          %dma_wait3A_124 = tpu.memref_slice %arg3[%mul3A_108, %dma_wait3A_123] : memref<160000x128xf32, #tpu.memory_space<hbm>> -> memref<128x128xf32, #tpu.memory_space<hbm>>
          tpu.wait_dma2 semaphore(%run_scoped3A_117 : memref<!tpu.dma_semaphore, #tpu.memory_space<semaphore_mem>>) src(%dma_wait3A_124 : memref<128x128xf32, #tpu.memory_space<hbm>>) dst(%arg9 : memref<128x128xf32, #tpu.memory_space<vmem>>)
          tpu.yield
        }) : () -> ()
        %scan3A_109 = arith.constant 0 : i32
        %scan3A_110 = arith.constant 0 : i32
        %scan3A_111 = arith.constant 0 : i32
        %scan3A_112 = arith.constant 32 : i32
        %scan3A_113 = arith.addi %scan3A_111, %scan3A_112 : i32
        %scan3A_114 = arith.constant 1 : i32
        scf.for %scan3A_117 = %scan3A_111 to %scan3A_113 step %scan3A_114  : i32 {
          %mul3A_118 = arith.constant 4 : i32
          %mul3A_119 = arith.muli %scan3A_117, %mul3A_118 : i32
          %add3A_120 = arith.constant 0 : i32
          %add3A_121 = arith.addi %mul3A_119, %add3A_120 : i32
          %get3A = arith.constant 0 : i32
          %get3A_122 = arith.constant 0 : i32
          %get3A_123 = tpu.memref_slice %arg8[%scan3A_110, %get3A, %get3A_122] : memref<2x128x128xf32, #tpu.memory_space<vmem>> -> memref<1x128x128xf32, #tpu.memory_space<vmem>>
          %get3A_124 = tpu.memref_squeeze %get3A_123 : memref<1x128x128xf32, #tpu.memory_space<vmem>> -> memref<128x128xf32, #tpu.memory_space<vmem>>
          %get3A_125 = arith.index_cast %add3A_121 : i32 to index
          %get3A_126 = arith.constant 0 : index
          %get3A_127 = tpu.vector_load %get3A_124[%get3A_125, %get3A_126] {strides = array<i32>} : memref<128x128xf32, #tpu.memory_space<vmem>>, vector<1x16xf32>,
          %get3A_128 = vector.shape_cast %get3A_127 : vector<1x16xf32> to vector<16xf32>
          %get3A_129 = arith.index_cast %add3A_121 : i32 to index
          %get3A_130 = arith.constant 0 : index
          %get3A_131 = tpu.vector_load %arg9[%get3A_129, %get3A_130] {strides = array<i32>} : memref<128x128xf32, #tpu.memory_space<vmem>>, vector<1x16xf32>,
          %get3A_132 = vector.shape_cast %get3A_131 : vector<1x16xf32> to vector<16xf32>
          %mul3A_133 = arith.mulf %get3A_128, %get3A_132 : vector<16xf32>
          %swap3A = arith.constant 0 : i32
          %swap3A_134 = arith.constant 0 : i32
          %swap3A_135 = tpu.memref_slice %arg8[%scan3A_110, %swap3A, %swap3A_134] : memref<2x128x128xf32, #tpu.memory_space<vmem>> -> memref<1x128x128xf32, #tpu.memory_space<vmem>>
          %swap3A_136 = tpu.memref_squeeze %swap3A_135 : memref<1x128x128xf32, #tpu.memory_space<vmem>> -> memref<128x128xf32, #tpu.memory_space<vmem>>
          %swap3A_137 = arith.index_cast %add3A_121 : i32 to index
          %swap3A_138 = arith.constant 0 : index
          %swap3A_139 = tpu.vector_load %swap3A_136[%swap3A_137, %swap3A_138] {strides = array<i32>} : memref<128x128xf32, #tpu.memory_space<vmem>>, vector<1x16xf32>,
          %swap3A_140 = vector.shape_cast %swap3A_139 : vector<1x16xf32> to vector<16xf32>
          %swap3A_141 = vector.shape_cast %mul3A_133 : vector<16xf32> to vector<1x16xf32>
          tpu.vector_store %swap3A_136[%swap3A_137, %swap3A_138], %swap3A_141 {strides = array<i32>} : memref<128x128xf32, #tpu.memory_space<vmem>>, vector<1x16xf32>,
          %get3A_142 = arith.constant 0 : i32
          %get3A_143 = arith.constant 0 : i32
          %get3A_144 = tpu.memref_slice %arg8[%scan3A_110, %get3A_142, %get3A_143] : memref<2x128x128xf32, #tpu.memory_space<vmem>> -> memref<1x128x128xf32, #tpu.memory_space<vmem>>
          %get3A_145 = tpu.memref_squeeze %get3A_144 : memref<1x128x128xf32, #tpu.memory_space<vmem>> -> memref<128x128xf32, #tpu.memory_space<vmem>>
          %get3A_146 = arith.index_cast %add3A_121 : i32 to index
          %get3A_147 = arith.constant 16 : index
          %get3A_148 = tpu.vector_load %get3A_145[%get3A_146, %get3A_147] {strides = array<i32>} : memref<128x128xf32, #tpu.memory_space<vmem>>, vector<1x16xf32>,
          %get3A_149 = vector.shape_cast %get3A_148 : vector<1x16xf32> to vector<16xf32>
          %get3A_150 = arith.index_cast %add3A_121 : i32 to index
          %get3A_151 = arith.constant 16 : index
          %get3A_152 = tpu.vector_load %arg9[%get3A_150, %get3A_151] {strides = array<i32>} : memref<128x128xf32, #tpu.memory_space<vmem>>, vector<1x16xf32>,
          %get3A_153 = vector.shape_cast %get3A_152 : vector<1x16xf32> to vector<16xf32>
          %mul3A_154 = arith.mulf %get3A_149, %get3A_153 : vector<16xf32>
          %swap3A_155 = arith.constant 0 : i32
          %swap3A_156 = arith.constant 0 : i32
          %swap3A_157 = tpu.memref_slice %arg8[%scan3A_110, %swap3A_155, %swap3A_156] : memref<2x128x128xf32, #tpu.memory_space<vmem>> -> memref<1x128x128xf32, #tpu.memory_space<vmem>>
          %swap3A_158 = tpu.memref_squeeze %swap3A_157 : memref<1x128x128xf32, #tpu.memory_space<vmem>> -> memref<128x128xf32, #tpu.memory_space<vmem>>
          %swap3A_159 = arith.index_cast %add3A_121 : i32 to index
          %swap3A_160 = arith.constant 16 : index
          %swap3A_161 = tpu.vector_load %swap3A_158[%swap3A_159, %swap3A_160] {strides = array<i32>} : memref<128x128xf32, #tpu.memory_space<vmem>>, vector<1x16xf32>,
          %swap3A_162 = vector.shape_cast %swap3A_161 : vector<1x16xf32> to vector<16xf32>
          %swap3A_163 = vector.shape_cast %mul3A_154 : vector<16xf32> to vector<1x16xf32>
          tpu.vector_store %swap3A_158[%swap3A_159, %swap3A_160], %swap3A_163 {strides = array<i32>} : memref<128x128xf32, #tpu.memory_space<vmem>>, vector<1x16xf32>,
          %get3A_164 = arith.constant 0 : i32
          %get3A_165 = arith.constant 0 : i32
          %get3A_166 = tpu.memref_slice %arg8[%scan3A_110, %get3A_164, %get3A_165] : memref<2x128x128xf32, #tpu.memory_space<vmem>> -> memref<1x128x128xf32, #tpu.memory_space<vmem>>
          %get3A_167 = tpu.memref_squeeze %get3A_166 : memref<1x128x128xf32, #tpu.memory_space<vmem>> -> memref<128x128xf32, #tpu.memory_space<vmem>>
          %get3A_168 = arith.index_cast %add3A_121 : i32 to index
          %get3A_169 = arith.constant 32 : index
          %get3A_170 = tpu.vector_load %get3A_167[%get3A_168, %get3A_169] {strides = array<i32>} : memref<128x128xf32, #tpu.memory_space<vmem>>, vector<1x16xf32>,
          %get3A_171 = vector.shape_cast %get3A_170 : vector<1x16xf32> to vector<16xf32>
          %get3A_172 = arith.index_cast %add3A_121 : i32 to index
          %get3A_173 = arith.constant 32 : index
          %get3A_174 = tpu.vector_load %arg9[%get3A_172, %get3A_173] {strides = array<i32>} : memref<128x128xf32, #tpu.memory_space<vmem>>, vector<1x16xf32>,
          %get3A_175 = vector.shape_cast %get3A_174 : vector<1x16xf32> to vector<16xf32>
          %mul3A_176 = arith.mulf %get3A_171, %get3A_175 : vector<16xf32>
          %swap3A_177 = arith.constant 0 : i32
          %swap3A_178 = arith.constant 0 : i32
          %swap3A_179 = tpu.memref_slice %arg8[%scan3A_110, %swap3A_177, %swap3A_178] : memref<2x128x128xf32, #tpu.memory_space<vmem>> -> memref<1x128x128xf32, #tpu.memory_space<vmem>>
          %swap3A_180 = tpu.memref_squeeze %swap3A_179 : memref<1x128x128xf32, #tpu.memory_space<vmem>> -> memref<128x128xf32, #tpu.memory_space<vmem>>
          %swap3A_181 = arith.index_cast %add3A_121 : i32 to index
          %swap3A_182 = arith.constant 32 : index
          %swap3A_183 = tpu.vector_load %swap3A_180[%swap3A_181, %swap3A_182] {strides = array<i32>} : memref<128x128xf32, #tpu.memory_space<vmem>>, vector<1x16xf32>,
          %swap3A_184 = vector.shape_cast %swap3A_183 : vector<1x16xf32> to vector<16xf32>
          %swap3A_185 = vector.shape_cast %mul3A_176 : vector<16xf32> to vector<1x16xf32>
          tpu.vector_store %swap3A_180[%swap3A_181, %swap3A_182], %swap3A_185 {strides = array<i32>} : memref<128x128xf32, #tpu.memory_space<vmem>>, vector<1x16xf32>,
          %get3A_186 = arith.constant 0 : i32
          %get3A_187 = arith.constant 0 : i32
          %get3A_188 = tpu.memref_slice %arg8[%scan3A_110, %get3A_186, %get3A_187] : memref<2x128x128xf32, #tpu.memory_space<vmem>> -> memref<1x128x128xf32, #tpu.memory_space<vmem>>
          %get3A_189 = tpu.memref_squeeze %get3A_188 : memref<1x128x128xf32, #tpu.memory_space<vmem>> -> memref<128x128xf32, #tpu.memory_space<vmem>>
          %get3A_190 = arith.index_cast %add3A_121 : i32 to index
          %get3A_191 = arith.constant 48 : index
          %get3A_192 = tpu.vector_load %get3A_189[%get3A_190, %get3A_191] {strides = array<i32>} : memref<128x128xf32, #tpu.memory_space<vmem>>, vector<1x16xf32>,
          %get3A_193 = vector.shape_cast %get3A_192 : vector<1x16xf32> to vector<16xf32>
          %get3A_194 = arith.index_cast %add3A_121 : i32 to index
          %get3A_195 = arith.constant 48 : index
          %get3A_196 = tpu.vector_load %arg9[%get3A_194, %get3A_195] {strides = array<i32>} : memref<128x128xf32, #tpu.memory_space<vmem>>, vector<1x16xf32>,
          %get3A_197 = vector.shape_cast %get3A_196 : vector<1x16xf32> to vector<16xf32>
          %mul3A_198 = arith.mulf %get3A_193, %get3A_197 : vector<16xf32>
          %swap3A_199 = arith.constant 0 : i32
          %swap3A_200 = arith.constant 0 : i32
          %swap3A_201 = tpu.memref_slice %arg8[%scan3A_110, %swap3A_199, %swap3A_200] : memref<2x128x128xf32, #tpu.memory_space<vmem>> -> memref<1x128x128xf32, #tpu.memory_space<vmem>>
          %swap3A_202 = tpu.memref_squeeze %swap3A_201 : memref<1x128x128xf32, #tpu.memory_space<vmem>> -> memref<128x128xf32, #tpu.memory_space<vmem>>
          %swap3A_203 = arith.index_cast %add3A_121 : i32 to index
          %swap3A_204 = arith.constant 48 : index
          %swap3A_205 = tpu.vector_load %swap3A_202[%swap3A_203, %swap3A_204] {strides = array<i32>} : memref<128x128xf32, #tpu.memory_space<vmem>>, vector<1x16xf32>,
          %swap3A_206 = vector.shape_cast %swap3A_205 : vector<1x16xf32> to vector<16xf32>
          %swap3A_207 = vector.shape_cast %mul3A_198 : vector<16xf32> to vector<1x16xf32>
          tpu.vector_store %swap3A_202[%swap3A_203, %swap3A_204], %swap3A_207 {strides = array<i32>} : memref<128x128xf32, #tpu.memory_space<vmem>>, vector<1x16xf32>,
          %get3A_208 = arith.constant 0 : i32
          %get3A_209 = arith.constant 0 : i32
          %get3A_210 = tpu.memref_slice %arg8[%scan3A_110, %get3A_208, %get3A_209] : memref<2x128x128xf32, #tpu.memory_space<vmem>> -> memref<1x128x128xf32, #tpu.memory_space<vmem>>
          %get3A_211 = tpu.memref_squeeze %get3A_210 : memref<1x128x128xf32, #tpu.memory_space<vmem>> -> memref<128x128xf32, #tpu.memory_space<vmem>>
          %get3A_212 = arith.index_cast %add3A_121 : i32 to index
          %get3A_213 = arith.constant 64 : index
          %get3A_214 = tpu.vector_load %get3A_211[%get3A_212, %get3A_213] {strides = array<i32>} : memref<128x128xf32, #tpu.memory_space<vmem>>, vector<1x16xf32>,
          %get3A_215 = vector.shape_cast %get3A_214 : vector<1x16xf32> to vector<16xf32>
          %get3A_216 = arith.index_cast %add3A_121 : i32 to index
          %get3A_217 = arith.constant 64 : index
          %get3A_218 = tpu.vector_load %arg9[%get3A_216, %get3A_217] {strides = array<i32>} : memref<128x128xf32, #tpu.memory_space<vmem>>, vector<1x16xf32>,
          %get3A_219 = vector.shape_cast %get3A_218 : vector<1x16xf32> to vector<16xf32>
          %mul3A_220 = arith.mulf %get3A_215, %get3A_219 : vector<16xf32>
          %swap3A_221 = arith.constant 0 : i32
          %swap3A_222 = arith.constant 0 : i32
          %swap3A_223 = tpu.memref_slice %arg8[%scan3A_110, %swap3A_221, %swap3A_222] : memref<2x128x128xf32, #tpu.memory_space<vmem>> -> memref<1x128x128xf32, #tpu.memory_space<vmem>>
          %swap3A_224 = tpu.memref_squeeze %swap3A_223 : memref<1x128x128xf32, #tpu.memory_space<vmem>> -> memref<128x128xf32, #tpu.memory_space<vmem>>
          %swap3A_225 = arith.index_cast %add3A_121 : i32 to index
          %swap3A_226 = arith.constant 64 : index
          %swap3A_227 = tpu.vector_load %swap3A_224[%swap3A_225, %swap3A_226] {strides = array<i32>} : memref<128x128xf32, #tpu.memory_space<vmem>>, vector<1x16xf32>,
          %swap3A_228 = vector.shape_cast %swap3A_227 : vector<1x16xf32> to vector<16xf32>
          %swap3A_229 = vector.shape_cast %mul3A_220 : vector<16xf32> to vector<1x16xf32>
          tpu.vector_store %swap3A_224[%swap3A_225, %swap3A_226], %swap3A_229 {strides = array<i32>} : memref<128x128xf32, #tpu.memory_space<vmem>>, vector<1x16xf32>,
          %get3A_230 = arith.constant 0 : i32
          %get3A_231 = arith.constant 0 : i32
          %get3A_232 = tpu.memref_slice %arg8[%scan3A_110, %get3A_230, %get3A_231] : memref<2x128x128xf32, #tpu.memory_space<vmem>> -> memref<1x128x128xf32, #tpu.memory_space<vmem>>
          %get3A_233 = tpu.memref_squeeze %get3A_232 : memref<1x128x128xf32, #tpu.memory_space<vmem>> -> memref<128x128xf32, #tpu.memory_space<vmem>>
          %get3A_234 = arith.index_cast %add3A_121 : i32 to index
          %get3A_235 = arith.constant 80 : index
          %get3A_236 = tpu.vector_load %get3A_233[%get3A_234, %get3A_235] {strides = array<i32>} : memref<128x128xf32, #tpu.memory_space<vmem>>, vector<1x16xf32>,
          %get3A_237 = vector.shape_cast %get3A_236 : vector<1x16xf32> to vector<16xf32>
          %get3A_238 = arith.index_cast %add3A_121 : i32 to index
          %get3A_239 = arith.constant 80 : index
          %get3A_240 = tpu.vector_load %arg9[%get3A_238, %get3A_239] {strides = array<i32>} : memref<128x128xf32, #tpu.memory_space<vmem>>, vector<1x16xf32>,
          %get3A_241 = vector.shape_cast %get3A_240 : vector<1x16xf32> to vector<16xf32>
          %mul3A_242 = arith.mulf %get3A_237, %get3A_241 : vector<16xf32>
          %swap3A_243 = arith.constant 0 : i32
          %swap3A_244 = arith.constant 0 : i32
          %swap3A_245 = tpu.memref_slice %arg8[%scan3A_110, %swap3A_243, %swap3A_244] : memref<2x128x128xf32, #tpu.memory_space<vmem>> -> memref<1x128x128xf32, #tpu.memory_space<vmem>>
          %swap3A_246 = tpu.memref_squeeze %swap3A_245 : memref<1x128x128xf32, #tpu.memory_space<vmem>> -> memref<128x128xf32, #tpu.memory_space<vmem>>
          %swap3A_247 = arith.index_cast %add3A_121 : i32 to index
          %swap3A_248 = arith.constant 80 : index
          %swap3A_249 = tpu.vector_load %swap3A_246[%swap3A_247, %swap3A_248] {strides = array<i32>} : memref<128x128xf32, #tpu.memory_space<vmem>>, vector<1x16xf32>,
          %swap3A_250 = vector.shape_cast %swap3A_249 : vector<1x16xf32> to vector<16xf32>
          %swap3A_251 = vector.shape_cast %mul3A_242 : vector<16xf32> to vector<1x16xf32>
          tpu.vector_store %swap3A_246[%swap3A_247, %swap3A_248], %swap3A_251 {strides = array<i32>} : memref<128x128xf32, #tpu.memory_space<vmem>>, vector<1x16xf32>,
          %get3A_252 = arith.constant 0 : i32
          %get3A_253 = arith.constant 0 : i32
          %get3A_254 = tpu.memref_slice %arg8[%scan3A_110, %get3A_252, %get3A_253] : memref<2x128x128xf32, #tpu.memory_space<vmem>> -> memref<1x128x128xf32, #tpu.memory_space<vmem>>
          %get3A_255 = tpu.memref_squeeze %get3A_254 : memref<1x128x128xf32, #tpu.memory_space<vmem>> -> memref<128x128xf32, #tpu.memory_space<vmem>>
          %get3A_256 = arith.index_cast %add3A_121 : i32 to index
          %get3A_257 = arith.constant 96 : index
          %get3A_258 = tpu.vector_load %get3A_255[%get3A_256, %get3A_257] {strides = array<i32>} : memref<128x128xf32, #tpu.memory_space<vmem>>, vector<1x16xf32>,
          %get3A_259 = vector.shape_cast %get3A_258 : vector<1x16xf32> to vector<16xf32>
          %get3A_260 = arith.index_cast %add3A_121 : i32 to index
          %get3A_261 = arith.constant 96 : index
          %get3A_262 = tpu.vector_load %arg9[%get3A_260, %get3A_261] {strides = array<i32>} : memref<128x128xf32, #tpu.memory_space<vmem>>, vector<1x16xf32>,
          %get3A_263 = vector.shape_cast %get3A_262 : vector<1x16xf32> to vector<16xf32>
          %mul3A_264 = arith.mulf %get3A_259, %get3A_263 : vector<16xf32>
          %swap3A_265 = arith.constant 0 : i32
          %swap3A_266 = arith.constant 0 : i32
          %swap3A_267 = tpu.memref_slice %arg8[%scan3A_110, %swap3A_265, %swap3A_266] : memref<2x128x128xf32, #tpu.memory_space<vmem>> -> memref<1x128x128xf32, #tpu.memory_space<vmem>>
          %swap3A_268 = tpu.memref_squeeze %swap3A_267 : memref<1x128x128xf32, #tpu.memory_space<vmem>> -> memref<128x128xf32, #tpu.memory_space<vmem>>
          %swap3A_269 = arith.index_cast %add3A_121 : i32 to index
          %swap3A_270 = arith.constant 96 : index
          %swap3A_271 = tpu.vector_load %swap3A_268[%swap3A_269, %swap3A_270] {strides = array<i32>} : memref<128x128xf32, #tpu.memory_space<vmem>>, vector<1x16xf32>,
          %swap3A_272 = vector.shape_cast %swap3A_271 : vector<1x16xf32> to vector<16xf32>
          %swap3A_273 = vector.shape_cast %mul3A_264 : vector<16xf32> to vector<1x16xf32>
          tpu.vector_store %swap3A_268[%swap3A_269, %swap3A_270], %swap3A_273 {strides = array<i32>} : memref<128x128xf32, #tpu.memory_space<vmem>>, vector<1x16xf32>,
          %get3A_274 = arith.constant 0 : i32
          %get3A_275 = arith.constant 0 : i32
          %get3A_276 = tpu.memref_slice %arg8[%scan3A_110, %get3A_274, %get3A_275] : memref<2x128x128xf32, #tpu.memory_space<vmem>> -> memref<1x128x128xf32, #tpu.memory_space<vmem>>
          %get3A_277 = tpu.memref_squeeze %get3A_276 : memref<1x128x128xf32, #tpu.memory_space<vmem>> -> memref<128x128xf32, #tpu.memory_space<vmem>>
          %get3A_278 = arith.index_cast %add3A_121 : i32 to index
          %get3A_279 = arith.constant 112 : index
          %get3A_280 = tpu.vector_load %get3A_277[%get3A_278, %get3A_279] {strides = array<i32>} : memref<128x128xf32, #tpu.memory_space<vmem>>, vector<1x16xf32>,
          %get3A_281 = vector.shape_cast %get3A_280 : vector<1x16xf32> to vector<16xf32>
          %get3A_282 = arith.index_cast %add3A_121 : i32 to index
          %get3A_283 = arith.constant 112 : index
          %get3A_284 = tpu.vector_load %arg9[%get3A_282, %get3A_283] {strides = array<i32>} : memref<128x128xf32, #tpu.memory_space<vmem>>, vector<1x16xf32>,
          %get3A_285 = vector.shape_cast %get3A_284 : vector<1x16xf32> to vector<16xf32>
          %mul3A_286 = arith.mulf %get3A_281, %get3A_285 : vector<16xf32>
          %swap3A_287 = arith.constant 0 : i32
          %swap3A_288 = arith.constant 0 : i32
          %swap3A_289 = tpu.memref_slice %arg8[%scan3A_110, %swap3A_287, %swap3A_288] : memref<2x128x128xf32, #tpu.memory_space<vmem>> -> memref<1x128x128xf32, #tpu.memory_space<vmem>>
          %swap3A_290 = tpu.memref_squeeze %swap3A_289 : memref<1x128x128xf32, #tpu.memory_space<vmem>> -> memref<128x128xf32, #tpu.memory_space<vmem>>
          %swap3A_291 = arith.index_cast %add3A_121 : i32 to index
          %swap3A_292 = arith.constant 112 : index
          %swap3A_293 = tpu.vector_load %swap3A_290[%swap3A_291, %swap3A_292] {strides = array<i32>} : memref<128x128xf32, #tpu.memory_space<vmem>>, vector<1x16xf32>,
          %swap3A_294 = vector.shape_cast %swap3A_293 : vector<1x16xf32> to vector<16xf32>
          %swap3A_295 = vector.shape_cast %mul3A_286 : vector<16xf32> to vector<1x16xf32>
          tpu.vector_store %swap3A_290[%swap3A_291, %swap3A_292], %swap3A_295 {strides = array<i32>} : memref<128x128xf32, #tpu.memory_space<vmem>>, vector<1x16xf32>,
          %mul3A_296 = arith.constant 4 : i32
          %mul3A_297 = arith.muli %scan3A_117, %mul3A_296 : i32
          %add3A_298 = arith.constant 1 : i32
          %add3A_299 = arith.addi %mul3A_297, %add3A_298 : i32
          %get3A_300 = arith.constant 0 : i32
          %get3A_301 = arith.constant 0 : i32
          %get3A_302 = tpu.memref_slice %arg8[%scan3A_110, %get3A_300, %get3A_301] : memref<2x128x128xf32, #tpu.memory_space<vmem>> -> memref<1x128x128xf32, #tpu.memory_space<vmem>>
          %get3A_303 = tpu.memref_squeeze %get3A_302 : memref<1x128x128xf32, #tpu.memory_space<vmem>> -> memref<128x128xf32, #tpu.memory_space<vmem>>
          %get3A_304 = arith.index_cast %add3A_299 : i32 to index
          %get3A_305 = arith.constant 0 : index
          %get3A_306 = tpu.vector_load %get3A_303[%get3A_304, %get3A_305] {strides = array<i32>} : memref<128x128xf32, #tpu.memory_space<vmem>>, vector<1x16xf32>,
          %get3A_307 = vector.shape_cast %get3A_306 : vector<1x16xf32> to vector<16xf32>
          %get3A_308 = arith.index_cast %add3A_299 : i32 to index
          %get3A_309 = arith.constant 0 : index
          %get3A_310 = tpu.vector_load %arg9[%get3A_308, %get3A_309] {strides = array<i32>} : memref<128x128xf32, #tpu.memory_space<vmem>>, vector<1x16xf32>,
          %get3A_311 = vector.shape_cast %get3A_310 : vector<1x16xf32> to vector<16xf32>
          %mul3A_312 = arith.mulf %get3A_307, %get3A_311 : vector<16xf32>
          %swap3A_313 = arith.constant 0 : i32
          %swap3A_314 = arith.constant 0 : i32
          %swap3A_315 = tpu.memref_slice %arg8[%scan3A_110, %swap3A_313, %swap3A_314] : memref<2x128x128xf32, #tpu.memory_space<vmem>> -> memref<1x128x128xf32, #tpu.memory_space<vmem>>
          %swap3A_316 = tpu.memref_squeeze %swap3A_315 : memref<1x128x128xf32, #tpu.memory_space<vmem>> -> memref<128x128xf32, #tpu.memory_space<vmem>>
          %swap3A_317 = arith.index_cast %add3A_299 : i32 to index
          %swap3A_318 = arith.constant 0 : index
          %swap3A_319 = tpu.vector_load %swap3A_316[%swap3A_317, %swap3A_318] {strides = array<i32>} : memref<128x128xf32, #tpu.memory_space<vmem>>, vector<1x16xf32>,
          %swap3A_320 = vector.shape_cast %swap3A_319 : vector<1x16xf32> to vector<16xf32>
          %swap3A_321 = vector.shape_cast %mul3A_312 : vector<16xf32> to vector<1x16xf32>
          tpu.vector_store %swap3A_316[%swap3A_317, %swap3A_318], %swap3A_321 {strides = array<i32>} : memref<128x128xf32, #tpu.memory_space<vmem>>, vector<1x16xf32>,
          %get3A_322 = arith.constant 0 : i32
          %get3A_323 = arith.constant 0 : i32
          %get3A_324 = tpu.memref_slice %arg8[%scan3A_110, %get3A_322, %get3A_323] : memref<2x128x128xf32, #tpu.memory_space<vmem>> -> memref<1x128x128xf32, #tpu.memory_space<vmem>>
          %get3A_325 = tpu.memref_squeeze %get3A_324 : memref<1x128x128xf32, #tpu.memory_space<vmem>> -> memref<128x128xf32, #tpu.memory_space<vmem>>
          %get3A_326 = arith.index_cast %add3A_299 : i32 to index
          %get3A_327 = arith.constant 16 : index
          %get3A_328 = tpu.vector_load %get3A_325[%get3A_326, %get3A_327] {strides = array<i32>} : memref<128x128xf32, #tpu.memory_space<vmem>>, vector<1x16xf32>,
          %get3A_329 = vector.shape_cast %get3A_328 : vector<1x16xf32> to vector<16xf32>
          %get3A_330 = arith.index_cast %add3A_299 : i32 to index
          %get3A_331 = arith.constant 16 : index
          %get3A_332 = tpu.vector_load %arg9[%get3A_330, %get3A_331] {strides = array<i32>} : memref<128x128xf32, #tpu.memory_space<vmem>>, vector<1x16xf32>,
          %get3A_333 = vector.shape_cast %get3A_332 : vector<1x16xf32> to vector<16xf32>
          %mul3A_334 = arith.mulf %get3A_329, %get3A_333 : vector<16xf32>
          %swap3A_335 = arith.constant 0 : i32
          %swap3A_336 = arith.constant 0 : i32
          %swap3A_337 = tpu.memref_slice %arg8[%scan3A_110, %swap3A_335, %swap3A_336] : memref<2x128x128xf32, #tpu.memory_space<vmem>> -> memref<1x128x128xf32, #tpu.memory_space<vmem>>
          %swap3A_338 = tpu.memref_squeeze %swap3A_337 : memref<1x128x128xf32, #tpu.memory_space<vmem>> -> memref<128x128xf32, #tpu.memory_space<vmem>>
          %swap3A_339 = arith.index_cast %add3A_299 : i32 to index
          %swap3A_340 = arith.constant 16 : index
          %swap3A_341 = tpu.vector_load %swap3A_338[%swap3A_339, %swap3A_340] {strides = array<i32>} : memref<128x128xf32, #tpu.memory_space<vmem>>, vector<1x16xf32>,
          %swap3A_342 = vector.shape_cast %swap3A_341 : vector<1x16xf32> to vector<16xf32>
          %swap3A_343 = vector.shape_cast %mul3A_334 : vector<16xf32> to vector<1x16xf32>
          tpu.vector_store %swap3A_338[%swap3A_339, %swap3A_340], %swap3A_343 {strides = array<i32>} : memref<128x128xf32, #tpu.memory_space<vmem>>, vector<1x16xf32>,
          %get3A_344 = arith.constant 0 : i32
          %get3A_345 = arith.constant 0 : i32
          %get3A_346 = tpu.memref_slice %arg8[%scan3A_110, %get3A_344, %get3A_345] : memref<2x128x128xf32, #tpu.memory_space<vmem>> -> memref<1x128x128xf32, #tpu.memory_space<vmem>>
          %get3A_347 = tpu.memref_squeeze %get3A_346 : memref<1x128x128xf32, #tpu.memory_space<vmem>> -> memref<128x128xf32, #tpu.memory_space<vmem>>
          %get3A_348 = arith.index_cast %add3A_299 : i32 to index
          %get3A_349 = arith.constant 32 : index
          %get3A_350 = tpu.vector_load %get3A_347[%get3A_348, %get3A_349] {strides = array<i32>} : memref<128x128xf32, #tpu.memory_space<vmem>>, vector<1x16xf32>,
          %get3A_351 = vector.shape_cast %get3A_350 : vector<1x16xf32> to vector<16xf32>
          %get3A_352 = arith.index_cast %add3A_299 : i32 to index
          %get3A_353 = arith.constant 32 : index
          %get3A_354 = tpu.vector_load %arg9[%get3A_352, %get3A_353] {strides = array<i32>} : memref<128x128xf32, #tpu.memory_space<vmem>>, vector<1x16xf32>,
          %get3A_355 = vector.shape_cast %get3A_354 : vector<1x16xf32> to vector<16xf32>
          %mul3A_356 = arith.mulf %get3A_351, %get3A_355 : vector<16xf32>
          %swap3A_357 = arith.constant 0 : i32
          %swap3A_358 = arith.constant 0 : i32
          %swap3A_359 = tpu.memref_slice %arg8[%scan3A_110, %swap3A_357, %swap3A_358] : memref<2x128x128xf32, #tpu.memory_space<vmem>> -> memref<1x128x128xf32, #tpu.memory_space<vmem>>
          %swap3A_360 = tpu.memref_squeeze %swap3A_359 : memref<1x128x128xf32, #tpu.memory_space<vmem>> -> memref<128x128xf32, #tpu.memory_space<vmem>>
          %swap3A_361 = arith.index_cast %add3A_299 : i32 to index
          %swap3A_362 = arith.constant 32 : index
          %swap3A_363 = tpu.vector_load %swap3A_360[%swap3A_361, %swap3A_362] {strides = array<i32>} : memref<128x128xf32, #tpu.memory_space<vmem>>, vector<1x16xf32>,
          %swap3A_364 = vector.shape_cast %swap3A_363 : vector<1x16xf32> to vector<16xf32>
          %swap3A_365 = vector.shape_cast %mul3A_356 : vector<16xf32> to vector<1x16xf32>
          tpu.vector_store %swap3A_360[%swap3A_361, %swap3A_362], %swap3A_365 {strides = array<i32>} : memref<128x128xf32, #tpu.memory_space<vmem>>, vector<1x16xf32>,
          %get3A_366 = arith.constant 0 : i32
          %get3A_367 = arith.constant 0 : i32
          %get3A_368 = tpu.memref_slice %arg8[%scan3A_110, %get3A_366, %get3A_367] : memref<2x128x128xf32, #tpu.memory_space<vmem>> -> memref<1x128x128xf32, #tpu.memory_space<vmem>>
          %get3A_369 = tpu.memref_squeeze %get3A_368 : memref<1x128x128xf32, #tpu.memory_space<vmem>> -> memref<128x128xf32, #tpu.memory_space<vmem>>
          %get3A_370 = arith.index_cast %add3A_299 : i32 to index
          %get3A_371 = arith.constant 48 : index
          %get3A_372 = tpu.vector_load %get3A_369[%get3A_370, %get3A_371] {strides = array<i32>} : memref<128x128xf32, #tpu.memory_space<vmem>>, vector<1x16xf32>,
          %get3A_373 = vector.shape_cast %get3A_372 : vector<1x16xf32> to vector<16xf32>
          %get3A_374 = arith.index_cast %add3A_299 : i32 to index
          %get3A_375 = arith.constant 48 : index
          %get3A_376 = tpu.vector_load %arg9[%get3A_374, %get3A_375] {strides = array<i32>} : memref<128x128xf32, #tpu.memory_space<vmem>>, vector<1x16xf32>,
          %get3A_377 = vector.shape_cast %get3A_376 : vector<1x16xf32> to vector<16xf32>
          %mul3A_378 = arith.mulf %get3A_373, %get3A_377 : vector<16xf32>
          %swap3A_379 = arith.constant 0 : i32
          %swap3A_380 = arith.constant 0 : i32
          %swap3A_381 = tpu.memref_slice %arg8[%scan3A_110, %swap3A_379, %swap3A_380] : memref<2x128x128xf32, #tpu.memory_space<vmem>> -> memref<1x128x128xf32, #tpu.memory_space<vmem>>
          %swap3A_382 = tpu.memref_squeeze %swap3A_381 : memref<1x128x128xf32, #tpu.memory_space<vmem>> -> memref<128x128xf32, #tpu.memory_space<vmem>>
          %swap3A_383 = arith.index_cast %add3A_299 : i32 to index
          %swap3A_384 = arith.constant 48 : index
          %swap3A_385 = tpu.vector_load %swap3A_382[%swap3A_383, %swap3A_384] {strides = array<i32>} : memref<128x128xf32, #tpu.memory_space<vmem>>, vector<1x16xf32>,
          %swap3A_386 = vector.shape_cast %swap3A_385 : vector<1x16xf32> to vector<16xf32>
          %swap3A_387 = vector.shape_cast %mul3A_378 : vector<16xf32> to vector<1x16xf32>
          tpu.vector_store %swap3A_382[%swap3A_383, %swap3A_384], %swap3A_387 {strides = array<i32>} : memref<128x128xf32, #tpu.memory_space<vmem>>, vector<1x16xf32>,
          %get3A_388 = arith.constant 0 : i32
          %get3A_389 = arith.constant 0 : i32
          %get3A_390 = tpu.memref_slice %arg8[%scan3A_110, %get3A_388, %get3A_389] : memref<2x128x128xf32, #tpu.memory_space<vmem>> -> memref<1x128x128xf32, #tpu.memory_space<vmem>>
          %get3A_391 = tpu.memref_squeeze %get3A_390 : memref<1x128x128xf32, #tpu.memory_space<vmem>> -> memref<128x128xf32, #tpu.memory_space<vmem>>
          %get3A_392 = arith.index_cast %add3A_299 : i32 to index
          %get3A_393 = arith.constant 64 : index
          %get3A_394 = tpu.vector_load %get3A_391[%get3A_392, %get3A_393] {strides = array<i32>} : memref<128x128xf32, #tpu.memory_space<vmem>>, vector<1x16xf32>,
          %get3A_395 = vector.shape_cast %get3A_394 : vector<1x16xf32> to vector<16xf32>
          %get3A_396 = arith.index_cast %add3A_299 : i32 to index
          %get3A_397 = arith.constant 64 : index
          %get3A_398 = tpu.vector_load %arg9[%get3A_396, %get3A_397] {strides = array<i32>} : memref<128x128xf32, #tpu.memory_space<vmem>>, vector<1x16xf32>,
          %get3A_399 = vector.shape_cast %get3A_398 : vector<1x16xf32> to vector<16xf32>
          %mul3A_400 = arith.mulf %get3A_395, %get3A_399 : vector<16xf32>
          %swap3A_401 = arith.constant 0 : i32
          %swap3A_402 = arith.constant 0 : i32
          %swap3A_403 = tpu.memref_slice %arg8[%scan3A_110, %swap3A_401, %swap3A_402] : memref<2x128x128xf32, #tpu.memory_space<vmem>> -> memref<1x128x128xf32, #tpu.memory_space<vmem>>
          %swap3A_404 = tpu.memref_squeeze %swap3A_403 : memref<1x128x128xf32, #tpu.memory_space<vmem>> -> memref<128x128xf32, #tpu.memory_space<vmem>>
          %swap3A_405 = arith.index_cast %add3A_299 : i32 to index
          %swap3A_406 = arith.constant 64 : index
          %swap3A_407 = tpu.vector_load %swap3A_404[%swap3A_405, %swap3A_406] {strides = array<i32>} : memref<128x128xf32, #tpu.memory_space<vmem>>, vector<1x16xf32>,
          %swap3A_408 = vector.shape_cast %swap3A_407 : vector<1x16xf32> to vector<16xf32>
          %swap3A_409 = vector.shape_cast %mul3A_400 : vector<16xf32> to vector<1x16xf32>
          tpu.vector_store %swap3A_404[%swap3A_405, %swap3A_406], %swap3A_409 {strides = array<i32>} : memref<128x128xf32, #tpu.memory_space<vmem>>, vector<1x16xf32>,
          %get3A_410 = arith.constant 0 : i32
          %get3A_411 = arith.constant 0 : i32
          %get3A_412 = tpu.memref_slice %arg8[%scan3A_110, %get3A_410, %get3A_411] : memref<2x128x128xf32, #tpu.memory_space<vmem>> -> memref<1x128x128xf32, #tpu.memory_space<vmem>>
          %get3A_413 = tpu.memref_squeeze %get3A_412 : memref<1x128x128xf32, #tpu.memory_space<vmem>> -> memref<128x128xf32, #tpu.memory_space<vmem>>
          %get3A_414 = arith.index_cast %add3A_299 : i32 to index
          %get3A_415 = arith.constant 80 : index
          %get3A_416 = tpu.vector_load %get3A_413[%get3A_414, %get3A_415] {strides = array<i32>} : memref<128x128xf32, #tpu.memory_space<vmem>>, vector<1x16xf32>,
          %get3A_417 = vector.shape_cast %get3A_416 : vector<1x16xf32> to vector<16xf32>
          %get3A_418 = arith.index_cast %add3A_299 : i32 to index
          %get3A_419 = arith.constant 80 : index
          %get3A_420 = tpu.vector_load %arg9[%get3A_418, %get3A_419] {strides = array<i32>} : memref<128x128xf32, #tpu.memory_space<vmem>>, vector<1x16xf32>,
          %get3A_421 = vector.shape_cast %get3A_420 : vector<1x16xf32> to vector<16xf32>
          %mul3A_422 = arith.mulf %get3A_417, %get3A_421 : vector<16xf32>
          %swap3A_423 = arith.constant 0 : i32
          %swap3A_424 = arith.constant 0 : i32
          %swap3A_425 = tpu.memref_slice %arg8[%scan3A_110, %swap3A_423, %swap3A_424] : memref<2x128x128xf32, #tpu.memory_space<vmem>> -> memref<1x128x128xf32, #tpu.memory_space<vmem>>
          %swap3A_426 = tpu.memref_squeeze %swap3A_425 : memref<1x128x128xf32, #tpu.memory_space<vmem>> -> memref<128x128xf32, #tpu.memory_space<vmem>>
          %swap3A_427 = arith.index_cast %add3A_299 : i32 to index
          %swap3A_428 = arith.constant 80 : index
          %swap3A_429 = tpu.vector_load %swap3A_426[%swap3A_427, %swap3A_428] {strides = array<i32>} : memref<128x128xf32, #tpu.memory_space<vmem>>, vector<1x16xf32>,
          %swap3A_430 = vector.shape_cast %swap3A_429 : vector<1x16xf32> to vector<16xf32>
          %swap3A_431 = vector.shape_cast %mul3A_422 : vector<16xf32> to vector<1x16xf32>
          tpu.vector_store %swap3A_426[%swap3A_427, %swap3A_428], %swap3A_431 {strides = array<i32>} : memref<128x128xf32, #tpu.memory_space<vmem>>, vector<1x16xf32>,
          %get3A_432 = arith.constant 0 : i32
          %get3A_433 = arith.constant 0 : i32
          %get3A_434 = tpu.memref_slice %arg8[%scan3A_110, %get3A_432, %get3A_433] : memref<2x128x128xf32, #tpu.memory_space<vmem>> -> memref<1x128x128xf32, #tpu.memory_space<vmem>>
          %get3A_435 = tpu.memref_squeeze %get3A_434 : memref<1x128x128xf32, #tpu.memory_space<vmem>> -> memref<128x128xf32, #tpu.memory_space<vmem>>
          %get3A_436 = arith.index_cast %add3A_299 : i32 to index
          %get3A_437 = arith.constant 96 : index
          %get3A_438 = tpu.vector_load %get3A_435[%get3A_436, %get3A_437] {strides = array<i32>} : memref<128x128xf32, #tpu.memory_space<vmem>>, vector<1x16xf32>,
          %get3A_439 = vector.shape_cast %get3A_438 : vector<1x16xf32> to vector<16xf32>
          %get3A_440 = arith.index_cast %add3A_299 : i32 to index
          %get3A_441 = arith.constant 96 : index
          %get3A_442 = tpu.vector_load %arg9[%get3A_440, %get3A_441] {strides = array<i32>} : memref<128x128xf32, #tpu.memory_space<vmem>>, vector<1x16xf32>,
          %get3A_443 = vector.shape_cast %get3A_442 : vector<1x16xf32> to vector<16xf32>
          %mul3A_444 = arith.mulf %get3A_439, %get3A_443 : vector<16xf32>
          %swap3A_445 = arith.constant 0 : i32
          %swap3A_446 = arith.constant 0 : i32
          %swap3A_447 = tpu.memref_slice %arg8[%scan3A_110, %swap3A_445, %swap3A_446] : memref<2x128x128xf32, #tpu.memory_space<vmem>> -> memref<1x128x128xf32, #tpu.memory_space<vmem>>
          %swap3A_448 = tpu.memref_squeeze %swap3A_447 : memref<1x128x128xf32, #tpu.memory_space<vmem>> -> memref<128x128xf32, #tpu.memory_space<vmem>>
          %swap3A_449 = arith.index_cast %add3A_299 : i32 to index
          %swap3A_450 = arith.constant 96 : index
          %swap3A_451 = tpu.vector_load %swap3A_448[%swap3A_449, %swap3A_450] {strides = array<i32>} : memref<128x128xf32, #tpu.memory_space<vmem>>, vector<1x16xf32>,
          %swap3A_452 = vector.shape_cast %swap3A_451 : vector<1x16xf32> to vector<16xf32>
          %swap3A_453 = vector.shape_cast %mul3A_444 : vector<16xf32> to vector<1x16xf32>
          tpu.vector_store %swap3A_448[%swap3A_449, %swap3A_450], %swap3A_453 {strides = array<i32>} : memref<128x128xf32, #tpu.memory_space<vmem>>, vector<1x16xf32>,
          %get3A_454 = arith.constant 0 : i32
          %get3A_455 = arith.constant 0 : i32
          %get3A_456 = tpu.memref_slice %arg8[%scan3A_110, %get3A_454, %get3A_455] : memref<2x128x128xf32, #tpu.memory_space<vmem>> -> memref<1x128x128xf32, #tpu.memory_space<vmem>>
          %get3A_457 = tpu.memref_squeeze %get3A_456 : memref<1x128x128xf32, #tpu.memory_space<vmem>> -> memref<128x128xf32, #tpu.memory_space<vmem>>
          %get3A_458 = arith.index_cast %add3A_299 : i32 to index
          %get3A_459 = arith.constant 112 : index
          %get3A_460 = tpu.vector_load %get3A_457[%get3A_458, %get3A_459] {strides = array<i32>} : memref<128x128xf32, #tpu.memory_space<vmem>>, vector<1x16xf32>,
          %get3A_461 = vector.shape_cast %get3A_460 : vector<1x16xf32> to vector<16xf32>
          %get3A_462 = arith.index_cast %add3A_299 : i32 to index
          %get3A_463 = arith.constant 112 : index
          %get3A_464 = tpu.vector_load %arg9[%get3A_462, %get3A_463] {strides = array<i32>} : memref<128x128xf32, #tpu.memory_space<vmem>>, vector<1x16xf32>,
          %get3A_465 = vector.shape_cast %get3A_464 : vector<1x16xf32> to vector<16xf32>
          %mul3A_466 = arith.mulf %get3A_461, %get3A_465 : vector<16xf32>
          %swap3A_467 = arith.constant 0 : i32
          %swap3A_468 = arith.constant 0 : i32
          %swap3A_469 = tpu.memref_slice %arg8[%scan3A_110, %swap3A_467, %swap3A_468] : memref<2x128x128xf32, #tpu.memory_space<vmem>> -> memref<1x128x128xf32, #tpu.memory_space<vmem>>
          %swap3A_470 = tpu.memref_squeeze %swap3A_469 : memref<1x128x128xf32, #tpu.memory_space<vmem>> -> memref<128x128xf32, #tpu.memory_space<vmem>>
          %swap3A_471 = arith.index_cast %add3A_299 : i32 to index
          %swap3A_472 = arith.constant 112 : index
          %swap3A_473 = tpu.vector_load %swap3A_470[%swap3A_471, %swap3A_472] {strides = array<i32>} : memref<128x128xf32, #tpu.memory_space<vmem>>, vector<1x16xf32>,
          %swap3A_474 = vector.shape_cast %swap3A_473 : vector<1x16xf32> to vector<16xf32>
          %swap3A_475 = vector.shape_cast %mul3A_466 : vector<16xf32> to vector<1x16xf32>
          tpu.vector_store %swap3A_470[%swap3A_471, %swap3A_472], %swap3A_475 {strides = array<i32>} : memref<128x128xf32, #tpu.memory_space<vmem>>, vector<1x16xf32>,
          %mul3A_476 = arith.constant 4 : i32
          %mul3A_477 = arith.muli %scan3A_117, %mul3A_476 : i32
          %add3A_478 = arith.constant 2 : i32
          %add3A_479 = arith.addi %mul3A_477, %add3A_478 : i32
          %get3A_480 = arith.constant 0 : i32
          %get3A_481 = arith.constant 0 : i32
          %get3A_482 = tpu.memref_slice %arg8[%scan3A_110, %get3A_480, %get3A_481] : memref<2x128x128xf32, #tpu.memory_space<vmem>> -> memref<1x128x128xf32, #tpu.memory_space<vmem>>
          %get3A_483 = tpu.memref_squeeze %get3A_482 : memref<1x128x128xf32, #tpu.memory_space<vmem>> -> memref<128x128xf32, #tpu.memory_space<vmem>>
          %get3A_484 = arith.index_cast %add3A_479 : i32 to index
          %get3A_485 = arith.constant 0 : index
          %get3A_486 = tpu.vector_load %get3A_483[%get3A_484, %get3A_485] {strides = array<i32>} : memref<128x128xf32, #tpu.memory_space<vmem>>, vector<1x16xf32>,
          %get3A_487 = vector.shape_cast %get3A_486 : vector<1x16xf32> to vector<16xf32>
          %get3A_488 = arith.index_cast %add3A_479 : i32 to index
          %get3A_489 = arith.constant 0 : index
          %get3A_490 = tpu.vector_load %arg9[%get3A_488, %get3A_489] {strides = array<i32>} : memref<128x128xf32, #tpu.memory_space<vmem>>, vector<1x16xf32>,
          %get3A_491 = vector.shape_cast %get3A_490 : vector<1x16xf32> to vector<16xf32>
          %mul3A_492 = arith.mulf %get3A_487, %get3A_491 : vector<16xf32>
          %swap3A_493 = arith.constant 0 : i32
          %swap3A_494 = arith.constant 0 : i32
          %swap3A_495 = tpu.memref_slice %arg8[%scan3A_110, %swap3A_493, %swap3A_494] : memref<2x128x128xf32, #tpu.memory_space<vmem>> -> memref<1x128x128xf32, #tpu.memory_space<vmem>>
          %swap3A_496 = tpu.memref_squeeze %swap3A_495 : memref<1x128x128xf32, #tpu.memory_space<vmem>> -> memref<128x128xf32, #tpu.memory_space<vmem>>
          %swap3A_497 = arith.index_cast %add3A_479 : i32 to index
          %swap3A_498 = arith.constant 0 : index
          %swap3A_499 = tpu.vector_load %swap3A_496[%swap3A_497, %swap3A_498] {strides = array<i32>} : memref<128x128xf32, #tpu.memory_space<vmem>>, vector<1x16xf32>,
          %swap3A_500 = vector.shape_cast %swap3A_499 : vector<1x16xf32> to vector<16xf32>
          %swap3A_501 = vector.shape_cast %mul3A_492 : vector<16xf32> to vector<1x16xf32>
          tpu.vector_store %swap3A_496[%swap3A_497, %swap3A_498], %swap3A_501 {strides = array<i32>} : memref<128x128xf32, #tpu.memory_space<vmem>>, vector<1x16xf32>,
          %get3A_502 = arith.constant 0 : i32
          %get3A_503 = arith.constant 0 : i32
          %get3A_504 = tpu.memref_slice %arg8[%scan3A_110, %get3A_502, %get3A_503] : memref<2x128x128xf32, #tpu.memory_space<vmem>> -> memref<1x128x128xf32, #tpu.memory_space<vmem>>
          %get3A_505 = tpu.memref_squeeze %get3A_504 : memref<1x128x128xf32, #tpu.memory_space<vmem>> -> memref<128x128xf32, #tpu.memory_space<vmem>>
          %get3A_506 = arith.index_cast %add3A_479 : i32 to index
          %get3A_507 = arith.constant 16 : index
          %get3A_508 = tpu.vector_load %get3A_505[%get3A_506, %get3A_507] {strides = array<i32>} : memref<128x128xf32, #tpu.memory_space<vmem>>, vector<1x16xf32>,
          %get3A_509 = vector.shape_cast %get3A_508 : vector<1x16xf32> to vector<16xf32>
          %get3A_510 = arith.index_cast %add3A_479 : i32 to index
          %get3A_511 = arith.constant 16 : index
          %get3A_512 = tpu.vector_load %arg9[%get3A_510, %get3A_511] {strides = array<i32>} : memref<128x128xf32, #tpu.memory_space<vmem>>, vector<1x16xf32>,
          %get3A_513 = vector.shape_cast %get3A_512 : vector<1x16xf32> to vector<16xf32>
          %mul3A_514 = arith.mulf %get3A_509, %get3A_513 : vector<16xf32>
          %swap3A_515 = arith.constant 0 : i32
          %swap3A_516 = arith.constant 0 : i32
          %swap3A_517 = tpu.memref_slice %arg8[%scan3A_110, %swap3A_515, %swap3A_516] : memref<2x128x128xf32, #tpu.memory_space<vmem>> -> memref<1x128x128xf32, #tpu.memory_space<vmem>>
          %swap3A_518 = tpu.memref_squeeze %swap3A_517 : memref<1x128x128xf32, #tpu.memory_space<vmem>> -> memref<128x128xf32, #tpu.memory_space<vmem>>
          %swap3A_519 = arith.index_cast %add3A_479 : i32 to index
          %swap3A_520 = arith.constant 16 : index
          %swap3A_521 = tpu.vector_load %swap3A_518[%swap3A_519, %swap3A_520] {strides = array<i32>} : memref<128x128xf32, #tpu.memory_space<vmem>>, vector<1x16xf32>,
          %swap3A_522 = vector.shape_cast %swap3A_521 : vector<1x16xf32> to vector<16xf32>
          %swap3A_523 = vector.shape_cast %mul3A_514 : vector<16xf32> to vector<1x16xf32>
          tpu.vector_store %swap3A_518[%swap3A_519, %swap3A_520], %swap3A_523 {strides = array<i32>} : memref<128x128xf32, #tpu.memory_space<vmem>>, vector<1x16xf32>,
          %get3A_524 = arith.constant 0 : i32
          %get3A_525 = arith.constant 0 : i32
          %get3A_526 = tpu.memref_slice %arg8[%scan3A_110, %get3A_524, %get3A_525] : memref<2x128x128xf32, #tpu.memory_space<vmem>> -> memref<1x128x128xf32, #tpu.memory_space<vmem>>
          %get3A_527 = tpu.memref_squeeze %get3A_526 : memref<1x128x128xf32, #tpu.memory_space<vmem>> -> memref<128x128xf32, #tpu.memory_space<vmem>>
          %get3A_528 = arith.index_cast %add3A_479 : i32 to index
          %get3A_529 = arith.constant 32 : index
          %get3A_530 = tpu.vector_load %get3A_527[%get3A_528, %get3A_529] {strides = array<i32>} : memref<128x128xf32, #tpu.memory_space<vmem>>, vector<1x16xf32>,
          %get3A_531 = vector.shape_cast %get3A_530 : vector<1x16xf32> to vector<16xf32>
          %get3A_532 = arith.index_cast %add3A_479 : i32 to index
          %get3A_533 = arith.constant 32 : index
          %get3A_534 = tpu.vector_load %arg9[%get3A_532, %get3A_533] {strides = array<i32>} : memref<128x128xf32, #tpu.memory_space<vmem>>, vector<1x16xf32>,
          %get3A_535 = vector.shape_cast %get3A_534 : vector<1x16xf32> to vector<16xf32>
          %mul3A_536 = arith.mulf %get3A_531, %get3A_535 : vector<16xf32>
          %swap3A_537 = arith.constant 0 : i32
          %swap3A_538 = arith.constant 0 : i32
          %swap3A_539 = tpu.memref_slice %arg8[%scan3A_110, %swap3A_537, %swap3A_538] : memref<2x128x128xf32, #tpu.memory_space<vmem>> -> memref<1x128x128xf32, #tpu.memory_space<vmem>>
          %swap3A_540 = tpu.memref_squeeze %swap3A_539 : memref<1x128x128xf32, #tpu.memory_space<vmem>> -> memref<128x128xf32, #tpu.memory_space<vmem>>
          %swap3A_541 = arith.index_cast %add3A_479 : i32 to index
          %swap3A_542 = arith.constant 32 : index
          %swap3A_543 = tpu.vector_load %swap3A_540[%swap3A_541, %swap3A_542] {strides = array<i32>} : memref<128x128xf32, #tpu.memory_space<vmem>>, vector<1x16xf32>,
          %swap3A_544 = vector.shape_cast %swap3A_543 : vector<1x16xf32> to vector<16xf32>
          %swap3A_545 = vector.shape_cast %mul3A_536 : vector<16xf32> to vector<1x16xf32>
          tpu.vector_store %swap3A_540[%swap3A_541, %swap3A_542], %swap3A_545 {strides = array<i32>} : memref<128x128xf32, #tpu.memory_space<vmem>>, vector<1x16xf32>,
          %get3A_546 = arith.constant 0 : i32
          %get3A_547 = arith.constant 0 : i32
          %get3A_548 = tpu.memref_slice %arg8[%scan3A_110, %get3A_546, %get3A_547] : memref<2x128x128xf32, #tpu.memory_space<vmem>> -> memref<1x128x128xf32, #tpu.memory_space<vmem>>
          %get3A_549 = tpu.memref_squeeze %get3A_548 : memref<1x128x128xf32, #tpu.memory_space<vmem>> -> memref<128x128xf32, #tpu.memory_space<vmem>>
          %get3A_550 = arith.index_cast %add3A_479 : i32 to index
          %get3A_551 = arith.constant 48 : index
          %get3A_552 = tpu.vector_load %get3A_549[%get3A_550, %get3A_551] {strides = array<i32>} : memref<128x128xf32, #tpu.memory_space<vmem>>, vector<1x16xf32>,
          %get3A_553 = vector.shape_cast %get3A_552 : vector<1x16xf32> to vector<16xf32>
          %get3A_554 = arith.index_cast %add3A_479 : i32 to index
          %get3A_555 = arith.constant 48 : index
          %get3A_556 = tpu.vector_load %arg9[%get3A_554, %get3A_555] {strides = array<i32>} : memref<128x128xf32, #tpu.memory_space<vmem>>, vector<1x16xf32>,
          %get3A_557 = vector.shape_cast %get3A_556 : vector<1x16xf32> to vector<16xf32>
          %mul3A_558 = arith.mulf %get3A_553, %get3A_557 : vector<16xf32>
          %swap3A_559 = arith.constant 0 : i32
          %swap3A_560 = arith.constant 0 : i32
          %swap3A_561 = tpu.memref_slice %arg8[%scan3A_110, %swap3A_559, %swap3A_560] : memref<2x128x128xf32, #tpu.memory_space<vmem>> -> memref<1x128x128xf32, #tpu.memory_space<vmem>>
          %swap3A_562 = tpu.memref_squeeze %swap3A_561 : memref<1x128x128xf32, #tpu.memory_space<vmem>> -> memref<128x128xf32, #tpu.memory_space<vmem>>
          %swap3A_563 = arith.index_cast %add3A_479 : i32 to index
          %swap3A_564 = arith.constant 48 : index
          %swap3A_565 = tpu.vector_load %swap3A_562[%swap3A_563, %swap3A_564] {strides = array<i32>} : memref<128x128xf32, #tpu.memory_space<vmem>>, vector<1x16xf32>,
          %swap3A_566 = vector.shape_cast %swap3A_565 : vector<1x16xf32> to vector<16xf32>
          %swap3A_567 = vector.shape_cast %mul3A_558 : vector<16xf32> to vector<1x16xf32>
          tpu.vector_store %swap3A_562[%swap3A_563, %swap3A_564], %swap3A_567 {strides = array<i32>} : memref<128x128xf32, #tpu.memory_space<vmem>>, vector<1x16xf32>,
          %get3A_568 = arith.constant 0 : i32
          %get3A_569 = arith.constant 0 : i32
          %get3A_570 = tpu.memref_slice %arg8[%scan3A_110, %get3A_568, %get3A_569] : memref<2x128x128xf32, #tpu.memory_space<vmem>> -> memref<1x128x128xf32, #tpu.memory_space<vmem>>
          %get3A_571 = tpu.memref_squeeze %get3A_570 : memref<1x128x128xf32, #tpu.memory_space<vmem>> -> memref<128x128xf32, #tpu.memory_space<vmem>>
          %get3A_572 = arith.index_cast %add3A_479 : i32 to index
          %get3A_573 = arith.constant 64 : index
          %get3A_574 = tpu.vector_load %get3A_571[%get3A_572, %get3A_573] {strides = array<i32>} : memref<128x128xf32, #tpu.memory_space<vmem>>, vector<1x16xf32>,
          %get3A_575 = vector.shape_cast %get3A_574 : vector<1x16xf32> to vector<16xf32>
          %get3A_576 = arith.index_cast %add3A_479 : i32 to index
          %get3A_577 = arith.constant 64 : index
          %get3A_578 = tpu.vector_load %arg9[%get3A_576, %get3A_577] {strides = array<i32>} : memref<128x128xf32, #tpu.memory_space<vmem>>, vector<1x16xf32>,
          %get3A_579 = vector.shape_cast %get3A_578 : vector<1x16xf32> to vector<16xf32>
          %mul3A_580 = arith.mulf %get3A_575, %get3A_579 : vector<16xf32>
          %swap3A_581 = arith.constant 0 : i32
          %swap3A_582 = arith.constant 0 : i32
          %swap3A_583 = tpu.memref_slice %arg8[%scan3A_110, %swap3A_581, %swap3A_582] : memref<2x128x128xf32, #tpu.memory_space<vmem>> -> memref<1x128x128xf32, #tpu.memory_space<vmem>>
          %swap3A_584 = tpu.memref_squeeze %swap3A_583 : memref<1x128x128xf32, #tpu.memory_space<vmem>> -> memref<128x128xf32, #tpu.memory_space<vmem>>
          %swap3A_585 = arith.index_cast %add3A_479 : i32 to index
          %swap3A_586 = arith.constant 64 : index
          %swap3A_587 = tpu.vector_load %swap3A_584[%swap3A_585, %swap3A_586] {strides = array<i32>} : memref<128x128xf32, #tpu.memory_space<vmem>>, vector<1x16xf32>,
          %swap3A_588 = vector.shape_cast %swap3A_587 : vector<1x16xf32> to vector<16xf32>
          %swap3A_589 = vector.shape_cast %mul3A_580 : vector<16xf32> to vector<1x16xf32>
          tpu.vector_store %swap3A_584[%swap3A_585, %swap3A_586], %swap3A_589 {strides = array<i32>} : memref<128x128xf32, #tpu.memory_space<vmem>>, vector<1x16xf32>,
          %get3A_590 = arith.constant 0 : i32
          %get3A_591 = arith.constant 0 : i32
          %get3A_592 = tpu.memref_slice %arg8[%scan3A_110, %get3A_590, %get3A_591] : memref<2x128x128xf32, #tpu.memory_space<vmem>> -> memref<1x128x128xf32, #tpu.memory_space<vmem>>
          %get3A_593 = tpu.memref_squeeze %get3A_592 : memref<1x128x128xf32, #tpu.memory_space<vmem>> -> memref<128x128xf32, #tpu.memory_space<vmem>>
          %get3A_594 = arith.index_cast %add3A_479 : i32 to index
          %get3A_595 = arith.constant 80 : index
          %get3A_596 = tpu.vector_load %get3A_593[%get3A_594, %get3A_595] {strides = array<i32>} : memref<128x128xf32, #tpu.memory_space<vmem>>, vector<1x16xf32>,
          %get3A_597 = vector.shape_cast %get3A_596 : vector<1x16xf32> to vector<16xf32>
          %get3A_598 = arith.index_cast %add3A_479 : i32 to index
          %get3A_599 = arith.constant 80 : index
          %get3A_600 = tpu.vector_load %arg9[%get3A_598, %get3A_599] {strides = array<i32>} : memref<128x128xf32, #tpu.memory_space<vmem>>, vector<1x16xf32>,
          %get3A_601 = vector.shape_cast %get3A_600 : vector<1x16xf32> to vector<16xf32>
          %mul3A_602 = arith.mulf %get3A_597, %get3A_601 : vector<16xf32>
          %swap3A_603 = arith.constant 0 : i32
          %swap3A_604 = arith.constant 0 : i32
          %swap3A_605 = tpu.memref_slice %arg8[%scan3A_110, %swap3A_603, %swap3A_604] : memref<2x128x128xf32, #tpu.memory_space<vmem>> -> memref<1x128x128xf32, #tpu.memory_space<vmem>>
          %swap3A_606 = tpu.memref_squeeze %swap3A_605 : memref<1x128x128xf32, #tpu.memory_space<vmem>> -> memref<128x128xf32, #tpu.memory_space<vmem>>
          %swap3A_607 = arith.index_cast %add3A_479 : i32 to index
          %swap3A_608 = arith.constant 80 : index
          %swap3A_609 = tpu.vector_load %swap3A_606[%swap3A_607, %swap3A_608] {strides = array<i32>} : memref<128x128xf32, #tpu.memory_space<vmem>>, vector<1x16xf32>,
          %swap3A_610 = vector.shape_cast %swap3A_609 : vector<1x16xf32> to vector<16xf32>
          %swap3A_611 = vector.shape_cast %mul3A_602 : vector<16xf32> to vector<1x16xf32>
          tpu.vector_store %swap3A_606[%swap3A_607, %swap3A_608], %swap3A_611 {strides = array<i32>} : memref<128x128xf32, #tpu.memory_space<vmem>>, vector<1x16xf32>,
          %get3A_612 = arith.constant 0 : i32
          %get3A_613 = arith.constant 0 : i32
          %get3A_614 = tpu.memref_slice %arg8[%scan3A_110, %get3A_612, %get3A_613] : memref<2x128x128xf32, #tpu.memory_space<vmem>> -> memref<1x128x128xf32, #tpu.memory_space<vmem>>
          %get3A_615 = tpu.memref_squeeze %get3A_614 : memref<1x128x128xf32, #tpu.memory_space<vmem>> -> memref<128x128xf32, #tpu.memory_space<vmem>>
          %get3A_616 = arith.index_cast %add3A_479 : i32 to index
          %get3A_617 = arith.constant 96 : index
          %get3A_618 = tpu.vector_load %get3A_615[%get3A_616, %get3A_617] {strides = array<i32>} : memref<128x128xf32, #tpu.memory_space<vmem>>, vector<1x16xf32>,
          %get3A_619 = vector.shape_cast %get3A_618 : vector<1x16xf32> to vector<16xf32>
          %get3A_620 = arith.index_cast %add3A_479 : i32 to index
          %get3A_621 = arith.constant 96 : index
          %get3A_622 = tpu.vector_load %arg9[%get3A_620, %get3A_621] {strides = array<i32>} : memref<128x128xf32, #tpu.memory_space<vmem>>, vector<1x16xf32>,
          %get3A_623 = vector.shape_cast %get3A_622 : vector<1x16xf32> to vector<16xf32>
          %mul3A_624 = arith.mulf %get3A_619, %get3A_623 : vector<16xf32>
          %swap3A_625 = arith.constant 0 : i32
          %swap3A_626 = arith.constant 0 : i32
          %swap3A_627 = tpu.memref_slice %arg8[%scan3A_110, %swap3A_625, %swap3A_626] : memref<2x128x128xf32, #tpu.memory_space<vmem>> -> memref<1x128x128xf32, #tpu.memory_space<vmem>>
          %swap3A_628 = tpu.memref_squeeze %swap3A_627 : memref<1x128x128xf32, #tpu.memory_space<vmem>> -> memref<128x128xf32, #tpu.memory_space<vmem>>
          %swap3A_629 = arith.index_cast %add3A_479 : i32 to index
          %swap3A_630 = arith.constant 96 : index
          %swap3A_631 = tpu.vector_load %swap3A_628[%swap3A_629, %swap3A_630] {strides = array<i32>} : memref<128x128xf32, #tpu.memory_space<vmem>>, vector<1x16xf32>,
          %swap3A_632 = vector.shape_cast %swap3A_631 : vector<1x16xf32> to vector<16xf32>
          %swap3A_633 = vector.shape_cast %mul3A_624 : vector<16xf32> to vector<1x16xf32>
          tpu.vector_store %swap3A_628[%swap3A_629, %swap3A_630], %swap3A_633 {strides = array<i32>} : memref<128x128xf32, #tpu.memory_space<vmem>>, vector<1x16xf32>,
          %get3A_634 = arith.constant 0 : i32
          %get3A_635 = arith.constant 0 : i32
          %get3A_636 = tpu.memref_slice %arg8[%scan3A_110, %get3A_634, %get3A_635] : memref<2x128x128xf32, #tpu.memory_space<vmem>> -> memref<1x128x128xf32, #tpu.memory_space<vmem>>
          %get3A_637 = tpu.memref_squeeze %get3A_636 : memref<1x128x128xf32, #tpu.memory_space<vmem>> -> memref<128x128xf32, #tpu.memory_space<vmem>>
          %get3A_638 = arith.index_cast %add3A_479 : i32 to index
          %get3A_639 = arith.constant 112 : index
          %get3A_640 = tpu.vector_load %get3A_637[%get3A_638, %get3A_639] {strides = array<i32>} : memref<128x128xf32, #tpu.memory_space<vmem>>, vector<1x16xf32>,
          %get3A_641 = vector.shape_cast %get3A_640 : vector<1x16xf32> to vector<16xf32>
          %get3A_642 = arith.index_cast %add3A_479 : i32 to index
          %get3A_643 = arith.constant 112 : index
          %get3A_644 = tpu.vector_load %arg9[%get3A_642, %get3A_643] {strides = array<i32>} : memref<128x128xf32, #tpu.memory_space<vmem>>, vector<1x16xf32>,
          %get3A_645 = vector.shape_cast %get3A_644 : vector<1x16xf32> to vector<16xf32>
          %mul3A_646 = arith.mulf %get3A_641, %get3A_645 : vector<16xf32>
          %swap3A_647 = arith.constant 0 : i32
          %swap3A_648 = arith.constant 0 : i32
          %swap3A_649 = tpu.memref_slice %arg8[%scan3A_110, %swap3A_647, %swap3A_648] : memref<2x128x128xf32, #tpu.memory_space<vmem>> -> memref<1x128x128xf32, #tpu.memory_space<vmem>>
          %swap3A_650 = tpu.memref_squeeze %swap3A_649 : memref<1x128x128xf32, #tpu.memory_space<vmem>> -> memref<128x128xf32, #tpu.memory_space<vmem>>
          %swap3A_651 = arith.index_cast %add3A_479 : i32 to index
          %swap3A_652 = arith.constant 112 : index
          %swap3A_653 = tpu.vector_load %swap3A_650[%swap3A_651, %swap3A_652] {strides = array<i32>} : memref<128x128xf32, #tpu.memory_space<vmem>>, vector<1x16xf32>,
          %swap3A_654 = vector.shape_cast %swap3A_653 : vector<1x16xf32> to vector<16xf32>
          %swap3A_655 = vector.shape_cast %mul3A_646 : vector<16xf32> to vector<1x16xf32>
          tpu.vector_store %swap3A_650[%swap3A_651, %swap3A_652], %swap3A_655 {strides = array<i32>} : memref<128x128xf32, #tpu.memory_space<vmem>>, vector<1x16xf32>,
          %mul3A_656 = arith.constant 4 : i32
          %mul3A_657 = arith.muli %scan3A_117, %mul3A_656 : i32
          %add3A_658 = arith.constant 3 : i32
          %add3A_659 = arith.addi %mul3A_657, %add3A_658 : i32
          %get3A_660 = arith.constant 0 : i32
          %get3A_661 = arith.constant 0 : i32
          %get3A_662 = tpu.memref_slice %arg8[%scan3A_110, %get3A_660, %get3A_661] : memref<2x128x128xf32, #tpu.memory_space<vmem>> -> memref<1x128x128xf32, #tpu.memory_space<vmem>>
          %get3A_663 = tpu.memref_squeeze %get3A_662 : memref<1x128x128xf32, #tpu.memory_space<vmem>> -> memref<128x128xf32, #tpu.memory_space<vmem>>
          %get3A_664 = arith.index_cast %add3A_659 : i32 to index
          %get3A_665 = arith.constant 0 : index
          %get3A_666 = tpu.vector_load %get3A_663[%get3A_664, %get3A_665] {strides = array<i32>} : memref<128x128xf32, #tpu.memory_space<vmem>>, vector<1x16xf32>,
          %get3A_667 = vector.shape_cast %get3A_666 : vector<1x16xf32> to vector<16xf32>
          %get3A_668 = arith.index_cast %add3A_659 : i32 to index
          %get3A_669 = arith.constant 0 : index
          %get3A_670 = tpu.vector_load %arg9[%get3A_668, %get3A_669] {strides = array<i32>} : memref<128x128xf32, #tpu.memory_space<vmem>>, vector<1x16xf32>,
          %get3A_671 = vector.shape_cast %get3A_670 : vector<1x16xf32> to vector<16xf32>
          %mul3A_672 = arith.mulf %get3A_667, %get3A_671 : vector<16xf32>
          %swap3A_673 = arith.constant 0 : i32
          %swap3A_674 = arith.constant 0 : i32
          %swap3A_675 = tpu.memref_slice %arg8[%scan3A_110, %swap3A_673, %swap3A_674] : memref<2x128x128xf32, #tpu.memory_space<vmem>> -> memref<1x128x128xf32, #tpu.memory_space<vmem>>
          %swap3A_676 = tpu.memref_squeeze %swap3A_675 : memref<1x128x128xf32, #tpu.memory_space<vmem>> -> memref<128x128xf32, #tpu.memory_space<vmem>>
          %swap3A_677 = arith.index_cast %add3A_659 : i32 to index
          %swap3A_678 = arith.constant 0 : index
          %swap3A_679 = tpu.vector_load %swap3A_676[%swap3A_677, %swap3A_678] {strides = array<i32>} : memref<128x128xf32, #tpu.memory_space<vmem>>, vector<1x16xf32>,
          %swap3A_680 = vector.shape_cast %swap3A_679 : vector<1x16xf32> to vector<16xf32>
          %swap3A_681 = vector.shape_cast %mul3A_672 : vector<16xf32> to vector<1x16xf32>
          tpu.vector_store %swap3A_676[%swap3A_677, %swap3A_678], %swap3A_681 {strides = array<i32>} : memref<128x128xf32, #tpu.memory_space<vmem>>, vector<1x16xf32>,
          %get3A_682 = arith.constant 0 : i32
          %get3A_683 = arith.constant 0 : i32
          %get3A_684 = tpu.memref_slice %arg8[%scan3A_110, %get3A_682, %get3A_683] : memref<2x128x128xf32, #tpu.memory_space<vmem>> -> memref<1x128x128xf32, #tpu.memory_space<vmem>>
          %get3A_685 = tpu.memref_squeeze %get3A_684 : memref<1x128x128xf32, #tpu.memory_space<vmem>> -> memref<128x128xf32, #tpu.memory_space<vmem>>
          %get3A_686 = arith.index_cast %add3A_659 : i32 to index
          %get3A_687 = arith.constant 16 : index
          %get3A_688 = tpu.vector_load %get3A_685[%get3A_686, %get3A_687] {strides = array<i32>} : memref<128x128xf32, #tpu.memory_space<vmem>>, vector<1x16xf32>,
          %get3A_689 = vector.shape_cast %get3A_688 : vector<1x16xf32> to vector<16xf32>
          %get3A_690 = arith.index_cast %add3A_659 : i32 to index
          %get3A_691 = arith.constant 16 : index
          %get3A_692 = tpu.vector_load %arg9[%get3A_690, %get3A_691] {strides = array<i32>} : memref<128x128xf32, #tpu.memory_space<vmem>>, vector<1x16xf32>,
          %get3A_693 = vector.shape_cast %get3A_692 : vector<1x16xf32> to vector<16xf32>
          %mul3A_694 = arith.mulf %get3A_689, %get3A_693 : vector<16xf32>
          %swap3A_695 = arith.constant 0 : i32
          %swap3A_696 = arith.constant 0 : i32
          %swap3A_697 = tpu.memref_slice %arg8[%scan3A_110, %swap3A_695, %swap3A_696] : memref<2x128x128xf32, #tpu.memory_space<vmem>> -> memref<1x128x128xf32, #tpu.memory_space<vmem>>
          %swap3A_698 = tpu.memref_squeeze %swap3A_697 : memref<1x128x128xf32, #tpu.memory_space<vmem>> -> memref<128x128xf32, #tpu.memory_space<vmem>>
          %swap3A_699 = arith.index_cast %add3A_659 : i32 to index
          %swap3A_700 = arith.constant 16 : index
          %swap3A_701 = tpu.vector_load %swap3A_698[%swap3A_699, %swap3A_700] {strides = array<i32>} : memref<128x128xf32, #tpu.memory_space<vmem>>, vector<1x16xf32>,
          %swap3A_702 = vector.shape_cast %swap3A_701 : vector<1x16xf32> to vector<16xf32>
          %swap3A_703 = vector.shape_cast %mul3A_694 : vector<16xf32> to vector<1x16xf32>
          tpu.vector_store %swap3A_698[%swap3A_699, %swap3A_700], %swap3A_703 {strides = array<i32>} : memref<128x128xf32, #tpu.memory_space<vmem>>, vector<1x16xf32>,
          %get3A_704 = arith.constant 0 : i32
          %get3A_705 = arith.constant 0 : i32
          %get3A_706 = tpu.memref_slice %arg8[%scan3A_110, %get3A_704, %get3A_705] : memref<2x128x128xf32, #tpu.memory_space<vmem>> -> memref<1x128x128xf32, #tpu.memory_space<vmem>>
          %get3A_707 = tpu.memref_squeeze %get3A_706 : memref<1x128x128xf32, #tpu.memory_space<vmem>> -> memref<128x128xf32, #tpu.memory_space<vmem>>
          %get3A_708 = arith.index_cast %add3A_659 : i32 to index
          %get3A_709 = arith.constant 32 : index
          %get3A_710 = tpu.vector_load %get3A_707[%get3A_708, %get3A_709] {strides = array<i32>} : memref<128x128xf32, #tpu.memory_space<vmem>>, vector<1x16xf32>,
          %get3A_711 = vector.shape_cast %get3A_710 : vector<1x16xf32> to vector<16xf32>
          %get3A_712 = arith.index_cast %add3A_659 : i32 to index
          %get3A_713 = arith.constant 32 : index
          %get3A_714 = tpu.vector_load %arg9[%get3A_712, %get3A_713] {strides = array<i32>} : memref<128x128xf32, #tpu.memory_space<vmem>>, vector<1x16xf32>,
          %get3A_715 = vector.shape_cast %get3A_714 : vector<1x16xf32> to vector<16xf32>
          %mul3A_716 = arith.mulf %get3A_711, %get3A_715 : vector<16xf32>
          %swap3A_717 = arith.constant 0 : i32
          %swap3A_718 = arith.constant 0 : i32
          %swap3A_719 = tpu.memref_slice %arg8[%scan3A_110, %swap3A_717, %swap3A_718] : memref<2x128x128xf32, #tpu.memory_space<vmem>> -> memref<1x128x128xf32, #tpu.memory_space<vmem>>
          %swap3A_720 = tpu.memref_squeeze %swap3A_719 : memref<1x128x128xf32, #tpu.memory_space<vmem>> -> memref<128x128xf32, #tpu.memory_space<vmem>>
          %swap3A_721 = arith.index_cast %add3A_659 : i32 to index
          %swap3A_722 = arith.constant 32 : index
          %swap3A_723 = tpu.vector_load %swap3A_720[%swap3A_721, %swap3A_722] {strides = array<i32>} : memref<128x128xf32, #tpu.memory_space<vmem>>, vector<1x16xf32>,
          %swap3A_724 = vector.shape_cast %swap3A_723 : vector<1x16xf32> to vector<16xf32>
          %swap3A_725 = vector.shape_cast %mul3A_716 : vector<16xf32> to vector<1x16xf32>
          tpu.vector_store %swap3A_720[%swap3A_721, %swap3A_722], %swap3A_725 {strides = array<i32>} : memref<128x128xf32, #tpu.memory_space<vmem>>, vector<1x16xf32>,
          %get3A_726 = arith.constant 0 : i32
          %get3A_727 = arith.constant 0 : i32
          %get3A_728 = tpu.memref_slice %arg8[%scan3A_110, %get3A_726, %get3A_727] : memref<2x128x128xf32, #tpu.memory_space<vmem>> -> memref<1x128x128xf32, #tpu.memory_space<vmem>>
          %get3A_729 = tpu.memref_squeeze %get3A_728 : memref<1x128x128xf32, #tpu.memory_space<vmem>> -> memref<128x128xf32, #tpu.memory_space<vmem>>
          %get3A_730 = arith.index_cast %add3A_659 : i32 to index
          %get3A_731 = arith.constant 48 : index
          %get3A_732 = tpu.vector_load %get3A_729[%get3A_730, %get3A_731] {strides = array<i32>} : memref<128x128xf32, #tpu.memory_space<vmem>>, vector<1x16xf32>,
          %get3A_733 = vector.shape_cast %get3A_732 : vector<1x16xf32> to vector<16xf32>
          %get3A_734 = arith.index_cast %add3A_659 : i32 to index
          %get3A_735 = arith.constant 48 : index
          %get3A_736 = tpu.vector_load %arg9[%get3A_734, %get3A_735] {strides = array<i32>} : memref<128x128xf32, #tpu.memory_space<vmem>>, vector<1x16xf32>,
          %get3A_737 = vector.shape_cast %get3A_736 : vector<1x16xf32> to vector<16xf32>
          %mul3A_738 = arith.mulf %get3A_733, %get3A_737 : vector<16xf32>
          %swap3A_739 = arith.constant 0 : i32
          %swap3A_740 = arith.constant 0 : i32
          %swap3A_741 = tpu.memref_slice %arg8[%scan3A_110, %swap3A_739, %swap3A_740] : memref<2x128x128xf32, #tpu.memory_space<vmem>> -> memref<1x128x128xf32, #tpu.memory_space<vmem>>
          %swap3A_742 = tpu.memref_squeeze %swap3A_741 : memref<1x128x128xf32, #tpu.memory_space<vmem>> -> memref<128x128xf32, #tpu.memory_space<vmem>>
          %swap3A_743 = arith.index_cast %add3A_659 : i32 to index
          %swap3A_744 = arith.constant 48 : index
          %swap3A_745 = tpu.vector_load %swap3A_742[%swap3A_743, %swap3A_744] {strides = array<i32>} : memref<128x128xf32, #tpu.memory_space<vmem>>, vector<1x16xf32>,
          %swap3A_746 = vector.shape_cast %swap3A_745 : vector<1x16xf32> to vector<16xf32>
          %swap3A_747 = vector.shape_cast %mul3A_738 : vector<16xf32> to vector<1x16xf32>
          tpu.vector_store %swap3A_742[%swap3A_743, %swap3A_744], %swap3A_747 {strides = array<i32>} : memref<128x128xf32, #tpu.memory_space<vmem>>, vector<1x16xf32>,
          %get3A_748 = arith.constant 0 : i32
          %get3A_749 = arith.constant 0 : i32
          %get3A_750 = tpu.memref_slice %arg8[%scan3A_110, %get3A_748, %get3A_749] : memref<2x128x128xf32, #tpu.memory_space<vmem>> -> memref<1x128x128xf32, #tpu.memory_space<vmem>>
          %get3A_751 = tpu.memref_squeeze %get3A_750 : memref<1x128x128xf32, #tpu.memory_space<vmem>> -> memref<128x128xf32, #tpu.memory_space<vmem>>
          %get3A_752 = arith.index_cast %add3A_659 : i32 to index
          %get3A_753 = arith.constant 64 : index
          %get3A_754 = tpu.vector_load %get3A_751[%get3A_752, %get3A_753] {strides = array<i32>} : memref<128x128xf32, #tpu.memory_space<vmem>>, vector<1x16xf32>,
          %get3A_755 = vector.shape_cast %get3A_754 : vector<1x16xf32> to vector<16xf32>
          %get3A_756 = arith.index_cast %add3A_659 : i32 to index
          %get3A_757 = arith.constant 64 : index
          %get3A_758 = tpu.vector_load %arg9[%get3A_756, %get3A_757] {strides = array<i32>} : memref<128x128xf32, #tpu.memory_space<vmem>>, vector<1x16xf32>,
          %get3A_759 = vector.shape_cast %get3A_758 : vector<1x16xf32> to vector<16xf32>
          %mul3A_760 = arith.mulf %get3A_755, %get3A_759 : vector<16xf32>
          %swap3A_761 = arith.constant 0 : i32
          %swap3A_762 = arith.constant 0 : i32
          %swap3A_763 = tpu.memref_slice %arg8[%scan3A_110, %swap3A_761, %swap3A_762] : memref<2x128x128xf32, #tpu.memory_space<vmem>> -> memref<1x128x128xf32, #tpu.memory_space<vmem>>
          %swap3A_764 = tpu.memref_squeeze %swap3A_763 : memref<1x128x128xf32, #tpu.memory_space<vmem>> -> memref<128x128xf32, #tpu.memory_space<vmem>>
          %swap3A_765 = arith.index_cast %add3A_659 : i32 to index
          %swap3A_766 = arith.constant 64 : index
          %swap3A_767 = tpu.vector_load %swap3A_764[%swap3A_765, %swap3A_766] {strides = array<i32>} : memref<128x128xf32, #tpu.memory_space<vmem>>, vector<1x16xf32>,
          %swap3A_768 = vector.shape_cast %swap3A_767 : vector<1x16xf32> to vector<16xf32>
          %swap3A_769 = vector.shape_cast %mul3A_760 : vector<16xf32> to vector<1x16xf32>
          tpu.vector_store %swap3A_764[%swap3A_765, %swap3A_766], %swap3A_769 {strides = array<i32>} : memref<128x128xf32, #tpu.memory_space<vmem>>, vector<1x16xf32>,
          %get3A_770 = arith.constant 0 : i32
          %get3A_771 = arith.constant 0 : i32
          %get3A_772 = tpu.memref_slice %arg8[%scan3A_110, %get3A_770, %get3A_771] : memref<2x128x128xf32, #tpu.memory_space<vmem>> -> memref<1x128x128xf32, #tpu.memory_space<vmem>>
          %get3A_773 = tpu.memref_squeeze %get3A_772 : memref<1x128x128xf32, #tpu.memory_space<vmem>> -> memref<128x128xf32, #tpu.memory_space<vmem>>
          %get3A_774 = arith.index_cast %add3A_659 : i32 to index
          %get3A_775 = arith.constant 80 : index
          %get3A_776 = tpu.vector_load %get3A_773[%get3A_774, %get3A_775] {strides = array<i32>} : memref<128x128xf32, #tpu.memory_space<vmem>>, vector<1x16xf32>,
          %get3A_777 = vector.shape_cast %get3A_776 : vector<1x16xf32> to vector<16xf32>
          %get3A_778 = arith.index_cast %add3A_659 : i32 to index
          %get3A_779 = arith.constant 80 : index
          %get3A_780 = tpu.vector_load %arg9[%get3A_778, %get3A_779] {strides = array<i32>} : memref<128x128xf32, #tpu.memory_space<vmem>>, vector<1x16xf32>,
          %get3A_781 = vector.shape_cast %get3A_780 : vector<1x16xf32> to vector<16xf32>
          %mul3A_782 = arith.mulf %get3A_777, %get3A_781 : vector<16xf32>
          %swap3A_783 = arith.constant 0 : i32
          %swap3A_784 = arith.constant 0 : i32
          %swap3A_785 = tpu.memref_slice %arg8[%scan3A_110, %swap3A_783, %swap3A_784] : memref<2x128x128xf32, #tpu.memory_space<vmem>> -> memref<1x128x128xf32, #tpu.memory_space<vmem>>
          %swap3A_786 = tpu.memref_squeeze %swap3A_785 : memref<1x128x128xf32, #tpu.memory_space<vmem>> -> memref<128x128xf32, #tpu.memory_space<vmem>>
          %swap3A_787 = arith.index_cast %add3A_659 : i32 to index
          %swap3A_788 = arith.constant 80 : index
          %swap3A_789 = tpu.vector_load %swap3A_786[%swap3A_787, %swap3A_788] {strides = array<i32>} : memref<128x128xf32, #tpu.memory_space<vmem>>, vector<1x16xf32>,
          %swap3A_790 = vector.shape_cast %swap3A_789 : vector<1x16xf32> to vector<16xf32>
          %swap3A_791 = vector.shape_cast %mul3A_782 : vector<16xf32> to vector<1x16xf32>
          tpu.vector_store %swap3A_786[%swap3A_787, %swap3A_788], %swap3A_791 {strides = array<i32>} : memref<128x128xf32, #tpu.memory_space<vmem>>, vector<1x16xf32>,
          %get3A_792 = arith.constant 0 : i32
          %get3A_793 = arith.constant 0 : i32
          %get3A_794 = tpu.memref_slice %arg8[%scan3A_110, %get3A_792, %get3A_793] : memref<2x128x128xf32, #tpu.memory_space<vmem>> -> memref<1x128x128xf32, #tpu.memory_space<vmem>>
          %get3A_795 = tpu.memref_squeeze %get3A_794 : memref<1x128x128xf32, #tpu.memory_space<vmem>> -> memref<128x128xf32, #tpu.memory_space<vmem>>
          %get3A_796 = arith.index_cast %add3A_659 : i32 to index
          %get3A_797 = arith.constant 96 : index
          %get3A_798 = tpu.vector_load %get3A_795[%get3A_796, %get3A_797] {strides = array<i32>} : memref<128x128xf32, #tpu.memory_space<vmem>>, vector<1x16xf32>,
          %get3A_799 = vector.shape_cast %get3A_798 : vector<1x16xf32> to vector<16xf32>
          %get3A_800 = arith.index_cast %add3A_659 : i32 to index
          %get3A_801 = arith.constant 96 : index
          %get3A_802 = tpu.vector_load %arg9[%get3A_800, %get3A_801] {strides = array<i32>} : memref<128x128xf32, #tpu.memory_space<vmem>>, vector<1x16xf32>,
          %get3A_803 = vector.shape_cast %get3A_802 : vector<1x16xf32> to vector<16xf32>
          %mul3A_804 = arith.mulf %get3A_799, %get3A_803 : vector<16xf32>
          %swap3A_805 = arith.constant 0 : i32
          %swap3A_806 = arith.constant 0 : i32
          %swap3A_807 = tpu.memref_slice %arg8[%scan3A_110, %swap3A_805, %swap3A_806] : memref<2x128x128xf32, #tpu.memory_space<vmem>> -> memref<1x128x128xf32, #tpu.memory_space<vmem>>
          %swap3A_808 = tpu.memref_squeeze %swap3A_807 : memref<1x128x128xf32, #tpu.memory_space<vmem>> -> memref<128x128xf32, #tpu.memory_space<vmem>>
          %swap3A_809 = arith.index_cast %add3A_659 : i32 to index
          %swap3A_810 = arith.constant 96 : index
          %swap3A_811 = tpu.vector_load %swap3A_808[%swap3A_809, %swap3A_810] {strides = array<i32>} : memref<128x128xf32, #tpu.memory_space<vmem>>, vector<1x16xf32>,
          %swap3A_812 = vector.shape_cast %swap3A_811 : vector<1x16xf32> to vector<16xf32>
          %swap3A_813 = vector.shape_cast %mul3A_804 : vector<16xf32> to vector<1x16xf32>
          tpu.vector_store %swap3A_808[%swap3A_809, %swap3A_810], %swap3A_813 {strides = array<i32>} : memref<128x128xf32, #tpu.memory_space<vmem>>, vector<1x16xf32>,
          %get3A_814 = arith.constant 0 : i32
          %get3A_815 = arith.constant 0 : i32
          %get3A_816 = tpu.memref_slice %arg8[%scan3A_110, %get3A_814, %get3A_815] : memref<2x128x128xf32, #tpu.memory_space<vmem>> -> memref<1x128x128xf32, #tpu.memory_space<vmem>>
          %get3A_817 = tpu.memref_squeeze %get3A_816 : memref<1x128x128xf32, #tpu.memory_space<vmem>> -> memref<128x128xf32, #tpu.memory_space<vmem>>
          %get3A_818 = arith.index_cast %add3A_659 : i32 to index
          %get3A_819 = arith.constant 112 : index
          %get3A_820 = tpu.vector_load %get3A_817[%get3A_818, %get3A_819] {strides = array<i32>} : memref<128x128xf32, #tpu.memory_space<vmem>>, vector<1x16xf32>,
          %get3A_821 = vector.shape_cast %get3A_820 : vector<1x16xf32> to vector<16xf32>
          %get3A_822 = arith.index_cast %add3A_659 : i32 to index
          %get3A_823 = arith.constant 112 : index
          %get3A_824 = tpu.vector_load %arg9[%get3A_822, %get3A_823] {strides = array<i32>} : memref<128x128xf32, #tpu.memory_space<vmem>>, vector<1x16xf32>,
          %get3A_825 = vector.shape_cast %get3A_824 : vector<1x16xf32> to vector<16xf32>
          %mul3A_826 = arith.mulf %get3A_821, %get3A_825 : vector<16xf32>
          %swap3A_827 = arith.constant 0 : i32
          %swap3A_828 = arith.constant 0 : i32
          %swap3A_829 = tpu.memref_slice %arg8[%scan3A_110, %swap3A_827, %swap3A_828] : memref<2x128x128xf32, #tpu.memory_space<vmem>> -> memref<1x128x128xf32, #tpu.memory_space<vmem>>
          %swap3A_830 = tpu.memref_squeeze %swap3A_829 : memref<1x128x128xf32, #tpu.memory_space<vmem>> -> memref<128x128xf32, #tpu.memory_space<vmem>>
          %swap3A_831 = arith.index_cast %add3A_659 : i32 to index
          %swap3A_832 = arith.constant 112 : index
          %swap3A_833 = tpu.vector_load %swap3A_830[%swap3A_831, %swap3A_832] {strides = array<i32>} : memref<128x128xf32, #tpu.memory_space<vmem>>, vector<1x16xf32>,
          %swap3A_834 = vector.shape_cast %swap3A_833 : vector<1x16xf32> to vector<16xf32>
          %swap3A_835 = vector.shape_cast %mul3A_826 : vector<16xf32> to vector<1x16xf32>
          tpu.vector_store %swap3A_830[%swap3A_831, %swap3A_832], %swap3A_835 {strides = array<i32>} : memref<128x128xf32, #tpu.memory_space<vmem>>, vector<1x16xf32>,
        }
        %scan3A_115 = arith.constant 32 : i32
        %run_scoped3A = arith.constant 0 : i32
        %run_scoped3A_116 = arith.constant 0 : i32
        "tpu.region"() ({
          %run_scoped3A_117 = tpu.sem_alloc : memref<!tpu.dma_semaphore, #tpu.memory_space<semaphore_mem>>
          %dma_start3A = arith.constant 0 : i32
          %dma_start3A_118 = arith.constant 0 : i32
          %dma_start3A_119 = tpu.memref_slice %arg8[%run_scoped3A, %dma_start3A, %dma_start3A_118] : memref<2x128x128xf32, #tpu.memory_space<vmem>> -> memref<1x128x128xf32, #tpu.memory_space<vmem>>
          %dma_start3A_120 = tpu.memref_squeeze %dma_start3A_119 : memref<1x128x128xf32, #tpu.memory_space<vmem>> -> memref<128x128xf32, #tpu.memory_space<vmem>>
          %dma_start3A_121 = arith.constant 0 : i32
          %dma_start3A_122 = tpu.memref_slice %arg7[%run_scoped3A_116, %dma_start3A_121] : memref<2x128xi32, #tpu.memory_space<vmem>> -> memref<1x128xi32, #tpu.memory_space<vmem>>
          %dma_start3A_123 = tpu.memref_squeeze %dma_start3A_122 : memref<1x128xi32, #tpu.memory_space<vmem>> -> memref<128xi32, #tpu.memory_space<vmem>>
          %dma_start3A_124 = arith.constant 0 : i32
          %dma_start3A_125 = arith.constant 0 : i32
          %dma_start3A_126 = tpu.memref_slice %arg11[%dma_start3A_124, %dma_start3A_125] : memref<10000x128xf32, #tpu.memory_space<vmem_shared>> -> memref<10000x128xf32, #tpu.memory_space<vmem_shared>>
          tpu.enqueue_indirect_dma source(%dma_start3A_120 : memref<128x128xf32, #tpu.memory_space<vmem>>) target(%dma_start3A_126 : memref<10000x128xf32, #tpu.memory_space<vmem_shared>>) offsets(%dma_start3A_123 : memref<128xi32, #tpu.memory_space<vmem>>) semaphore(%run_scoped3A_117 : memref<!tpu.dma_semaphore, #tpu.memory_space<semaphore_mem>>) {add = true}
          %dma_wait3A_127 = arith.constant 0 : i32
          %dma_wait3A_128 = arith.constant 0 : i32
          %dma_wait3A_129 = tpu.memref_slice %arg8[%run_scoped3A, %dma_wait3A_127, %dma_wait3A_128] : memref<2x128x128xf32, #tpu.memory_space<vmem>> -> memref<1x128x128xf32, #tpu.memory_space<vmem>>
          %dma_wait3A_130 = tpu.memref_squeeze %dma_wait3A_129 : memref<1x128x128xf32, #tpu.memory_space<vmem>> -> memref<128x128xf32, #tpu.memory_space<vmem>>
          %dma_wait3A_131 = arith.constant 0 : i32
          %dma_wait3A_132 = tpu.memref_slice %arg7[%run_scoped3A_116, %dma_wait3A_131] : memref<2x128xi32, #tpu.memory_space<vmem>> -> memref<1x128xi32, #tpu.memory_space<vmem>>
          %dma_wait3A_133 = tpu.memref_squeeze %dma_wait3A_132 : memref<1x128xi32, #tpu.memory_space<vmem>> -> memref<128xi32, #tpu.memory_space<vmem>>
          %dma_wait3A_134 = arith.constant 0 : i32
          %dma_wait3A_135 = arith.constant 0 : i32
          %dma_wait3A_136 = tpu.memref_slice %arg11[%dma_wait3A_134, %dma_wait3A_135] : memref<10000x128xf32, #tpu.memory_space<vmem_shared>> -> memref<10000x128xf32, #tpu.memory_space<vmem_shared>>
          tpu.wait_indirect_dma semaphore(%run_scoped3A_117 : memref<!tpu.dma_semaphore, #tpu.memory_space<semaphore_mem>>) src(%dma_wait3A_130 : memref<128x128xf32, #tpu.memory_space<vmem>>) dst(%dma_wait3A_136 : memref<10000x128xf32, #tpu.memory_space<vmem_shared>>)
          tpu.yield
        }) : () -> ()
      } else {
      }
      %mul3A_71 = arith.constant 2 : i32
      %mul3A_72 = arith.muli %scan3A_58, %mul3A_71 : i32
      %add3A_73 = arith.constant 1 : i32
      %add3A_74 = arith.addi %mul3A_72, %add3A_73 : i32
      %mul3A_75 = arith.constant 32 : i32
      %mul3A_76 = arith.muli %add3A_74, %mul3A_75 : i32
      %add3A_77 = arith.addi %mul3A_76, %add3A : i32
      %lt3A_78 = arith.constant 1250 : i32
      %lt3A_79 = arith.cmpi slt, %add3A_77, %lt3A_78 : i32
      %convert_element_type3A_80 = arith.extui %lt3A_79 : i1 to i32
      %cond3A_81 = arith.constant 0 : i32
      %cond3A_82 = arith.cmpi ne, %convert_element_type3A_80, %cond3A_81 : i32
      scf.if %cond3A_82 {
        %dma_wait3A = arith.constant 1 : i32
        %dma_wait3A_83 = arith.constant 0 : i32
        %dma_wait3A_84 = arith.constant 0 : i32
        %dma_wait3A_85 = tpu.memref_slice %arg8[%dma_wait3A, %dma_wait3A_83, %dma_wait3A_84] : memref<2x128x128xf32, #tpu.memory_space<vmem>> -> memref<1x128x128xf32, #tpu.memory_space<vmem>>
        %dma_wait3A_86 = tpu.memref_squeeze %dma_wait3A_85 : memref<1x128x128xf32, #tpu.memory_space<vmem>> -> memref<128x128xf32, #tpu.memory_space<vmem>>
        %dma_wait3A_87 = arith.constant 0 : i32
        %dma_wait3A_88 = arith.constant 0 : i32
        %dma_wait3A_89 = tpu.memref_slice %arg2[%dma_wait3A_87, %dma_wait3A_88] : memref<10000x128xf32, #tpu.memory_space<hbm>> -> memref<128x128xf32, #tpu.memory_space<hbm>>
        %dma_wait3A_90 = arith.constant 0 : i32
        %dma_wait3A_91 = arith.constant 0 : i32
        %dma_wait3A_92 = tpu.memref_slice %arg8[%dma_wait3A, %dma_wait3A_90, %dma_wait3A_91] : memref<2x128x128xf32, #tpu.memory_space<vmem>> -> memref<1x128x128xf32, #tpu.memory_space<vmem>>
        %dma_wait3A_93 = tpu.memref_squeeze %dma_wait3A_92 : memref<1x128x128xf32, #tpu.memory_space<vmem>> -> memref<128x128xf32, #tpu.memory_space<vmem>>
        %dma_wait3A_94 = arith.constant 0 : i32
        %dma_wait3A_95 = arith.constant 0 : i32
        %dma_wait3A_96 = tpu.memref_slice %arg2[%dma_wait3A_94, %dma_wait3A_95] : memref<10000x128xf32, #tpu.memory_space<hbm>> -> memref<128x128xf32, #tpu.memory_space<hbm>>
        tpu.wait_dma2 semaphore(%arg13 : memref<!tpu.dma_semaphore, #tpu.memory_space<semaphore_mem>>) src(%dma_wait3A_96 : memref<128x128xf32, #tpu.memory_space<hbm>>) dst(%dma_wait3A_93 : memref<128x128xf32, #tpu.memory_space<vmem>>)
        %add3A_97 = arith.constant 1 : i32
        %add3A_98 = arith.addi %add3A_74, %add3A_97 : i32
        %mul3A_99 = arith.constant 32 : i32
        %mul3A_100 = arith.muli %add3A_98, %mul3A_99 : i32
        %add3A_101 = arith.addi %mul3A_100, %add3A : i32
        %lt3A_102 = arith.constant 1250 : i32
        %lt3A_103 = arith.cmpi slt, %add3A_101, %lt3A_102 : i32
        %convert_element_type3A_104 = arith.extui %lt3A_103 : i1 to i32
        %cond3A_105 = arith.constant 0 : i32
        %cond3A_106 = arith.cmpi ne, %convert_element_type3A_104, %cond3A_105 : i32
        scf.if %cond3A_106 {
          %mul3A_117 = arith.constant 128 : i32
          %mul3A_118 = arith.muli %add3A_101, %mul3A_117 : i32
          %run_scoped3A_119 = arith.constant 0 : i32
          "tpu.region"() ({
            %run_scoped3A_134 = tpu.sem_alloc : memref<!tpu.dma_semaphore, #tpu.memory_space<semaphore_mem>>
            %dma_start3A_135 = arith.constant 0 : i32
            %dma_start3A_136 = tpu.memref_slice %arg6[%run_scoped3A_119, %dma_start3A_135] : memref<2x128xi32, #tpu.memory_space<vmem>> -> memref<1x128xi32, #tpu.memory_space<vmem>>
            %dma_start3A_137 = tpu.memref_squeeze %dma_start3A_136 : memref<1x128xi32, #tpu.memory_space<vmem>> -> memref<128xi32, #tpu.memory_space<vmem>>
            %dma_start3A_138 = tpu.memref_slice %arg4[%mul3A_118] : memref<320000xi32, #tpu.memory_space<hbm>> -> memref<128xi32, #tpu.memory_space<hbm>>
            %dma_start3A_139 = arith.constant 0 : i32
            %dma_start3A_140 = tpu.memref_slice %arg6[%run_scoped3A_119, %dma_start3A_139] : memref<2x128xi32, #tpu.memory_space<vmem>> -> memref<1x128xi32, #tpu.memory_space<vmem>>
            %dma_start3A_141 = tpu.memref_squeeze %dma_start3A_140 : memref<1x128xi32, #tpu.memory_space<vmem>> -> memref<128xi32, #tpu.memory_space<vmem>>
            %dma_start3A_142 = tpu.memref_slice %arg4[%mul3A_118] : memref<320000xi32, #tpu.memory_space<hbm>> -> memref<128xi32, #tpu.memory_space<hbm>>
            tpu.enqueue_dma source(%dma_start3A_142 : memref<128xi32, #tpu.memory_space<hbm>>) target(%dma_start3A_141 : memref<128xi32, #tpu.memory_space<vmem>>) target_semaphore(%run_scoped3A_134 : memref<!tpu.dma_semaphore, #tpu.memory_space<semaphore_mem>>)
            %dma_wait3A_143 = arith.constant 0 : i32
            %dma_wait3A_144 = tpu.memref_slice %arg6[%run_scoped3A_119, %dma_wait3A_143] : memref<2x128xi32, #tpu.memory_space<vmem>> -> memref<1x128xi32, #tpu.memory_space<vmem>>
            %dma_wait3A_145 = tpu.memref_squeeze %dma_wait3A_144 : memref<1x128xi32, #tpu.memory_space<vmem>> -> memref<128xi32, #tpu.memory_space<vmem>>
            %dma_wait3A_146 = tpu.memref_slice %arg4[%mul3A_118] : memref<320000xi32, #tpu.memory_space<hbm>> -> memref<128xi32, #tpu.memory_space<hbm>>
            %dma_wait3A_147 = arith.constant 0 : i32
            %dma_wait3A_148 = tpu.memref_slice %arg6[%run_scoped3A_119, %dma_wait3A_147] : memref<2x128xi32, #tpu.memory_space<vmem>> -> memref<1x128xi32, #tpu.memory_space<vmem>>
            %dma_wait3A_149 = tpu.memref_squeeze %dma_wait3A_148 : memref<1x128xi32, #tpu.memory_space<vmem>> -> memref<128xi32, #tpu.memory_space<vmem>>
            %dma_wait3A_150 = tpu.memref_slice %arg4[%mul3A_118] : memref<320000xi32, #tpu.memory_space<hbm>> -> memref<128xi32, #tpu.memory_space<hbm>>
            tpu.wait_dma2 semaphore(%run_scoped3A_134 : memref<!tpu.dma_semaphore, #tpu.memory_space<semaphore_mem>>) src(%dma_wait3A_150 : memref<128xi32, #tpu.memory_space<hbm>>) dst(%dma_wait3A_149 : memref<128xi32, #tpu.memory_space<vmem>>)
            tpu.yield
          }) : () -> ()
          %add3A_120 = arith.constant 160000 : i32
          %add3A_121 = arith.addi %add3A_120, %mul3A_118 : i32
          %run_scoped3A_122 = arith.constant 0 : i32
          "tpu.region"() ({
            %run_scoped3A_134 = tpu.sem_alloc : memref<!tpu.dma_semaphore, #tpu.memory_space<semaphore_mem>>
            %dma_start3A_135 = arith.constant 0 : i32
            %dma_start3A_136 = tpu.memref_slice %arg7[%run_scoped3A_122, %dma_start3A_135] : memref<2x128xi32, #tpu.memory_space<vmem>> -> memref<1x128xi32, #tpu.memory_space<vmem>>
            %dma_start3A_137 = tpu.memref_squeeze %dma_start3A_136 : memref<1x128xi32, #tpu.memory_space<vmem>> -> memref<128xi32, #tpu.memory_space<vmem>>
            %dma_start3A_138 = tpu.memref_slice %arg4[%add3A_121] : memref<320000xi32, #tpu.memory_space<hbm>> -> memref<128xi32, #tpu.memory_space<hbm>>
            %dma_start3A_139 = arith.constant 0 : i32
            %dma_start3A_140 = tpu.memref_slice %arg7[%run_scoped3A_122, %dma_start3A_139] : memref<2x128xi32, #tpu.memory_space<vmem>> -> memref<1x128xi32, #tpu.memory_space<vmem>>
            %dma_start3A_141 = tpu.memref_squeeze %dma_start3A_140 : memref<1x128xi32, #tpu.memory_space<vmem>> -> memref<128xi32, #tpu.memory_space<vmem>>
            %dma_start3A_142 = tpu.memref_slice %arg4[%add3A_121] : memref<320000xi32, #tpu.memory_space<hbm>> -> memref<128xi32, #tpu.memory_space<hbm>>
            tpu.enqueue_dma source(%dma_start3A_142 : memref<128xi32, #tpu.memory_space<hbm>>) target(%dma_start3A_141 : memref<128xi32, #tpu.memory_space<vmem>>) target_semaphore(%run_scoped3A_134 : memref<!tpu.dma_semaphore, #tpu.memory_space<semaphore_mem>>)
            %dma_wait3A_143 = arith.constant 0 : i32
            %dma_wait3A_144 = tpu.memref_slice %arg7[%run_scoped3A_122, %dma_wait3A_143] : memref<2x128xi32, #tpu.memory_space<vmem>> -> memref<1x128xi32, #tpu.memory_space<vmem>>
            %dma_wait3A_145 = tpu.memref_squeeze %dma_wait3A_144 : memref<1x128xi32, #tpu.memory_space<vmem>> -> memref<128xi32, #tpu.memory_space<vmem>>
            %dma_wait3A_146 = tpu.memref_slice %arg4[%add3A_121] : memref<320000xi32, #tpu.memory_space<hbm>> -> memref<128xi32, #tpu.memory_space<hbm>>
            %dma_wait3A_147 = arith.constant 0 : i32
            %dma_wait3A_148 = tpu.memref_slice %arg7[%run_scoped3A_122, %dma_wait3A_147] : memref<2x128xi32, #tpu.memory_space<vmem>> -> memref<1x128xi32, #tpu.memory_space<vmem>>
            %dma_wait3A_149 = tpu.memref_squeeze %dma_wait3A_148 : memref<1x128xi32, #tpu.memory_space<vmem>> -> memref<128xi32, #tpu.memory_space<vmem>>
            %dma_wait3A_150 = tpu.memref_slice %arg4[%add3A_121] : memref<320000xi32, #tpu.memory_space<hbm>> -> memref<128xi32, #tpu.memory_space<hbm>>
            tpu.wait_dma2 semaphore(%run_scoped3A_134 : memref<!tpu.dma_semaphore, #tpu.memory_space<semaphore_mem>>) src(%dma_wait3A_150 : memref<128xi32, #tpu.memory_space<hbm>>) dst(%dma_wait3A_149 : memref<128xi32, #tpu.memory_space<vmem>>)
            tpu.yield
          }) : () -> ()
          %dma_start3A = arith.constant 0 : i32
          %dma_start3A_123 = arith.constant 0 : i32
          %dma_start3A_124 = arith.constant 0 : i32
          %dma_start3A_125 = arith.constant 0 : i32
          %dma_start3A_126 = tpu.memref_slice %arg8[%dma_start3A_123, %dma_start3A_124, %dma_start3A_125] : memref<2x128x128xf32, #tpu.memory_space<vmem>> -> memref<1x128x128xf32, #tpu.memory_space<vmem>>
          %dma_start3A_127 = tpu.memref_squeeze %dma_start3A_126 : memref<1x128x128xf32, #tpu.memory_space<vmem>> -> memref<128x128xf32, #tpu.memory_space<vmem>>
          %dma_start3A_128 = arith.constant 0 : i32
          %dma_start3A_129 = tpu.memref_slice %arg6[%dma_start3A, %dma_start3A_128] : memref<2x128xi32, #tpu.memory_space<vmem>> -> memref<1x128xi32, #tpu.memory_space<vmem>>
          %dma_start3A_130 = tpu.memref_squeeze %dma_start3A_129 : memref<1x128xi32, #tpu.memory_space<vmem>> -> memref<128xi32, #tpu.memory_space<vmem>>
          %dma_start3A_131 = arith.constant 0 : i32
          %dma_start3A_132 = arith.constant 0 : i32
          %dma_start3A_133 = tpu.memref_slice %arg2[%dma_start3A_131, %dma_start3A_132] : memref<10000x128xf32, #tpu.memory_space<hbm>> -> memref<10000x128xf32, #tpu.memory_space<hbm>>
          tpu.enqueue_indirect_dma source(%dma_start3A_133 : memref<10000x128xf32, #tpu.memory_space<hbm>>) target(%dma_start3A_127 : memref<128x128xf32, #tpu.memory_space<vmem>>) offsets(%dma_start3A_130 : memref<128xi32, #tpu.memory_space<vmem>>) semaphore(%arg12 : memref<!tpu.dma_semaphore, #tpu.memory_space<semaphore_mem>>)
        } else {
        }
        %mul3A_107 = arith.constant 128 : i32
        %mul3A_108 = arith.muli %add3A_77, %mul3A_107 : i32
        "tpu.region"() ({
          %run_scoped3A_117 = tpu.sem_alloc : memref<!tpu.dma_semaphore, #tpu.memory_space<semaphore_mem>>
          %dma_start3A = arith.constant 0 : i32
          %dma_start3A_118 = tpu.memref_slice %arg3[%mul3A_108, %dma_start3A] : memref<160000x128xf32, #tpu.memory_space<hbm>> -> memref<128x128xf32, #tpu.memory_space<hbm>>
          %dma_start3A_119 = arith.constant 0 : i32
          %dma_start3A_120 = tpu.memref_slice %arg3[%mul3A_108, %dma_start3A_119] : memref<160000x128xf32, #tpu.memory_space<hbm>> -> memref<128x128xf32, #tpu.memory_space<hbm>>
          tpu.enqueue_dma source(%dma_start3A_120 : memref<128x128xf32, #tpu.memory_space<hbm>>) target(%arg9 : memref<128x128xf32, #tpu.memory_space<vmem>>) target_semaphore(%run_scoped3A_117 : memref<!tpu.dma_semaphore, #tpu.memory_space<semaphore_mem>>)
          %dma_wait3A_121 = arith.constant 0 : i32
          %dma_wait3A_122 = tpu.memref_slice %arg3[%mul3A_108, %dma_wait3A_121] : memref<160000x128xf32, #tpu.memory_space<hbm>> -> memref<128x128xf32, #tpu.memory_space<hbm>>
          %dma_wait3A_123 = arith.constant 0 : i32
          %dma_wait3A_124 = tpu.memref_slice %arg3[%mul3A_108, %dma_wait3A_123] : memref<160000x128xf32, #tpu.memory_space<hbm>> -> memref<128x128xf32, #tpu.memory_space<hbm>>
          tpu.wait_dma2 semaphore(%run_scoped3A_117 : memref<!tpu.dma_semaphore, #tpu.memory_space<semaphore_mem>>) src(%dma_wait3A_124 : memref<128x128xf32, #tpu.memory_space<hbm>>) dst(%arg9 : memref<128x128xf32, #tpu.memory_space<vmem>>)
          tpu.yield
        }) : () -> ()
        %scan3A_109 = arith.constant 0 : i32
        %scan3A_110 = arith.constant 1 : i32
        %scan3A_111 = arith.constant 0 : i32
        %scan3A_112 = arith.constant 32 : i32
        %scan3A_113 = arith.addi %scan3A_111, %scan3A_112 : i32
        %scan3A_114 = arith.constant 1 : i32
        scf.for %scan3A_117 = %scan3A_111 to %scan3A_113 step %scan3A_114  : i32 {
          %mul3A_118 = arith.constant 4 : i32
          %mul3A_119 = arith.muli %scan3A_117, %mul3A_118 : i32
          %add3A_120 = arith.constant 0 : i32
          %add3A_121 = arith.addi %mul3A_119, %add3A_120 : i32
          %get3A = arith.constant 0 : i32
          %get3A_122 = arith.constant 0 : i32
          %get3A_123 = tpu.memref_slice %arg8[%scan3A_110, %get3A, %get3A_122] : memref<2x128x128xf32, #tpu.memory_space<vmem>> -> memref<1x128x128xf32, #tpu.memory_space<vmem>>
          %get3A_124 = tpu.memref_squeeze %get3A_123 : memref<1x128x128xf32, #tpu.memory_space<vmem>> -> memref<128x128xf32, #tpu.memory_space<vmem>>
          %get3A_125 = arith.index_cast %add3A_121 : i32 to index
          %get3A_126 = arith.constant 0 : index
          %get3A_127 = tpu.vector_load %get3A_124[%get3A_125, %get3A_126] {strides = array<i32>} : memref<128x128xf32, #tpu.memory_space<vmem>>, vector<1x16xf32>,
          %get3A_128 = vector.shape_cast %get3A_127 : vector<1x16xf32> to vector<16xf32>
          %get3A_129 = arith.index_cast %add3A_121 : i32 to index
          %get3A_130 = arith.constant 0 : index
          %get3A_131 = tpu.vector_load %arg9[%get3A_129, %get3A_130] {strides = array<i32>} : memref<128x128xf32, #tpu.memory_space<vmem>>, vector<1x16xf32>,
          %get3A_132 = vector.shape_cast %get3A_131 : vector<1x16xf32> to vector<16xf32>
          %mul3A_133 = arith.mulf %get3A_128, %get3A_132 : vector<16xf32>
          %swap3A = arith.constant 0 : i32
          %swap3A_134 = arith.constant 0 : i32
          %swap3A_135 = tpu.memref_slice %arg8[%scan3A_110, %swap3A, %swap3A_134] : memref<2x128x128xf32, #tpu.memory_space<vmem>> -> memref<1x128x128xf32, #tpu.memory_space<vmem>>
          %swap3A_136 = tpu.memref_squeeze %swap3A_135 : memref<1x128x128xf32, #tpu.memory_space<vmem>> -> memref<128x128xf32, #tpu.memory_space<vmem>>
          %swap3A_137 = arith.index_cast %add3A_121 : i32 to index
          %swap3A_138 = arith.constant 0 : index
          %swap3A_139 = tpu.vector_load %swap3A_136[%swap3A_137, %swap3A_138] {strides = array<i32>} : memref<128x128xf32, #tpu.memory_space<vmem>>, vector<1x16xf32>,
          %swap3A_140 = vector.shape_cast %swap3A_139 : vector<1x16xf32> to vector<16xf32>
          %swap3A_141 = vector.shape_cast %mul3A_133 : vector<16xf32> to vector<1x16xf32>
          tpu.vector_store %swap3A_136[%swap3A_137, %swap3A_138], %swap3A_141 {strides = array<i32>} : memref<128x128xf32, #tpu.memory_space<vmem>>, vector<1x16xf32>,
          %get3A_142 = arith.constant 0 : i32
          %get3A_143 = arith.constant 0 : i32
          %get3A_144 = tpu.memref_slice %arg8[%scan3A_110, %get3A_142, %get3A_143] : memref<2x128x128xf32, #tpu.memory_space<vmem>> -> memref<1x128x128xf32, #tpu.memory_space<vmem>>
          %get3A_145 = tpu.memref_squeeze %get3A_144 : memref<1x128x128xf32, #tpu.memory_space<vmem>> -> memref<128x128xf32, #tpu.memory_space<vmem>>
          %get3A_146 = arith.index_cast %add3A_121 : i32 to index
          %get3A_147 = arith.constant 16 : index
          %get3A_148 = tpu.vector_load %get3A_145[%get3A_146, %get3A_147] {strides = array<i32>} : memref<128x128xf32, #tpu.memory_space<vmem>>, vector<1x16xf32>,
          %get3A_149 = vector.shape_cast %get3A_148 : vector<1x16xf32> to vector<16xf32>
          %get3A_150 = arith.index_cast %add3A_121 : i32 to index
          %get3A_151 = arith.constant 16 : index
          %get3A_152 = tpu.vector_load %arg9[%get3A_150, %get3A_151] {strides = array<i32>} : memref<128x128xf32, #tpu.memory_space<vmem>>, vector<1x16xf32>,
          %get3A_153 = vector.shape_cast %get3A_152 : vector<1x16xf32> to vector<16xf32>
          %mul3A_154 = arith.mulf %get3A_149, %get3A_153 : vector<16xf32>
          %swap3A_155 = arith.constant 0 : i32
          %swap3A_156 = arith.constant 0 : i32
          %swap3A_157 = tpu.memref_slice %arg8[%scan3A_110, %swap3A_155, %swap3A_156] : memref<2x128x128xf32, #tpu.memory_space<vmem>> -> memref<1x128x128xf32, #tpu.memory_space<vmem>>
          %swap3A_158 = tpu.memref_squeeze %swap3A_157 : memref<1x128x128xf32, #tpu.memory_space<vmem>> -> memref<128x128xf32, #tpu.memory_space<vmem>>
          %swap3A_159 = arith.index_cast %add3A_121 : i32 to index
          %swap3A_160 = arith.constant 16 : index
          %swap3A_161 = tpu.vector_load %swap3A_158[%swap3A_159, %swap3A_160] {strides = array<i32>} : memref<128x128xf32, #tpu.memory_space<vmem>>, vector<1x16xf32>,
          %swap3A_162 = vector.shape_cast %swap3A_161 : vector<1x16xf32> to vector<16xf32>
          %swap3A_163 = vector.shape_cast %mul3A_154 : vector<16xf32> to vector<1x16xf32>
          tpu.vector_store %swap3A_158[%swap3A_159, %swap3A_160], %swap3A_163 {strides = array<i32>} : memref<128x128xf32, #tpu.memory_space<vmem>>, vector<1x16xf32>,
          %get3A_164 = arith.constant 0 : i32
          %get3A_165 = arith.constant 0 : i32
          %get3A_166 = tpu.memref_slice %arg8[%scan3A_110, %get3A_164, %get3A_165] : memref<2x128x128xf32, #tpu.memory_space<vmem>> -> memref<1x128x128xf32, #tpu.memory_space<vmem>>
          %get3A_167 = tpu.memref_squeeze %get3A_166 : memref<1x128x128xf32, #tpu.memory_space<vmem>> -> memref<128x128xf32, #tpu.memory_space<vmem>>
          %get3A_168 = arith.index_cast %add3A_121 : i32 to index
          %get3A_169 = arith.constant 32 : index
          %get3A_170 = tpu.vector_load %get3A_167[%get3A_168, %get3A_169] {strides = array<i32>} : memref<128x128xf32, #tpu.memory_space<vmem>>, vector<1x16xf32>,
          %get3A_171 = vector.shape_cast %get3A_170 : vector<1x16xf32> to vector<16xf32>
          %get3A_172 = arith.index_cast %add3A_121 : i32 to index
          %get3A_173 = arith.constant 32 : index
          %get3A_174 = tpu.vector_load %arg9[%get3A_172, %get3A_173] {strides = array<i32>} : memref<128x128xf32, #tpu.memory_space<vmem>>, vector<1x16xf32>,
          %get3A_175 = vector.shape_cast %get3A_174 : vector<1x16xf32> to vector<16xf32>
          %mul3A_176 = arith.mulf %get3A_171, %get3A_175 : vector<16xf32>
          %swap3A_177 = arith.constant 0 : i32
          %swap3A_178 = arith.constant 0 : i32
          %swap3A_179 = tpu.memref_slice %arg8[%scan3A_110, %swap3A_177, %swap3A_178] : memref<2x128x128xf32, #tpu.memory_space<vmem>> -> memref<1x128x128xf32, #tpu.memory_space<vmem>>
          %swap3A_180 = tpu.memref_squeeze %swap3A_179 : memref<1x128x128xf32, #tpu.memory_space<vmem>> -> memref<128x128xf32, #tpu.memory_space<vmem>>
          %swap3A_181 = arith.index_cast %add3A_121 : i32 to index
          %swap3A_182 = arith.constant 32 : index
          %swap3A_183 = tpu.vector_load %swap3A_180[%swap3A_181, %swap3A_182] {strides = array<i32>} : memref<128x128xf32, #tpu.memory_space<vmem>>, vector<1x16xf32>,
          %swap3A_184 = vector.shape_cast %swap3A_183 : vector<1x16xf32> to vector<16xf32>
          %swap3A_185 = vector.shape_cast %mul3A_176 : vector<16xf32> to vector<1x16xf32>
          tpu.vector_store %swap3A_180[%swap3A_181, %swap3A_182], %swap3A_185 {strides = array<i32>} : memref<128x128xf32, #tpu.memory_space<vmem>>, vector<1x16xf32>,
          %get3A_186 = arith.constant 0 : i32
          %get3A_187 = arith.constant 0 : i32
          %get3A_188 = tpu.memref_slice %arg8[%scan3A_110, %get3A_186, %get3A_187] : memref<2x128x128xf32, #tpu.memory_space<vmem>> -> memref<1x128x128xf32, #tpu.memory_space<vmem>>
          %get3A_189 = tpu.memref_squeeze %get3A_188 : memref<1x128x128xf32, #tpu.memory_space<vmem>> -> memref<128x128xf32, #tpu.memory_space<vmem>>
          %get3A_190 = arith.index_cast %add3A_121 : i32 to index
          %get3A_191 = arith.constant 48 : index
          %get3A_192 = tpu.vector_load %get3A_189[%get3A_190, %get3A_191] {strides = array<i32>} : memref<128x128xf32, #tpu.memory_space<vmem>>, vector<1x16xf32>,
          %get3A_193 = vector.shape_cast %get3A_192 : vector<1x16xf32> to vector<16xf32>
          %get3A_194 = arith.index_cast %add3A_121 : i32 to index
          %get3A_195 = arith.constant 48 : index
          %get3A_196 = tpu.vector_load %arg9[%get3A_194, %get3A_195] {strides = array<i32>} : memref<128x128xf32, #tpu.memory_space<vmem>>, vector<1x16xf32>,
          %get3A_197 = vector.shape_cast %get3A_196 : vector<1x16xf32> to vector<16xf32>
          %mul3A_198 = arith.mulf %get3A_193, %get3A_197 : vector<16xf32>
          %swap3A_199 = arith.constant 0 : i32
          %swap3A_200 = arith.constant 0 : i32
          %swap3A_201 = tpu.memref_slice %arg8[%scan3A_110, %swap3A_199, %swap3A_200] : memref<2x128x128xf32, #tpu.memory_space<vmem>> -> memref<1x128x128xf32, #tpu.memory_space<vmem>>
          %swap3A_202 = tpu.memref_squeeze %swap3A_201 : memref<1x128x128xf32, #tpu.memory_space<vmem>> -> memref<128x128xf32, #tpu.memory_space<vmem>>
          %swap3A_203 = arith.index_cast %add3A_121 : i32 to index
          %swap3A_204 = arith.constant 48 : index
          %swap3A_205 = tpu.vector_load %swap3A_202[%swap3A_203, %swap3A_204] {strides = array<i32>} : memref<128x128xf32, #tpu.memory_space<vmem>>, vector<1x16xf32>,
          %swap3A_206 = vector.shape_cast %swap3A_205 : vector<1x16xf32> to vector<16xf32>
          %swap3A_207 = vector.shape_cast %mul3A_198 : vector<16xf32> to vector<1x16xf32>
          tpu.vector_store %swap3A_202[%swap3A_203, %swap3A_204], %swap3A_207 {strides = array<i32>} : memref<128x128xf32, #tpu.memory_space<vmem>>, vector<1x16xf32>,
          %get3A_208 = arith.constant 0 : i32
          %get3A_209 = arith.constant 0 : i32
          %get3A_210 = tpu.memref_slice %arg8[%scan3A_110, %get3A_208, %get3A_209] : memref<2x128x128xf32, #tpu.memory_space<vmem>> -> memref<1x128x128xf32, #tpu.memory_space<vmem>>
          %get3A_211 = tpu.memref_squeeze %get3A_210 : memref<1x128x128xf32, #tpu.memory_space<vmem>> -> memref<128x128xf32, #tpu.memory_space<vmem>>
          %get3A_212 = arith.index_cast %add3A_121 : i32 to index
          %get3A_213 = arith.constant 64 : index
          %get3A_214 = tpu.vector_load %get3A_211[%get3A_212, %get3A_213] {strides = array<i32>} : memref<128x128xf32, #tpu.memory_space<vmem>>, vector<1x16xf32>,
          %get3A_215 = vector.shape_cast %get3A_214 : vector<1x16xf32> to vector<16xf32>
          %get3A_216 = arith.index_cast %add3A_121 : i32 to index
          %get3A_217 = arith.constant 64 : index
          %get3A_218 = tpu.vector_load %arg9[%get3A_216, %get3A_217] {strides = array<i32>} : memref<128x128xf32, #tpu.memory_space<vmem>>, vector<1x16xf32>,
          %get3A_219 = vector.shape_cast %get3A_218 : vector<1x16xf32> to vector<16xf32>
          %mul3A_220 = arith.mulf %get3A_215, %get3A_219 : vector<16xf32>
          %swap3A_221 = arith.constant 0 : i32
          %swap3A_222 = arith.constant 0 : i32
          %swap3A_223 = tpu.memref_slice %arg8[%scan3A_110, %swap3A_221, %swap3A_222] : memref<2x128x128xf32, #tpu.memory_space<vmem>> -> memref<1x128x128xf32, #tpu.memory_space<vmem>>
          %swap3A_224 = tpu.memref_squeeze %swap3A_223 : memref<1x128x128xf32, #tpu.memory_space<vmem>> -> memref<128x128xf32, #tpu.memory_space<vmem>>
          %swap3A_225 = arith.index_cast %add3A_121 : i32 to index
          %swap3A_226 = arith.constant 64 : index
          %swap3A_227 = tpu.vector_load %swap3A_224[%swap3A_225, %swap3A_226] {strides = array<i32>} : memref<128x128xf32, #tpu.memory_space<vmem>>, vector<1x16xf32>,
          %swap3A_228 = vector.shape_cast %swap3A_227 : vector<1x16xf32> to vector<16xf32>
          %swap3A_229 = vector.shape_cast %mul3A_220 : vector<16xf32> to vector<1x16xf32>
          tpu.vector_store %swap3A_224[%swap3A_225, %swap3A_226], %swap3A_229 {strides = array<i32>} : memref<128x128xf32, #tpu.memory_space<vmem>>, vector<1x16xf32>,
          %get3A_230 = arith.constant 0 : i32
          %get3A_231 = arith.constant 0 : i32
          %get3A_232 = tpu.memref_slice %arg8[%scan3A_110, %get3A_230, %get3A_231] : memref<2x128x128xf32, #tpu.memory_space<vmem>> -> memref<1x128x128xf32, #tpu.memory_space<vmem>>
          %get3A_233 = tpu.memref_squeeze %get3A_232 : memref<1x128x128xf32, #tpu.memory_space<vmem>> -> memref<128x128xf32, #tpu.memory_space<vmem>>
          %get3A_234 = arith.index_cast %add3A_121 : i32 to index
          %get3A_235 = arith.constant 80 : index
          %get3A_236 = tpu.vector_load %get3A_233[%get3A_234, %get3A_235] {strides = array<i32>} : memref<128x128xf32, #tpu.memory_space<vmem>>, vector<1x16xf32>,
          %get3A_237 = vector.shape_cast %get3A_236 : vector<1x16xf32> to vector<16xf32>
          %get3A_238 = arith.index_cast %add3A_121 : i32 to index
          %get3A_239 = arith.constant 80 : index
          %get3A_240 = tpu.vector_load %arg9[%get3A_238, %get3A_239] {strides = array<i32>} : memref<128x128xf32, #tpu.memory_space<vmem>>, vector<1x16xf32>,
          %get3A_241 = vector.shape_cast %get3A_240 : vector<1x16xf32> to vector<16xf32>
          %mul3A_242 = arith.mulf %get3A_237, %get3A_241 : vector<16xf32>
          %swap3A_243 = arith.constant 0 : i32
          %swap3A_244 = arith.constant 0 : i32
          %swap3A_245 = tpu.memref_slice %arg8[%scan3A_110, %swap3A_243, %swap3A_244] : memref<2x128x128xf32, #tpu.memory_space<vmem>> -> memref<1x128x128xf32, #tpu.memory_space<vmem>>
          %swap3A_246 = tpu.memref_squeeze %swap3A_245 : memref<1x128x128xf32, #tpu.memory_space<vmem>> -> memref<128x128xf32, #tpu.memory_space<vmem>>
          %swap3A_247 = arith.index_cast %add3A_121 : i32 to index
          %swap3A_248 = arith.constant 80 : index
          %swap3A_249 = tpu.vector_load %swap3A_246[%swap3A_247, %swap3A_248] {strides = array<i32>} : memref<128x128xf32, #tpu.memory_space<vmem>>, vector<1x16xf32>,
          %swap3A_250 = vector.shape_cast %swap3A_249 : vector<1x16xf32> to vector<16xf32>
          %swap3A_251 = vector.shape_cast %mul3A_242 : vector<16xf32> to vector<1x16xf32>
          tpu.vector_store %swap3A_246[%swap3A_247, %swap3A_248], %swap3A_251 {strides = array<i32>} : memref<128x128xf32, #tpu.memory_space<vmem>>, vector<1x16xf32>,
          %get3A_252 = arith.constant 0 : i32
          %get3A_253 = arith.constant 0 : i32
          %get3A_254 = tpu.memref_slice %arg8[%scan3A_110, %get3A_252, %get3A_253] : memref<2x128x128xf32, #tpu.memory_space<vmem>> -> memref<1x128x128xf32, #tpu.memory_space<vmem>>
          %get3A_255 = tpu.memref_squeeze %get3A_254 : memref<1x128x128xf32, #tpu.memory_space<vmem>> -> memref<128x128xf32, #tpu.memory_space<vmem>>
          %get3A_256 = arith.index_cast %add3A_121 : i32 to index
          %get3A_257 = arith.constant 96 : index
          %get3A_258 = tpu.vector_load %get3A_255[%get3A_256, %get3A_257] {strides = array<i32>} : memref<128x128xf32, #tpu.memory_space<vmem>>, vector<1x16xf32>,
          %get3A_259 = vector.shape_cast %get3A_258 : vector<1x16xf32> to vector<16xf32>
          %get3A_260 = arith.index_cast %add3A_121 : i32 to index
          %get3A_261 = arith.constant 96 : index
          %get3A_262 = tpu.vector_load %arg9[%get3A_260, %get3A_261] {strides = array<i32>} : memref<128x128xf32, #tpu.memory_space<vmem>>, vector<1x16xf32>,
          %get3A_263 = vector.shape_cast %get3A_262 : vector<1x16xf32> to vector<16xf32>
          %mul3A_264 = arith.mulf %get3A_259, %get3A_263 : vector<16xf32>
          %swap3A_265 = arith.constant 0 : i32
          %swap3A_266 = arith.constant 0 : i32
          %swap3A_267 = tpu.memref_slice %arg8[%scan3A_110, %swap3A_265, %swap3A_266] : memref<2x128x128xf32, #tpu.memory_space<vmem>> -> memref<1x128x128xf32, #tpu.memory_space<vmem>>
          %swap3A_268 = tpu.memref_squeeze %swap3A_267 : memref<1x128x128xf32, #tpu.memory_space<vmem>> -> memref<128x128xf32, #tpu.memory_space<vmem>>
          %swap3A_269 = arith.index_cast %add3A_121 : i32 to index
          %swap3A_270 = arith.constant 96 : index
          %swap3A_271 = tpu.vector_load %swap3A_268[%swap3A_269, %swap3A_270] {strides = array<i32>} : memref<128x128xf32, #tpu.memory_space<vmem>>, vector<1x16xf32>,
          %swap3A_272 = vector.shape_cast %swap3A_271 : vector<1x16xf32> to vector<16xf32>
          %swap3A_273 = vector.shape_cast %mul3A_264 : vector<16xf32> to vector<1x16xf32>
          tpu.vector_store %swap3A_268[%swap3A_269, %swap3A_270], %swap3A_273 {strides = array<i32>} : memref<128x128xf32, #tpu.memory_space<vmem>>, vector<1x16xf32>,
          %get3A_274 = arith.constant 0 : i32
          %get3A_275 = arith.constant 0 : i32
          %get3A_276 = tpu.memref_slice %arg8[%scan3A_110, %get3A_274, %get3A_275] : memref<2x128x128xf32, #tpu.memory_space<vmem>> -> memref<1x128x128xf32, #tpu.memory_space<vmem>>
          %get3A_277 = tpu.memref_squeeze %get3A_276 : memref<1x128x128xf32, #tpu.memory_space<vmem>> -> memref<128x128xf32, #tpu.memory_space<vmem>>
          %get3A_278 = arith.index_cast %add3A_121 : i32 to index
          %get3A_279 = arith.constant 112 : index
          %get3A_280 = tpu.vector_load %get3A_277[%get3A_278, %get3A_279] {strides = array<i32>} : memref<128x128xf32, #tpu.memory_space<vmem>>, vector<1x16xf32>,
          %get3A_281 = vector.shape_cast %get3A_280 : vector<1x16xf32> to vector<16xf32>
          %get3A_282 = arith.index_cast %add3A_121 : i32 to index
          %get3A_283 = arith.constant 112 : index
          %get3A_284 = tpu.vector_load %arg9[%get3A_282, %get3A_283] {strides = array<i32>} : memref<128x128xf32, #tpu.memory_space<vmem>>, vector<1x16xf32>,
          %get3A_285 = vector.shape_cast %get3A_284 : vector<1x16xf32> to vector<16xf32>
          %mul3A_286 = arith.mulf %get3A_281, %get3A_285 : vector<16xf32>
          %swap3A_287 = arith.constant 0 : i32
          %swap3A_288 = arith.constant 0 : i32
          %swap3A_289 = tpu.memref_slice %arg8[%scan3A_110, %swap3A_287, %swap3A_288] : memref<2x128x128xf32, #tpu.memory_space<vmem>> -> memref<1x128x128xf32, #tpu.memory_space<vmem>>
          %swap3A_290 = tpu.memref_squeeze %swap3A_289 : memref<1x128x128xf32, #tpu.memory_space<vmem>> -> memref<128x128xf32, #tpu.memory_space<vmem>>
          %swap3A_291 = arith.index_cast %add3A_121 : i32 to index
          %swap3A_292 = arith.constant 112 : index
          %swap3A_293 = tpu.vector_load %swap3A_290[%swap3A_291, %swap3A_292] {strides = array<i32>} : memref<128x128xf32, #tpu.memory_space<vmem>>, vector<1x16xf32>,
          %swap3A_294 = vector.shape_cast %swap3A_293 : vector<1x16xf32> to vector<16xf32>
          %swap3A_295 = vector.shape_cast %mul3A_286 : vector<16xf32> to vector<1x16xf32>
          tpu.vector_store %swap3A_290[%swap3A_291, %swap3A_292], %swap3A_295 {strides = array<i32>} : memref<128x128xf32, #tpu.memory_space<vmem>>, vector<1x16xf32>,
          %mul3A_296 = arith.constant 4 : i32
          %mul3A_297 = arith.muli %scan3A_117, %mul3A_296 : i32
          %add3A_298 = arith.constant 1 : i32
          %add3A_299 = arith.addi %mul3A_297, %add3A_298 : i32
          %get3A_300 = arith.constant 0 : i32
          %get3A_301 = arith.constant 0 : i32
          %get3A_302 = tpu.memref_slice %arg8[%scan3A_110, %get3A_300, %get3A_301] : memref<2x128x128xf32, #tpu.memory_space<vmem>> -> memref<1x128x128xf32, #tpu.memory_space<vmem>>
          %get3A_303 = tpu.memref_squeeze %get3A_302 : memref<1x128x128xf32, #tpu.memory_space<vmem>> -> memref<128x128xf32, #tpu.memory_space<vmem>>
          %get3A_304 = arith.index_cast %add3A_299 : i32 to index
          %get3A_305 = arith.constant 0 : index
          %get3A_306 = tpu.vector_load %get3A_303[%get3A_304, %get3A_305] {strides = array<i32>} : memref<128x128xf32, #tpu.memory_space<vmem>>, vector<1x16xf32>,
          %get3A_307 = vector.shape_cast %get3A_306 : vector<1x16xf32> to vector<16xf32>
          %get3A_308 = arith.index_cast %add3A_299 : i32 to index
          %get3A_309 = arith.constant 0 : index
          %get3A_310 = tpu.vector_load %arg9[%get3A_308, %get3A_309] {strides = array<i32>} : memref<128x128xf32, #tpu.memory_space<vmem>>, vector<1x16xf32>,
          %get3A_311 = vector.shape_cast %get3A_310 : vector<1x16xf32> to vector<16xf32>
          %mul3A_312 = arith.mulf %get3A_307, %get3A_311 : vector<16xf32>
          %swap3A_313 = arith.constant 0 : i32
          %swap3A_314 = arith.constant 0 : i32
          %swap3A_315 = tpu.memref_slice %arg8[%scan3A_110, %swap3A_313, %swap3A_314] : memref<2x128x128xf32, #tpu.memory_space<vmem>> -> memref<1x128x128xf32, #tpu.memory_space<vmem>>
          %swap3A_316 = tpu.memref_squeeze %swap3A_315 : memref<1x128x128xf32, #tpu.memory_space<vmem>> -> memref<128x128xf32, #tpu.memory_space<vmem>>
          %swap3A_317 = arith.index_cast %add3A_299 : i32 to index
          %swap3A_318 = arith.constant 0 : index
          %swap3A_319 = tpu.vector_load %swap3A_316[%swap3A_317, %swap3A_318] {strides = array<i32>} : memref<128x128xf32, #tpu.memory_space<vmem>>, vector<1x16xf32>,
          %swap3A_320 = vector.shape_cast %swap3A_319 : vector<1x16xf32> to vector<16xf32>
          %swap3A_321 = vector.shape_cast %mul3A_312 : vector<16xf32> to vector<1x16xf32>
          tpu.vector_store %swap3A_316[%swap3A_317, %swap3A_318], %swap3A_321 {strides = array<i32>} : memref<128x128xf32, #tpu.memory_space<vmem>>, vector<1x16xf32>,
          %get3A_322 = arith.constant 0 : i32
          %get3A_323 = arith.constant 0 : i32
          %get3A_324 = tpu.memref_slice %arg8[%scan3A_110, %get3A_322, %get3A_323] : memref<2x128x128xf32, #tpu.memory_space<vmem>> -> memref<1x128x128xf32, #tpu.memory_space<vmem>>
          %get3A_325 = tpu.memref_squeeze %get3A_324 : memref<1x128x128xf32, #tpu.memory_space<vmem>> -> memref<128x128xf32, #tpu.memory_space<vmem>>
          %get3A_326 = arith.index_cast %add3A_299 : i32 to index
          %get3A_327 = arith.constant 16 : index
          %get3A_328 = tpu.vector_load %get3A_325[%get3A_326, %get3A_327] {strides = array<i32>} : memref<128x128xf32, #tpu.memory_space<vmem>>, vector<1x16xf32>,
          %get3A_329 = vector.shape_cast %get3A_328 : vector<1x16xf32> to vector<16xf32>
          %get3A_330 = arith.index_cast %add3A_299 : i32 to index
          %get3A_331 = arith.constant 16 : index
          %get3A_332 = tpu.vector_load %arg9[%get3A_330, %get3A_331] {strides = array<i32>} : memref<128x128xf32, #tpu.memory_space<vmem>>, vector<1x16xf32>,
          %get3A_333 = vector.shape_cast %get3A_332 : vector<1x16xf32> to vector<16xf32>
          %mul3A_334 = arith.mulf %get3A_329, %get3A_333 : vector<16xf32>
          %swap3A_335 = arith.constant 0 : i32
          %swap3A_336 = arith.constant 0 : i32
          %swap3A_337 = tpu.memref_slice %arg8[%scan3A_110, %swap3A_335, %swap3A_336] : memref<2x128x128xf32, #tpu.memory_space<vmem>> -> memref<1x128x128xf32, #tpu.memory_space<vmem>>
          %swap3A_338 = tpu.memref_squeeze %swap3A_337 : memref<1x128x128xf32, #tpu.memory_space<vmem>> -> memref<128x128xf32, #tpu.memory_space<vmem>>
          %swap3A_339 = arith.index_cast %add3A_299 : i32 to index
          %swap3A_340 = arith.constant 16 : index
          %swap3A_341 = tpu.vector_load %swap3A_338[%swap3A_339, %swap3A_340] {strides = array<i32>} : memref<128x128xf32, #tpu.memory_space<vmem>>, vector<1x16xf32>,
          %swap3A_342 = vector.shape_cast %swap3A_341 : vector<1x16xf32> to vector<16xf32>
          %swap3A_343 = vector.shape_cast %mul3A_334 : vector<16xf32> to vector<1x16xf32>
          tpu.vector_store %swap3A_338[%swap3A_339, %swap3A_340], %swap3A_343 {strides = array<i32>} : memref<128x128xf32, #tpu.memory_space<vmem>>, vector<1x16xf32>,
          %get3A_344 = arith.constant 0 : i32
          %get3A_345 = arith.constant 0 : i32
          %get3A_346 = tpu.memref_slice %arg8[%scan3A_110, %get3A_344, %get3A_345] : memref<2x128x128xf32, #tpu.memory_space<vmem>> -> memref<1x128x128xf32, #tpu.memory_space<vmem>>
          %get3A_347 = tpu.memref_squeeze %get3A_346 : memref<1x128x128xf32, #tpu.memory_space<vmem>> -> memref<128x128xf32, #tpu.memory_space<vmem>>
          %get3A_348 = arith.index_cast %add3A_299 : i32 to index
          %get3A_349 = arith.constant 32 : index
          %get3A_350 = tpu.vector_load %get3A_347[%get3A_348, %get3A_349] {strides = array<i32>} : memref<128x128xf32, #tpu.memory_space<vmem>>, vector<1x16xf32>,
          %get3A_351 = vector.shape_cast %get3A_350 : vector<1x16xf32> to vector<16xf32>
          %get3A_352 = arith.index_cast %add3A_299 : i32 to index
          %get3A_353 = arith.constant 32 : index
          %get3A_354 = tpu.vector_load %arg9[%get3A_352, %get3A_353] {strides = array<i32>} : memref<128x128xf32, #tpu.memory_space<vmem>>, vector<1x16xf32>,
          %get3A_355 = vector.shape_cast %get3A_354 : vector<1x16xf32> to vector<16xf32>
          %mul3A_356 = arith.mulf %get3A_351, %get3A_355 : vector<16xf32>
          %swap3A_357 = arith.constant 0 : i32
          %swap3A_358 = arith.constant 0 : i32
          %swap3A_359 = tpu.memref_slice %arg8[%scan3A_110, %swap3A_357, %swap3A_358] : memref<2x128x128xf32, #tpu.memory_space<vmem>> -> memref<1x128x128xf32, #tpu.memory_space<vmem>>
          %swap3A_360 = tpu.memref_squeeze %swap3A_359 : memref<1x128x128xf32, #tpu.memory_space<vmem>> -> memref<128x128xf32, #tpu.memory_space<vmem>>
          %swap3A_361 = arith.index_cast %add3A_299 : i32 to index
          %swap3A_362 = arith.constant 32 : index
          %swap3A_363 = tpu.vector_load %swap3A_360[%swap3A_361, %swap3A_362] {strides = array<i32>} : memref<128x128xf32, #tpu.memory_space<vmem>>, vector<1x16xf32>,
          %swap3A_364 = vector.shape_cast %swap3A_363 : vector<1x16xf32> to vector<16xf32>
          %swap3A_365 = vector.shape_cast %mul3A_356 : vector<16xf32> to vector<1x16xf32>
          tpu.vector_store %swap3A_360[%swap3A_361, %swap3A_362], %swap3A_365 {strides = array<i32>} : memref<128x128xf32, #tpu.memory_space<vmem>>, vector<1x16xf32>,
          %get3A_366 = arith.constant 0 : i32
          %get3A_367 = arith.constant 0 : i32
          %get3A_368 = tpu.memref_slice %arg8[%scan3A_110, %get3A_366, %get3A_367] : memref<2x128x128xf32, #tpu.memory_space<vmem>> -> memref<1x128x128xf32, #tpu.memory_space<vmem>>
          %get3A_369 = tpu.memref_squeeze %get3A_368 : memref<1x128x128xf32, #tpu.memory_space<vmem>> -> memref<128x128xf32, #tpu.memory_space<vmem>>
          %get3A_370 = arith.index_cast %add3A_299 : i32 to index
          %get3A_371 = arith.constant 48 : index
          %get3A_372 = tpu.vector_load %get3A_369[%get3A_370, %get3A_371] {strides = array<i32>} : memref<128x128xf32, #tpu.memory_space<vmem>>, vector<1x16xf32>,
          %get3A_373 = vector.shape_cast %get3A_372 : vector<1x16xf32> to vector<16xf32>
          %get3A_374 = arith.index_cast %add3A_299 : i32 to index
          %get3A_375 = arith.constant 48 : index
          %get3A_376 = tpu.vector_load %arg9[%get3A_374, %get3A_375] {strides = array<i32>} : memref<128x128xf32, #tpu.memory_space<vmem>>, vector<1x16xf32>,
          %get3A_377 = vector.shape_cast %get3A_376 : vector<1x16xf32> to vector<16xf32>
          %mul3A_378 = arith.mulf %get3A_373, %get3A_377 : vector<16xf32>
          %swap3A_379 = arith.constant 0 : i32
          %swap3A_380 = arith.constant 0 : i32
          %swap3A_381 = tpu.memref_slice %arg8[%scan3A_110, %swap3A_379, %swap3A_380] : memref<2x128x128xf32, #tpu.memory_space<vmem>> -> memref<1x128x128xf32, #tpu.memory_space<vmem>>
          %swap3A_382 = tpu.memref_squeeze %swap3A_381 : memref<1x128x128xf32, #tpu.memory_space<vmem>> -> memref<128x128xf32, #tpu.memory_space<vmem>>
          %swap3A_383 = arith.index_cast %add3A_299 : i32 to index
          %swap3A_384 = arith.constant 48 : index
          %swap3A_385 = tpu.vector_load %swap3A_382[%swap3A_383, %swap3A_384] {strides = array<i32>} : memref<128x128xf32, #tpu.memory_space<vmem>>, vector<1x16xf32>,
          %swap3A_386 = vector.shape_cast %swap3A_385 : vector<1x16xf32> to vector<16xf32>
          %swap3A_387 = vector.shape_cast %mul3A_378 : vector<16xf32> to vector<1x16xf32>
          tpu.vector_store %swap3A_382[%swap3A_383, %swap3A_384], %swap3A_387 {strides = array<i32>} : memref<128x128xf32, #tpu.memory_space<vmem>>, vector<1x16xf32>,
          %get3A_388 = arith.constant 0 : i32
          %get3A_389 = arith.constant 0 : i32
          %get3A_390 = tpu.memref_slice %arg8[%scan3A_110, %get3A_388, %get3A_389] : memref<2x128x128xf32, #tpu.memory_space<vmem>> -> memref<1x128x128xf32, #tpu.memory_space<vmem>>
          %get3A_391 = tpu.memref_squeeze %get3A_390 : memref<1x128x128xf32, #tpu.memory_space<vmem>> -> memref<128x128xf32, #tpu.memory_space<vmem>>
          %get3A_392 = arith.index_cast %add3A_299 : i32 to index
          %get3A_393 = arith.constant 64 : index
          %get3A_394 = tpu.vector_load %get3A_391[%get3A_392, %get3A_393] {strides = array<i32>} : memref<128x128xf32, #tpu.memory_space<vmem>>, vector<1x16xf32>,
          %get3A_395 = vector.shape_cast %get3A_394 : vector<1x16xf32> to vector<16xf32>
          %get3A_396 = arith.index_cast %add3A_299 : i32 to index
          %get3A_397 = arith.constant 64 : index
          %get3A_398 = tpu.vector_load %arg9[%get3A_396, %get3A_397] {strides = array<i32>} : memref<128x128xf32, #tpu.memory_space<vmem>>, vector<1x16xf32>,
          %get3A_399 = vector.shape_cast %get3A_398 : vector<1x16xf32> to vector<16xf32>
          %mul3A_400 = arith.mulf %get3A_395, %get3A_399 : vector<16xf32>
          %swap3A_401 = arith.constant 0 : i32
          %swap3A_402 = arith.constant 0 : i32
          %swap3A_403 = tpu.memref_slice %arg8[%scan3A_110, %swap3A_401, %swap3A_402] : memref<2x128x128xf32, #tpu.memory_space<vmem>> -> memref<1x128x128xf32, #tpu.memory_space<vmem>>
          %swap3A_404 = tpu.memref_squeeze %swap3A_403 : memref<1x128x128xf32, #tpu.memory_space<vmem>> -> memref<128x128xf32, #tpu.memory_space<vmem>>
          %swap3A_405 = arith.index_cast %add3A_299 : i32 to index
          %swap3A_406 = arith.constant 64 : index
          %swap3A_407 = tpu.vector_load %swap3A_404[%swap3A_405, %swap3A_406] {strides = array<i32>} : memref<128x128xf32, #tpu.memory_space<vmem>>, vector<1x16xf32>,
          %swap3A_408 = vector.shape_cast %swap3A_407 : vector<1x16xf32> to vector<16xf32>
          %swap3A_409 = vector.shape_cast %mul3A_400 : vector<16xf32> to vector<1x16xf32>
          tpu.vector_store %swap3A_404[%swap3A_405, %swap3A_406], %swap3A_409 {strides = array<i32>} : memref<128x128xf32, #tpu.memory_space<vmem>>, vector<1x16xf32>,
          %get3A_410 = arith.constant 0 : i32
          %get3A_411 = arith.constant 0 : i32
          %get3A_412 = tpu.memref_slice %arg8[%scan3A_110, %get3A_410, %get3A_411] : memref<2x128x128xf32, #tpu.memory_space<vmem>> -> memref<1x128x128xf32, #tpu.memory_space<vmem>>
          %get3A_413 = tpu.memref_squeeze %get3A_412 : memref<1x128x128xf32, #tpu.memory_space<vmem>> -> memref<128x128xf32, #tpu.memory_space<vmem>>
          %get3A_414 = arith.index_cast %add3A_299 : i32 to index
          %get3A_415 = arith.constant 80 : index
          %get3A_416 = tpu.vector_load %get3A_413[%get3A_414, %get3A_415] {strides = array<i32>} : memref<128x128xf32, #tpu.memory_space<vmem>>, vector<1x16xf32>,
          %get3A_417 = vector.shape_cast %get3A_416 : vector<1x16xf32> to vector<16xf32>
          %get3A_418 = arith.index_cast %add3A_299 : i32 to index
          %get3A_419 = arith.constant 80 : index
          %get3A_420 = tpu.vector_load %arg9[%get3A_418, %get3A_419] {strides = array<i32>} : memref<128x128xf32, #tpu.memory_space<vmem>>, vector<1x16xf32>,
          %get3A_421 = vector.shape_cast %get3A_420 : vector<1x16xf32> to vector<16xf32>
          %mul3A_422 = arith.mulf %get3A_417, %get3A_421 : vector<16xf32>
          %swap3A_423 = arith.constant 0 : i32
          %swap3A_424 = arith.constant 0 : i32
          %swap3A_425 = tpu.memref_slice %arg8[%scan3A_110, %swap3A_423, %swap3A_424] : memref<2x128x128xf32, #tpu.memory_space<vmem>> -> memref<1x128x128xf32, #tpu.memory_space<vmem>>
          %swap3A_426 = tpu.memref_squeeze %swap3A_425 : memref<1x128x128xf32, #tpu.memory_space<vmem>> -> memref<128x128xf32, #tpu.memory_space<vmem>>
          %swap3A_427 = arith.index_cast %add3A_299 : i32 to index
          %swap3A_428 = arith.constant 80 : index
          %swap3A_429 = tpu.vector_load %swap3A_426[%swap3A_427, %swap3A_428] {strides = array<i32>} : memref<128x128xf32, #tpu.memory_space<vmem>>, vector<1x16xf32>,
          %swap3A_430 = vector.shape_cast %swap3A_429 : vector<1x16xf32> to vector<16xf32>
          %swap3A_431 = vector.shape_cast %mul3A_422 : vector<16xf32> to vector<1x16xf32>
          tpu.vector_store %swap3A_426[%swap3A_427, %swap3A_428], %swap3A_431 {strides = array<i32>} : memref<128x128xf32, #tpu.memory_space<vmem>>, vector<1x16xf32>,
          %get3A_432 = arith.constant 0 : i32
          %get3A_433 = arith.constant 0 : i32
          %get3A_434 = tpu.memref_slice %arg8[%scan3A_110, %get3A_432, %get3A_433] : memref<2x128x128xf32, #tpu.memory_space<vmem>> -> memref<1x128x128xf32, #tpu.memory_space<vmem>>
          %get3A_435 = tpu.memref_squeeze %get3A_434 : memref<1x128x128xf32, #tpu.memory_space<vmem>> -> memref<128x128xf32, #tpu.memory_space<vmem>>
          %get3A_436 = arith.index_cast %add3A_299 : i32 to index
          %get3A_437 = arith.constant 96 : index
          %get3A_438 = tpu.vector_load %get3A_435[%get3A_436, %get3A_437] {strides = array<i32>} : memref<128x128xf32, #tpu.memory_space<vmem>>, vector<1x16xf32>,
          %get3A_439 = vector.shape_cast %get3A_438 : vector<1x16xf32> to vector<16xf32>
          %get3A_440 = arith.index_cast %add3A_299 : i32 to index
          %get3A_441 = arith.constant 96 : index
          %get3A_442 = tpu.vector_load %arg9[%get3A_440, %get3A_441] {strides = array<i32>} : memref<128x128xf32, #tpu.memory_space<vmem>>, vector<1x16xf32>,
          %get3A_443 = vector.shape_cast %get3A_442 : vector<1x16xf32> to vector<16xf32>
          %mul3A_444 = arith.mulf %get3A_439, %get3A_443 : vector<16xf32>
          %swap3A_445 = arith.constant 0 : i32
          %swap3A_446 = arith.constant 0 : i32
          %swap3A_447 = tpu.memref_slice %arg8[%scan3A_110, %swap3A_445, %swap3A_446] : memref<2x128x128xf32, #tpu.memory_space<vmem>> -> memref<1x128x128xf32, #tpu.memory_space<vmem>>
          %swap3A_448 = tpu.memref_squeeze %swap3A_447 : memref<1x128x128xf32, #tpu.memory_space<vmem>> -> memref<128x128xf32, #tpu.memory_space<vmem>>
          %swap3A_449 = arith.index_cast %add3A_299 : i32 to index
          %swap3A_450 = arith.constant 96 : index
          %swap3A_451 = tpu.vector_load %swap3A_448[%swap3A_449, %swap3A_450] {strides = array<i32>} : memref<128x128xf32, #tpu.memory_space<vmem>>, vector<1x16xf32>,
          %swap3A_452 = vector.shape_cast %swap3A_451 : vector<1x16xf32> to vector<16xf32>
          %swap3A_453 = vector.shape_cast %mul3A_444 : vector<16xf32> to vector<1x16xf32>
          tpu.vector_store %swap3A_448[%swap3A_449, %swap3A_450], %swap3A_453 {strides = array<i32>} : memref<128x128xf32, #tpu.memory_space<vmem>>, vector<1x16xf32>,
          %get3A_454 = arith.constant 0 : i32
          %get3A_455 = arith.constant 0 : i32
          %get3A_456 = tpu.memref_slice %arg8[%scan3A_110, %get3A_454, %get3A_455] : memref<2x128x128xf32, #tpu.memory_space<vmem>> -> memref<1x128x128xf32, #tpu.memory_space<vmem>>
          %get3A_457 = tpu.memref_squeeze %get3A_456 : memref<1x128x128xf32, #tpu.memory_space<vmem>> -> memref<128x128xf32, #tpu.memory_space<vmem>>
          %get3A_458 = arith.index_cast %add3A_299 : i32 to index
          %get3A_459 = arith.constant 112 : index
          %get3A_460 = tpu.vector_load %get3A_457[%get3A_458, %get3A_459] {strides = array<i32>} : memref<128x128xf32, #tpu.memory_space<vmem>>, vector<1x16xf32>,
          %get3A_461 = vector.shape_cast %get3A_460 : vector<1x16xf32> to vector<16xf32>
          %get3A_462 = arith.index_cast %add3A_299 : i32 to index
          %get3A_463 = arith.constant 112 : index
          %get3A_464 = tpu.vector_load %arg9[%get3A_462, %get3A_463] {strides = array<i32>} : memref<128x128xf32, #tpu.memory_space<vmem>>, vector<1x16xf32>,
          %get3A_465 = vector.shape_cast %get3A_464 : vector<1x16xf32> to vector<16xf32>
          %mul3A_466 = arith.mulf %get3A_461, %get3A_465 : vector<16xf32>
          %swap3A_467 = arith.constant 0 : i32
          %swap3A_468 = arith.constant 0 : i32
          %swap3A_469 = tpu.memref_slice %arg8[%scan3A_110, %swap3A_467, %swap3A_468] : memref<2x128x128xf32, #tpu.memory_space<vmem>> -> memref<1x128x128xf32, #tpu.memory_space<vmem>>
          %swap3A_470 = tpu.memref_squeeze %swap3A_469 : memref<1x128x128xf32, #tpu.memory_space<vmem>> -> memref<128x128xf32, #tpu.memory_space<vmem>>
          %swap3A_471 = arith.index_cast %add3A_299 : i32 to index
          %swap3A_472 = arith.constant 112 : index
          %swap3A_473 = tpu.vector_load %swap3A_470[%swap3A_471, %swap3A_472] {strides = array<i32>} : memref<128x128xf32, #tpu.memory_space<vmem>>, vector<1x16xf32>,
          %swap3A_474 = vector.shape_cast %swap3A_473 : vector<1x16xf32> to vector<16xf32>
          %swap3A_475 = vector.shape_cast %mul3A_466 : vector<16xf32> to vector<1x16xf32>
          tpu.vector_store %swap3A_470[%swap3A_471, %swap3A_472], %swap3A_475 {strides = array<i32>} : memref<128x128xf32, #tpu.memory_space<vmem>>, vector<1x16xf32>,
          %mul3A_476 = arith.constant 4 : i32
          %mul3A_477 = arith.muli %scan3A_117, %mul3A_476 : i32
          %add3A_478 = arith.constant 2 : i32
          %add3A_479 = arith.addi %mul3A_477, %add3A_478 : i32
          %get3A_480 = arith.constant 0 : i32
          %get3A_481 = arith.constant 0 : i32
          %get3A_482 = tpu.memref_slice %arg8[%scan3A_110, %get3A_480, %get3A_481] : memref<2x128x128xf32, #tpu.memory_space<vmem>> -> memref<1x128x128xf32, #tpu.memory_space<vmem>>
          %get3A_483 = tpu.memref_squeeze %get3A_482 : memref<1x128x128xf32, #tpu.memory_space<vmem>> -> memref<128x128xf32, #tpu.memory_space<vmem>>
          %get3A_484 = arith.index_cast %add3A_479 : i32 to index
          %get3A_485 = arith.constant 0 : index
          %get3A_486 = tpu.vector_load %get3A_483[%get3A_484, %get3A_485] {strides = array<i32>} : memref<128x128xf32, #tpu.memory_space<vmem>>, vector<1x16xf32>,
          %get3A_487 = vector.shape_cast %get3A_486 : vector<1x16xf32> to vector<16xf32>
          %get3A_488 = arith.index_cast %add3A_479 : i32 to index
          %get3A_489 = arith.constant 0 : index
          %get3A_490 = tpu.vector_load %arg9[%get3A_488, %get3A_489] {strides = array<i32>} : memref<128x128xf32, #tpu.memory_space<vmem>>, vector<1x16xf32>,
          %get3A_491 = vector.shape_cast %get3A_490 : vector<1x16xf32> to vector<16xf32>
          %mul3A_492 = arith.mulf %get3A_487, %get3A_491 : vector<16xf32>
          %swap3A_493 = arith.constant 0 : i32
          %swap3A_494 = arith.constant 0 : i32
          %swap3A_495 = tpu.memref_slice %arg8[%scan3A_110, %swap3A_493, %swap3A_494] : memref<2x128x128xf32, #tpu.memory_space<vmem>> -> memref<1x128x128xf32, #tpu.memory_space<vmem>>
          %swap3A_496 = tpu.memref_squeeze %swap3A_495 : memref<1x128x128xf32, #tpu.memory_space<vmem>> -> memref<128x128xf32, #tpu.memory_space<vmem>>
          %swap3A_497 = arith.index_cast %add3A_479 : i32 to index
          %swap3A_498 = arith.constant 0 : index
          %swap3A_499 = tpu.vector_load %swap3A_496[%swap3A_497, %swap3A_498] {strides = array<i32>} : memref<128x128xf32, #tpu.memory_space<vmem>>, vector<1x16xf32>,
          %swap3A_500 = vector.shape_cast %swap3A_499 : vector<1x16xf32> to vector<16xf32>
          %swap3A_501 = vector.shape_cast %mul3A_492 : vector<16xf32> to vector<1x16xf32>
          tpu.vector_store %swap3A_496[%swap3A_497, %swap3A_498], %swap3A_501 {strides = array<i32>} : memref<128x128xf32, #tpu.memory_space<vmem>>, vector<1x16xf32>,
          %get3A_502 = arith.constant 0 : i32
          %get3A_503 = arith.constant 0 : i32
          %get3A_504 = tpu.memref_slice %arg8[%scan3A_110, %get3A_502, %get3A_503] : memref<2x128x128xf32, #tpu.memory_space<vmem>> -> memref<1x128x128xf32, #tpu.memory_space<vmem>>
          %get3A_505 = tpu.memref_squeeze %get3A_504 : memref<1x128x128xf32, #tpu.memory_space<vmem>> -> memref<128x128xf32, #tpu.memory_space<vmem>>
          %get3A_506 = arith.index_cast %add3A_479 : i32 to index
          %get3A_507 = arith.constant 16 : index
          %get3A_508 = tpu.vector_load %get3A_505[%get3A_506, %get3A_507] {strides = array<i32>} : memref<128x128xf32, #tpu.memory_space<vmem>>, vector<1x16xf32>,
          %get3A_509 = vector.shape_cast %get3A_508 : vector<1x16xf32> to vector<16xf32>
          %get3A_510 = arith.index_cast %add3A_479 : i32 to index
          %get3A_511 = arith.constant 16 : index
          %get3A_512 = tpu.vector_load %arg9[%get3A_510, %get3A_511] {strides = array<i32>} : memref<128x128xf32, #tpu.memory_space<vmem>>, vector<1x16xf32>,
          %get3A_513 = vector.shape_cast %get3A_512 : vector<1x16xf32> to vector<16xf32>
          %mul3A_514 = arith.mulf %get3A_509, %get3A_513 : vector<16xf32>
          %swap3A_515 = arith.constant 0 : i32
          %swap3A_516 = arith.constant 0 : i32
          %swap3A_517 = tpu.memref_slice %arg8[%scan3A_110, %swap3A_515, %swap3A_516] : memref<2x128x128xf32, #tpu.memory_space<vmem>> -> memref<1x128x128xf32, #tpu.memory_space<vmem>>
          %swap3A_518 = tpu.memref_squeeze %swap3A_517 : memref<1x128x128xf32, #tpu.memory_space<vmem>> -> memref<128x128xf32, #tpu.memory_space<vmem>>
          %swap3A_519 = arith.index_cast %add3A_479 : i32 to index
          %swap3A_520 = arith.constant 16 : index
          %swap3A_521 = tpu.vector_load %swap3A_518[%swap3A_519, %swap3A_520] {strides = array<i32>} : memref<128x128xf32, #tpu.memory_space<vmem>>, vector<1x16xf32>,
          %swap3A_522 = vector.shape_cast %swap3A_521 : vector<1x16xf32> to vector<16xf32>
          %swap3A_523 = vector.shape_cast %mul3A_514 : vector<16xf32> to vector<1x16xf32>
          tpu.vector_store %swap3A_518[%swap3A_519, %swap3A_520], %swap3A_523 {strides = array<i32>} : memref<128x128xf32, #tpu.memory_space<vmem>>, vector<1x16xf32>,
          %get3A_524 = arith.constant 0 : i32
          %get3A_525 = arith.constant 0 : i32
          %get3A_526 = tpu.memref_slice %arg8[%scan3A_110, %get3A_524, %get3A_525] : memref<2x128x128xf32, #tpu.memory_space<vmem>> -> memref<1x128x128xf32, #tpu.memory_space<vmem>>
          %get3A_527 = tpu.memref_squeeze %get3A_526 : memref<1x128x128xf32, #tpu.memory_space<vmem>> -> memref<128x128xf32, #tpu.memory_space<vmem>>
          %get3A_528 = arith.index_cast %add3A_479 : i32 to index
          %get3A_529 = arith.constant 32 : index
          %get3A_530 = tpu.vector_load %get3A_527[%get3A_528, %get3A_529] {strides = array<i32>} : memref<128x128xf32, #tpu.memory_space<vmem>>, vector<1x16xf32>,
          %get3A_531 = vector.shape_cast %get3A_530 : vector<1x16xf32> to vector<16xf32>
          %get3A_532 = arith.index_cast %add3A_479 : i32 to index
          %get3A_533 = arith.constant 32 : index
          %get3A_534 = tpu.vector_load %arg9[%get3A_532, %get3A_533] {strides = array<i32>} : memref<128x128xf32, #tpu.memory_space<vmem>>, vector<1x16xf32>,
          %get3A_535 = vector.shape_cast %get3A_534 : vector<1x16xf32> to vector<16xf32>
          %mul3A_536 = arith.mulf %get3A_531, %get3A_535 : vector<16xf32>
          %swap3A_537 = arith.constant 0 : i32
          %swap3A_538 = arith.constant 0 : i32
          %swap3A_539 = tpu.memref_slice %arg8[%scan3A_110, %swap3A_537, %swap3A_538] : memref<2x128x128xf32, #tpu.memory_space<vmem>> -> memref<1x128x128xf32, #tpu.memory_space<vmem>>
          %swap3A_540 = tpu.memref_squeeze %swap3A_539 : memref<1x128x128xf32, #tpu.memory_space<vmem>> -> memref<128x128xf32, #tpu.memory_space<vmem>>
          %swap3A_541 = arith.index_cast %add3A_479 : i32 to index
          %swap3A_542 = arith.constant 32 : index
          %swap3A_543 = tpu.vector_load %swap3A_540[%swap3A_541, %swap3A_542] {strides = array<i32>} : memref<128x128xf32, #tpu.memory_space<vmem>>, vector<1x16xf32>,
          %swap3A_544 = vector.shape_cast %swap3A_543 : vector<1x16xf32> to vector<16xf32>
          %swap3A_545 = vector.shape_cast %mul3A_536 : vector<16xf32> to vector<1x16xf32>
          tpu.vector_store %swap3A_540[%swap3A_541, %swap3A_542], %swap3A_545 {strides = array<i32>} : memref<128x128xf32, #tpu.memory_space<vmem>>, vector<1x16xf32>,
          %get3A_546 = arith.constant 0 : i32
          %get3A_547 = arith.constant 0 : i32
          %get3A_548 = tpu.memref_slice %arg8[%scan3A_110, %get3A_546, %get3A_547] : memref<2x128x128xf32, #tpu.memory_space<vmem>> -> memref<1x128x128xf32, #tpu.memory_space<vmem>>
          %get3A_549 = tpu.memref_squeeze %get3A_548 : memref<1x128x128xf32, #tpu.memory_space<vmem>> -> memref<128x128xf32, #tpu.memory_space<vmem>>
          %get3A_550 = arith.index_cast %add3A_479 : i32 to index
          %get3A_551 = arith.constant 48 : index
          %get3A_552 = tpu.vector_load %get3A_549[%get3A_550, %get3A_551] {strides = array<i32>} : memref<128x128xf32, #tpu.memory_space<vmem>>, vector<1x16xf32>,
          %get3A_553 = vector.shape_cast %get3A_552 : vector<1x16xf32> to vector<16xf32>
          %get3A_554 = arith.index_cast %add3A_479 : i32 to index
          %get3A_555 = arith.constant 48 : index
          %get3A_556 = tpu.vector_load %arg9[%get3A_554, %get3A_555] {strides = array<i32>} : memref<128x128xf32, #tpu.memory_space<vmem>>, vector<1x16xf32>,
          %get3A_557 = vector.shape_cast %get3A_556 : vector<1x16xf32> to vector<16xf32>
          %mul3A_558 = arith.mulf %get3A_553, %get3A_557 : vector<16xf32>
          %swap3A_559 = arith.constant 0 : i32
          %swap3A_560 = arith.constant 0 : i32
          %swap3A_561 = tpu.memref_slice %arg8[%scan3A_110, %swap3A_559, %swap3A_560] : memref<2x128x128xf32, #tpu.memory_space<vmem>> -> memref<1x128x128xf32, #tpu.memory_space<vmem>>
          %swap3A_562 = tpu.memref_squeeze %swap3A_561 : memref<1x128x128xf32, #tpu.memory_space<vmem>> -> memref<128x128xf32, #tpu.memory_space<vmem>>
          %swap3A_563 = arith.index_cast %add3A_479 : i32 to index
          %swap3A_564 = arith.constant 48 : index
          %swap3A_565 = tpu.vector_load %swap3A_562[%swap3A_563, %swap3A_564] {strides = array<i32>} : memref<128x128xf32, #tpu.memory_space<vmem>>, vector<1x16xf32>,
          %swap3A_566 = vector.shape_cast %swap3A_565 : vector<1x16xf32> to vector<16xf32>
          %swap3A_567 = vector.shape_cast %mul3A_558 : vector<16xf32> to vector<1x16xf32>
          tpu.vector_store %swap3A_562[%swap3A_563, %swap3A_564], %swap3A_567 {strides = array<i32>} : memref<128x128xf32, #tpu.memory_space<vmem>>, vector<1x16xf32>,
          %get3A_568 = arith.constant 0 : i32
          %get3A_569 = arith.constant 0 : i32
          %get3A_570 = tpu.memref_slice %arg8[%scan3A_110, %get3A_568, %get3A_569] : memref<2x128x128xf32, #tpu.memory_space<vmem>> -> memref<1x128x128xf32, #tpu.memory_space<vmem>>
          %get3A_571 = tpu.memref_squeeze %get3A_570 : memref<1x128x128xf32, #tpu.memory_space<vmem>> -> memref<128x128xf32, #tpu.memory_space<vmem>>
          %get3A_572 = arith.index_cast %add3A_479 : i32 to index
          %get3A_573 = arith.constant 64 : index
          %get3A_574 = tpu.vector_load %get3A_571[%get3A_572, %get3A_573] {strides = array<i32>} : memref<128x128xf32, #tpu.memory_space<vmem>>, vector<1x16xf32>,
          %get3A_575 = vector.shape_cast %get3A_574 : vector<1x16xf32> to vector<16xf32>
          %get3A_576 = arith.index_cast %add3A_479 : i32 to index
          %get3A_577 = arith.constant 64 : index
          %get3A_578 = tpu.vector_load %arg9[%get3A_576, %get3A_577] {strides = array<i32>} : memref<128x128xf32, #tpu.memory_space<vmem>>, vector<1x16xf32>,
          %get3A_579 = vector.shape_cast %get3A_578 : vector<1x16xf32> to vector<16xf32>
          %mul3A_580 = arith.mulf %get3A_575, %get3A_579 : vector<16xf32>
          %swap3A_581 = arith.constant 0 : i32
          %swap3A_582 = arith.constant 0 : i32
          %swap3A_583 = tpu.memref_slice %arg8[%scan3A_110, %swap3A_581, %swap3A_582] : memref<2x128x128xf32, #tpu.memory_space<vmem>> -> memref<1x128x128xf32, #tpu.memory_space<vmem>>
          %swap3A_584 = tpu.memref_squeeze %swap3A_583 : memref<1x128x128xf32, #tpu.memory_space<vmem>> -> memref<128x128xf32, #tpu.memory_space<vmem>>
          %swap3A_585 = arith.index_cast %add3A_479 : i32 to index
          %swap3A_586 = arith.constant 64 : index
          %swap3A_587 = tpu.vector_load %swap3A_584[%swap3A_585, %swap3A_586] {strides = array<i32>} : memref<128x128xf32, #tpu.memory_space<vmem>>, vector<1x16xf32>,
          %swap3A_588 = vector.shape_cast %swap3A_587 : vector<1x16xf32> to vector<16xf32>
          %swap3A_589 = vector.shape_cast %mul3A_580 : vector<16xf32> to vector<1x16xf32>
          tpu.vector_store %swap3A_584[%swap3A_585, %swap3A_586], %swap3A_589 {strides = array<i32>} : memref<128x128xf32, #tpu.memory_space<vmem>>, vector<1x16xf32>,
          %get3A_590 = arith.constant 0 : i32
          %get3A_591 = arith.constant 0 : i32
          %get3A_592 = tpu.memref_slice %arg8[%scan3A_110, %get3A_590, %get3A_591] : memref<2x128x128xf32, #tpu.memory_space<vmem>> -> memref<1x128x128xf32, #tpu.memory_space<vmem>>
          %get3A_593 = tpu.memref_squeeze %get3A_592 : memref<1x128x128xf32, #tpu.memory_space<vmem>> -> memref<128x128xf32, #tpu.memory_space<vmem>>
          %get3A_594 = arith.index_cast %add3A_479 : i32 to index
          %get3A_595 = arith.constant 80 : index
          %get3A_596 = tpu.vector_load %get3A_593[%get3A_594, %get3A_595] {strides = array<i32>} : memref<128x128xf32, #tpu.memory_space<vmem>>, vector<1x16xf32>,
          %get3A_597 = vector.shape_cast %get3A_596 : vector<1x16xf32> to vector<16xf32>
          %get3A_598 = arith.index_cast %add3A_479 : i32 to index
          %get3A_599 = arith.constant 80 : index
          %get3A_600 = tpu.vector_load %arg9[%get3A_598, %get3A_599] {strides = array<i32>} : memref<128x128xf32, #tpu.memory_space<vmem>>, vector<1x16xf32>,
          %get3A_601 = vector.shape_cast %get3A_600 : vector<1x16xf32> to vector<16xf32>
          %mul3A_602 = arith.mulf %get3A_597, %get3A_601 : vector<16xf32>
          %swap3A_603 = arith.constant 0 : i32
          %swap3A_604 = arith.constant 0 : i32
          %swap3A_605 = tpu.memref_slice %arg8[%scan3A_110, %swap3A_603, %swap3A_604] : memref<2x128x128xf32, #tpu.memory_space<vmem>> -> memref<1x128x128xf32, #tpu.memory_space<vmem>>
          %swap3A_606 = tpu.memref_squeeze %swap3A_605 : memref<1x128x128xf32, #tpu.memory_space<vmem>> -> memref<128x128xf32, #tpu.memory_space<vmem>>
          %swap3A_607 = arith.index_cast %add3A_479 : i32 to index
          %swap3A_608 = arith.constant 80 : index
          %swap3A_609 = tpu.vector_load %swap3A_606[%swap3A_607, %swap3A_608] {strides = array<i32>} : memref<128x128xf32, #tpu.memory_space<vmem>>, vector<1x16xf32>,
          %swap3A_610 = vector.shape_cast %swap3A_609 : vector<1x16xf32> to vector<16xf32>
          %swap3A_611 = vector.shape_cast %mul3A_602 : vector<16xf32> to vector<1x16xf32>
          tpu.vector_store %swap3A_606[%swap3A_607, %swap3A_608], %swap3A_611 {strides = array<i32>} : memref<128x128xf32, #tpu.memory_space<vmem>>, vector<1x16xf32>,
          %get3A_612 = arith.constant 0 : i32
          %get3A_613 = arith.constant 0 : i32
          %get3A_614 = tpu.memref_slice %arg8[%scan3A_110, %get3A_612, %get3A_613] : memref<2x128x128xf32, #tpu.memory_space<vmem>> -> memref<1x128x128xf32, #tpu.memory_space<vmem>>
          %get3A_615 = tpu.memref_squeeze %get3A_614 : memref<1x128x128xf32, #tpu.memory_space<vmem>> -> memref<128x128xf32, #tpu.memory_space<vmem>>
          %get3A_616 = arith.index_cast %add3A_479 : i32 to index
          %get3A_617 = arith.constant 96 : index
          %get3A_618 = tpu.vector_load %get3A_615[%get3A_616, %get3A_617] {strides = array<i32>} : memref<128x128xf32, #tpu.memory_space<vmem>>, vector<1x16xf32>,
          %get3A_619 = vector.shape_cast %get3A_618 : vector<1x16xf32> to vector<16xf32>
          %get3A_620 = arith.index_cast %add3A_479 : i32 to index
          %get3A_621 = arith.constant 96 : index
          %get3A_622 = tpu.vector_load %arg9[%get3A_620, %get3A_621] {strides = array<i32>} : memref<128x128xf32, #tpu.memory_space<vmem>>, vector<1x16xf32>,
          %get3A_623 = vector.shape_cast %get3A_622 : vector<1x16xf32> to vector<16xf32>
          %mul3A_624 = arith.mulf %get3A_619, %get3A_623 : vector<16xf32>
          %swap3A_625 = arith.constant 0 : i32
          %swap3A_626 = arith.constant 0 : i32
          %swap3A_627 = tpu.memref_slice %arg8[%scan3A_110, %swap3A_625, %swap3A_626] : memref<2x128x128xf32, #tpu.memory_space<vmem>> -> memref<1x128x128xf32, #tpu.memory_space<vmem>>
          %swap3A_628 = tpu.memref_squeeze %swap3A_627 : memref<1x128x128xf32, #tpu.memory_space<vmem>> -> memref<128x128xf32, #tpu.memory_space<vmem>>
          %swap3A_629 = arith.index_cast %add3A_479 : i32 to index
          %swap3A_630 = arith.constant 96 : index
          %swap3A_631 = tpu.vector_load %swap3A_628[%swap3A_629, %swap3A_630] {strides = array<i32>} : memref<128x128xf32, #tpu.memory_space<vmem>>, vector<1x16xf32>,
          %swap3A_632 = vector.shape_cast %swap3A_631 : vector<1x16xf32> to vector<16xf32>
          %swap3A_633 = vector.shape_cast %mul3A_624 : vector<16xf32> to vector<1x16xf32>
          tpu.vector_store %swap3A_628[%swap3A_629, %swap3A_630], %swap3A_633 {strides = array<i32>} : memref<128x128xf32, #tpu.memory_space<vmem>>, vector<1x16xf32>,
          %get3A_634 = arith.constant 0 : i32
          %get3A_635 = arith.constant 0 : i32
          %get3A_636 = tpu.memref_slice %arg8[%scan3A_110, %get3A_634, %get3A_635] : memref<2x128x128xf32, #tpu.memory_space<vmem>> -> memref<1x128x128xf32, #tpu.memory_space<vmem>>
          %get3A_637 = tpu.memref_squeeze %get3A_636 : memref<1x128x128xf32, #tpu.memory_space<vmem>> -> memref<128x128xf32, #tpu.memory_space<vmem>>
          %get3A_638 = arith.index_cast %add3A_479 : i32 to index
          %get3A_639 = arith.constant 112 : index
          %get3A_640 = tpu.vector_load %get3A_637[%get3A_638, %get3A_639] {strides = array<i32>} : memref<128x128xf32, #tpu.memory_space<vmem>>, vector<1x16xf32>,
          %get3A_641 = vector.shape_cast %get3A_640 : vector<1x16xf32> to vector<16xf32>
          %get3A_642 = arith.index_cast %add3A_479 : i32 to index
          %get3A_643 = arith.constant 112 : index
          %get3A_644 = tpu.vector_load %arg9[%get3A_642, %get3A_643] {strides = array<i32>} : memref<128x128xf32, #tpu.memory_space<vmem>>, vector<1x16xf32>,
          %get3A_645 = vector.shape_cast %get3A_644 : vector<1x16xf32> to vector<16xf32>
          %mul3A_646 = arith.mulf %get3A_641, %get3A_645 : vector<16xf32>
          %swap3A_647 = arith.constant 0 : i32
          %swap3A_648 = arith.constant 0 : i32
          %swap3A_649 = tpu.memref_slice %arg8[%scan3A_110, %swap3A_647, %swap3A_648] : memref<2x128x128xf32, #tpu.memory_space<vmem>> -> memref<1x128x128xf32, #tpu.memory_space<vmem>>
          %swap3A_650 = tpu.memref_squeeze %swap3A_649 : memref<1x128x128xf32, #tpu.memory_space<vmem>> -> memref<128x128xf32, #tpu.memory_space<vmem>>
          %swap3A_651 = arith.index_cast %add3A_479 : i32 to index
          %swap3A_652 = arith.constant 112 : index
          %swap3A_653 = tpu.vector_load %swap3A_650[%swap3A_651, %swap3A_652] {strides = array<i32>} : memref<128x128xf32, #tpu.memory_space<vmem>>, vector<1x16xf32>,
          %swap3A_654 = vector.shape_cast %swap3A_653 : vector<1x16xf32> to vector<16xf32>
          %swap3A_655 = vector.shape_cast %mul3A_646 : vector<16xf32> to vector<1x16xf32>
          tpu.vector_store %swap3A_650[%swap3A_651, %swap3A_652], %swap3A_655 {strides = array<i32>} : memref<128x128xf32, #tpu.memory_space<vmem>>, vector<1x16xf32>,
          %mul3A_656 = arith.constant 4 : i32
          %mul3A_657 = arith.muli %scan3A_117, %mul3A_656 : i32
          %add3A_658 = arith.constant 3 : i32
          %add3A_659 = arith.addi %mul3A_657, %add3A_658 : i32
          %get3A_660 = arith.constant 0 : i32
          %get3A_661 = arith.constant 0 : i32
          %get3A_662 = tpu.memref_slice %arg8[%scan3A_110, %get3A_660, %get3A_661] : memref<2x128x128xf32, #tpu.memory_space<vmem>> -> memref<1x128x128xf32, #tpu.memory_space<vmem>>
          %get3A_663 = tpu.memref_squeeze %get3A_662 : memref<1x128x128xf32, #tpu.memory_space<vmem>> -> memref<128x128xf32, #tpu.memory_space<vmem>>
          %get3A_664 = arith.index_cast %add3A_659 : i32 to index
          %get3A_665 = arith.constant 0 : index
          %get3A_666 = tpu.vector_load %get3A_663[%get3A_664, %get3A_665] {strides = array<i32>} : memref<128x128xf32, #tpu.memory_space<vmem>>, vector<1x16xf32>,
          %get3A_667 = vector.shape_cast %get3A_666 : vector<1x16xf32> to vector<16xf32>
          %get3A_668 = arith.index_cast %add3A_659 : i32 to index
          %get3A_669 = arith.constant 0 : index
          %get3A_670 = tpu.vector_load %arg9[%get3A_668, %get3A_669] {strides = array<i32>} : memref<128x128xf32, #tpu.memory_space<vmem>>, vector<1x16xf32>,
          %get3A_671 = vector.shape_cast %get3A_670 : vector<1x16xf32> to vector<16xf32>
          %mul3A_672 = arith.mulf %get3A_667, %get3A_671 : vector<16xf32>
          %swap3A_673 = arith.constant 0 : i32
          %swap3A_674 = arith.constant 0 : i32
          %swap3A_675 = tpu.memref_slice %arg8[%scan3A_110, %swap3A_673, %swap3A_674] : memref<2x128x128xf32, #tpu.memory_space<vmem>> -> memref<1x128x128xf32, #tpu.memory_space<vmem>>
          %swap3A_676 = tpu.memref_squeeze %swap3A_675 : memref<1x128x128xf32, #tpu.memory_space<vmem>> -> memref<128x128xf32, #tpu.memory_space<vmem>>
          %swap3A_677 = arith.index_cast %add3A_659 : i32 to index
          %swap3A_678 = arith.constant 0 : index
          %swap3A_679 = tpu.vector_load %swap3A_676[%swap3A_677, %swap3A_678] {strides = array<i32>} : memref<128x128xf32, #tpu.memory_space<vmem>>, vector<1x16xf32>,
          %swap3A_680 = vector.shape_cast %swap3A_679 : vector<1x16xf32> to vector<16xf32>
          %swap3A_681 = vector.shape_cast %mul3A_672 : vector<16xf32> to vector<1x16xf32>
          tpu.vector_store %swap3A_676[%swap3A_677, %swap3A_678], %swap3A_681 {strides = array<i32>} : memref<128x128xf32, #tpu.memory_space<vmem>>, vector<1x16xf32>,
          %get3A_682 = arith.constant 0 : i32
          %get3A_683 = arith.constant 0 : i32
          %get3A_684 = tpu.memref_slice %arg8[%scan3A_110, %get3A_682, %get3A_683] : memref<2x128x128xf32, #tpu.memory_space<vmem>> -> memref<1x128x128xf32, #tpu.memory_space<vmem>>
          %get3A_685 = tpu.memref_squeeze %get3A_684 : memref<1x128x128xf32, #tpu.memory_space<vmem>> -> memref<128x128xf32, #tpu.memory_space<vmem>>
          %get3A_686 = arith.index_cast %add3A_659 : i32 to index
          %get3A_687 = arith.constant 16 : index
          %get3A_688 = tpu.vector_load %get3A_685[%get3A_686, %get3A_687] {strides = array<i32>} : memref<128x128xf32, #tpu.memory_space<vmem>>, vector<1x16xf32>,
          %get3A_689 = vector.shape_cast %get3A_688 : vector<1x16xf32> to vector<16xf32>
          %get3A_690 = arith.index_cast %add3A_659 : i32 to index
          %get3A_691 = arith.constant 16 : index
          %get3A_692 = tpu.vector_load %arg9[%get3A_690, %get3A_691] {strides = array<i32>} : memref<128x128xf32, #tpu.memory_space<vmem>>, vector<1x16xf32>,
          %get3A_693 = vector.shape_cast %get3A_692 : vector<1x16xf32> to vector<16xf32>
          %mul3A_694 = arith.mulf %get3A_689, %get3A_693 : vector<16xf32>
          %swap3A_695 = arith.constant 0 : i32
          %swap3A_696 = arith.constant 0 : i32
          %swap3A_697 = tpu.memref_slice %arg8[%scan3A_110, %swap3A_695, %swap3A_696] : memref<2x128x128xf32, #tpu.memory_space<vmem>> -> memref<1x128x128xf32, #tpu.memory_space<vmem>>
          %swap3A_698 = tpu.memref_squeeze %swap3A_697 : memref<1x128x128xf32, #tpu.memory_space<vmem>> -> memref<128x128xf32, #tpu.memory_space<vmem>>
          %swap3A_699 = arith.index_cast %add3A_659 : i32 to index
          %swap3A_700 = arith.constant 16 : index
          %swap3A_701 = tpu.vector_load %swap3A_698[%swap3A_699, %swap3A_700] {strides = array<i32>} : memref<128x128xf32, #tpu.memory_space<vmem>>, vector<1x16xf32>,
          %swap3A_702 = vector.shape_cast %swap3A_701 : vector<1x16xf32> to vector<16xf32>
          %swap3A_703 = vector.shape_cast %mul3A_694 : vector<16xf32> to vector<1x16xf32>
          tpu.vector_store %swap3A_698[%swap3A_699, %swap3A_700], %swap3A_703 {strides = array<i32>} : memref<128x128xf32, #tpu.memory_space<vmem>>, vector<1x16xf32>,
          %get3A_704 = arith.constant 0 : i32
          %get3A_705 = arith.constant 0 : i32
          %get3A_706 = tpu.memref_slice %arg8[%scan3A_110, %get3A_704, %get3A_705] : memref<2x128x128xf32, #tpu.memory_space<vmem>> -> memref<1x128x128xf32, #tpu.memory_space<vmem>>
          %get3A_707 = tpu.memref_squeeze %get3A_706 : memref<1x128x128xf32, #tpu.memory_space<vmem>> -> memref<128x128xf32, #tpu.memory_space<vmem>>
          %get3A_708 = arith.index_cast %add3A_659 : i32 to index
          %get3A_709 = arith.constant 32 : index
          %get3A_710 = tpu.vector_load %get3A_707[%get3A_708, %get3A_709] {strides = array<i32>} : memref<128x128xf32, #tpu.memory_space<vmem>>, vector<1x16xf32>,
          %get3A_711 = vector.shape_cast %get3A_710 : vector<1x16xf32> to vector<16xf32>
          %get3A_712 = arith.index_cast %add3A_659 : i32 to index
          %get3A_713 = arith.constant 32 : index
          %get3A_714 = tpu.vector_load %arg9[%get3A_712, %get3A_713] {strides = array<i32>} : memref<128x128xf32, #tpu.memory_space<vmem>>, vector<1x16xf32>,
          %get3A_715 = vector.shape_cast %get3A_714 : vector<1x16xf32> to vector<16xf32>
          %mul3A_716 = arith.mulf %get3A_711, %get3A_715 : vector<16xf32>
          %swap3A_717 = arith.constant 0 : i32
          %swap3A_718 = arith.constant 0 : i32
          %swap3A_719 = tpu.memref_slice %arg8[%scan3A_110, %swap3A_717, %swap3A_718] : memref<2x128x128xf32, #tpu.memory_space<vmem>> -> memref<1x128x128xf32, #tpu.memory_space<vmem>>
          %swap3A_720 = tpu.memref_squeeze %swap3A_719 : memref<1x128x128xf32, #tpu.memory_space<vmem>> -> memref<128x128xf32, #tpu.memory_space<vmem>>
          %swap3A_721 = arith.index_cast %add3A_659 : i32 to index
          %swap3A_722 = arith.constant 32 : index
          %swap3A_723 = tpu.vector_load %swap3A_720[%swap3A_721, %swap3A_722] {strides = array<i32>} : memref<128x128xf32, #tpu.memory_space<vmem>>, vector<1x16xf32>,
          %swap3A_724 = vector.shape_cast %swap3A_723 : vector<1x16xf32> to vector<16xf32>
          %swap3A_725 = vector.shape_cast %mul3A_716 : vector<16xf32> to vector<1x16xf32>
          tpu.vector_store %swap3A_720[%swap3A_721, %swap3A_722], %swap3A_725 {strides = array<i32>} : memref<128x128xf32, #tpu.memory_space<vmem>>, vector<1x16xf32>,
          %get3A_726 = arith.constant 0 : i32
          %get3A_727 = arith.constant 0 : i32
          %get3A_728 = tpu.memref_slice %arg8[%scan3A_110, %get3A_726, %get3A_727] : memref<2x128x128xf32, #tpu.memory_space<vmem>> -> memref<1x128x128xf32, #tpu.memory_space<vmem>>
          %get3A_729 = tpu.memref_squeeze %get3A_728 : memref<1x128x128xf32, #tpu.memory_space<vmem>> -> memref<128x128xf32, #tpu.memory_space<vmem>>
          %get3A_730 = arith.index_cast %add3A_659 : i32 to index
          %get3A_731 = arith.constant 48 : index
          %get3A_732 = tpu.vector_load %get3A_729[%get3A_730, %get3A_731] {strides = array<i32>} : memref<128x128xf32, #tpu.memory_space<vmem>>, vector<1x16xf32>,
          %get3A_733 = vector.shape_cast %get3A_732 : vector<1x16xf32> to vector<16xf32>
          %get3A_734 = arith.index_cast %add3A_659 : i32 to index
          %get3A_735 = arith.constant 48 : index
          %get3A_736 = tpu.vector_load %arg9[%get3A_734, %get3A_735] {strides = array<i32>} : memref<128x128xf32, #tpu.memory_space<vmem>>, vector<1x16xf32>,
          %get3A_737 = vector.shape_cast %get3A_736 : vector<1x16xf32> to vector<16xf32>
          %mul3A_738 = arith.mulf %get3A_733, %get3A_737 : vector<16xf32>
          %swap3A_739 = arith.constant 0 : i32
          %swap3A_740 = arith.constant 0 : i32
          %swap3A_741 = tpu.memref_slice %arg8[%scan3A_110, %swap3A_739, %swap3A_740] : memref<2x128x128xf32, #tpu.memory_space<vmem>> -> memref<1x128x128xf32, #tpu.memory_space<vmem>>
          %swap3A_742 = tpu.memref_squeeze %swap3A_741 : memref<1x128x128xf32, #tpu.memory_space<vmem>> -> memref<128x128xf32, #tpu.memory_space<vmem>>
          %swap3A_743 = arith.index_cast %add3A_659 : i32 to index
          %swap3A_744 = arith.constant 48 : index
          %swap3A_745 = tpu.vector_load %swap3A_742[%swap3A_743, %swap3A_744] {strides = array<i32>} : memref<128x128xf32, #tpu.memory_space<vmem>>, vector<1x16xf32>,
          %swap3A_746 = vector.shape_cast %swap3A_745 : vector<1x16xf32> to vector<16xf32>
          %swap3A_747 = vector.shape_cast %mul3A_738 : vector<16xf32> to vector<1x16xf32>
          tpu.vector_store %swap3A_742[%swap3A_743, %swap3A_744], %swap3A_747 {strides = array<i32>} : memref<128x128xf32, #tpu.memory_space<vmem>>, vector<1x16xf32>,
          %get3A_748 = arith.constant 0 : i32
          %get3A_749 = arith.constant 0 : i32
          %get3A_750 = tpu.memref_slice %arg8[%scan3A_110, %get3A_748, %get3A_749] : memref<2x128x128xf32, #tpu.memory_space<vmem>> -> memref<1x128x128xf32, #tpu.memory_space<vmem>>
          %get3A_751 = tpu.memref_squeeze %get3A_750 : memref<1x128x128xf32, #tpu.memory_space<vmem>> -> memref<128x128xf32, #tpu.memory_space<vmem>>
          %get3A_752 = arith.index_cast %add3A_659 : i32 to index
          %get3A_753 = arith.constant 64 : index
          %get3A_754 = tpu.vector_load %get3A_751[%get3A_752, %get3A_753] {strides = array<i32>} : memref<128x128xf32, #tpu.memory_space<vmem>>, vector<1x16xf32>,
          %get3A_755 = vector.shape_cast %get3A_754 : vector<1x16xf32> to vector<16xf32>
          %get3A_756 = arith.index_cast %add3A_659 : i32 to index
          %get3A_757 = arith.constant 64 : index
          %get3A_758 = tpu.vector_load %arg9[%get3A_756, %get3A_757] {strides = array<i32>} : memref<128x128xf32, #tpu.memory_space<vmem>>, vector<1x16xf32>,
          %get3A_759 = vector.shape_cast %get3A_758 : vector<1x16xf32> to vector<16xf32>
          %mul3A_760 = arith.mulf %get3A_755, %get3A_759 : vector<16xf32>
          %swap3A_761 = arith.constant 0 : i32
          %swap3A_762 = arith.constant 0 : i32
          %swap3A_763 = tpu.memref_slice %arg8[%scan3A_110, %swap3A_761, %swap3A_762] : memref<2x128x128xf32, #tpu.memory_space<vmem>> -> memref<1x128x128xf32, #tpu.memory_space<vmem>>
          %swap3A_764 = tpu.memref_squeeze %swap3A_763 : memref<1x128x128xf32, #tpu.memory_space<vmem>> -> memref<128x128xf32, #tpu.memory_space<vmem>>
          %swap3A_765 = arith.index_cast %add3A_659 : i32 to index
          %swap3A_766 = arith.constant 64 : index
          %swap3A_767 = tpu.vector_load %swap3A_764[%swap3A_765, %swap3A_766] {strides = array<i32>} : memref<128x128xf32, #tpu.memory_space<vmem>>, vector<1x16xf32>,
          %swap3A_768 = vector.shape_cast %swap3A_767 : vector<1x16xf32> to vector<16xf32>
          %swap3A_769 = vector.shape_cast %mul3A_760 : vector<16xf32> to vector<1x16xf32>
          tpu.vector_store %swap3A_764[%swap3A_765, %swap3A_766], %swap3A_769 {strides = array<i32>} : memref<128x128xf32, #tpu.memory_space<vmem>>, vector<1x16xf32>,
          %get3A_770 = arith.constant 0 : i32
          %get3A_771 = arith.constant 0 : i32
          %get3A_772 = tpu.memref_slice %arg8[%scan3A_110, %get3A_770, %get3A_771] : memref<2x128x128xf32, #tpu.memory_space<vmem>> -> memref<1x128x128xf32, #tpu.memory_space<vmem>>
          %get3A_773 = tpu.memref_squeeze %get3A_772 : memref<1x128x128xf32, #tpu.memory_space<vmem>> -> memref<128x128xf32, #tpu.memory_space<vmem>>
          %get3A_774 = arith.index_cast %add3A_659 : i32 to index
          %get3A_775 = arith.constant 80 : index
          %get3A_776 = tpu.vector_load %get3A_773[%get3A_774, %get3A_775] {strides = array<i32>} : memref<128x128xf32, #tpu.memory_space<vmem>>, vector<1x16xf32>,
          %get3A_777 = vector.shape_cast %get3A_776 : vector<1x16xf32> to vector<16xf32>
          %get3A_778 = arith.index_cast %add3A_659 : i32 to index
          %get3A_779 = arith.constant 80 : index
          %get3A_780 = tpu.vector_load %arg9[%get3A_778, %get3A_779] {strides = array<i32>} : memref<128x128xf32, #tpu.memory_space<vmem>>, vector<1x16xf32>,
          %get3A_781 = vector.shape_cast %get3A_780 : vector<1x16xf32> to vector<16xf32>
          %mul3A_782 = arith.mulf %get3A_777, %get3A_781 : vector<16xf32>
          %swap3A_783 = arith.constant 0 : i32
          %swap3A_784 = arith.constant 0 : i32
          %swap3A_785 = tpu.memref_slice %arg8[%scan3A_110, %swap3A_783, %swap3A_784] : memref<2x128x128xf32, #tpu.memory_space<vmem>> -> memref<1x128x128xf32, #tpu.memory_space<vmem>>
          %swap3A_786 = tpu.memref_squeeze %swap3A_785 : memref<1x128x128xf32, #tpu.memory_space<vmem>> -> memref<128x128xf32, #tpu.memory_space<vmem>>
          %swap3A_787 = arith.index_cast %add3A_659 : i32 to index
          %swap3A_788 = arith.constant 80 : index
          %swap3A_789 = tpu.vector_load %swap3A_786[%swap3A_787, %swap3A_788] {strides = array<i32>} : memref<128x128xf32, #tpu.memory_space<vmem>>, vector<1x16xf32>,
          %swap3A_790 = vector.shape_cast %swap3A_789 : vector<1x16xf32> to vector<16xf32>
          %swap3A_791 = vector.shape_cast %mul3A_782 : vector<16xf32> to vector<1x16xf32>
          tpu.vector_store %swap3A_786[%swap3A_787, %swap3A_788], %swap3A_791 {strides = array<i32>} : memref<128x128xf32, #tpu.memory_space<vmem>>, vector<1x16xf32>,
          %get3A_792 = arith.constant 0 : i32
          %get3A_793 = arith.constant 0 : i32
          %get3A_794 = tpu.memref_slice %arg8[%scan3A_110, %get3A_792, %get3A_793] : memref<2x128x128xf32, #tpu.memory_space<vmem>> -> memref<1x128x128xf32, #tpu.memory_space<vmem>>
          %get3A_795 = tpu.memref_squeeze %get3A_794 : memref<1x128x128xf32, #tpu.memory_space<vmem>> -> memref<128x128xf32, #tpu.memory_space<vmem>>
          %get3A_796 = arith.index_cast %add3A_659 : i32 to index
          %get3A_797 = arith.constant 96 : index
          %get3A_798 = tpu.vector_load %get3A_795[%get3A_796, %get3A_797] {strides = array<i32>} : memref<128x128xf32, #tpu.memory_space<vmem>>, vector<1x16xf32>,
          %get3A_799 = vector.shape_cast %get3A_798 : vector<1x16xf32> to vector<16xf32>
          %get3A_800 = arith.index_cast %add3A_659 : i32 to index
          %get3A_801 = arith.constant 96 : index
          %get3A_802 = tpu.vector_load %arg9[%get3A_800, %get3A_801] {strides = array<i32>} : memref<128x128xf32, #tpu.memory_space<vmem>>, vector<1x16xf32>,
          %get3A_803 = vector.shape_cast %get3A_802 : vector<1x16xf32> to vector<16xf32>
          %mul3A_804 = arith.mulf %get3A_799, %get3A_803 : vector<16xf32>
          %swap3A_805 = arith.constant 0 : i32
          %swap3A_806 = arith.constant 0 : i32
          %swap3A_807 = tpu.memref_slice %arg8[%scan3A_110, %swap3A_805, %swap3A_806] : memref<2x128x128xf32, #tpu.memory_space<vmem>> -> memref<1x128x128xf32, #tpu.memory_space<vmem>>
          %swap3A_808 = tpu.memref_squeeze %swap3A_807 : memref<1x128x128xf32, #tpu.memory_space<vmem>> -> memref<128x128xf32, #tpu.memory_space<vmem>>
          %swap3A_809 = arith.index_cast %add3A_659 : i32 to index
          %swap3A_810 = arith.constant 96 : index
          %swap3A_811 = tpu.vector_load %swap3A_808[%swap3A_809, %swap3A_810] {strides = array<i32>} : memref<128x128xf32, #tpu.memory_space<vmem>>, vector<1x16xf32>,
          %swap3A_812 = vector.shape_cast %swap3A_811 : vector<1x16xf32> to vector<16xf32>
          %swap3A_813 = vector.shape_cast %mul3A_804 : vector<16xf32> to vector<1x16xf32>
          tpu.vector_store %swap3A_808[%swap3A_809, %swap3A_810], %swap3A_813 {strides = array<i32>} : memref<128x128xf32, #tpu.memory_space<vmem>>, vector<1x16xf32>,
          %get3A_814 = arith.constant 0 : i32
          %get3A_815 = arith.constant 0 : i32
          %get3A_816 = tpu.memref_slice %arg8[%scan3A_110, %get3A_814, %get3A_815] : memref<2x128x128xf32, #tpu.memory_space<vmem>> -> memref<1x128x128xf32, #tpu.memory_space<vmem>>
          %get3A_817 = tpu.memref_squeeze %get3A_816 : memref<1x128x128xf32, #tpu.memory_space<vmem>> -> memref<128x128xf32, #tpu.memory_space<vmem>>
          %get3A_818 = arith.index_cast %add3A_659 : i32 to index
          %get3A_819 = arith.constant 112 : index
          %get3A_820 = tpu.vector_load %get3A_817[%get3A_818, %get3A_819] {strides = array<i32>} : memref<128x128xf32, #tpu.memory_space<vmem>>, vector<1x16xf32>,
          %get3A_821 = vector.shape_cast %get3A_820 : vector<1x16xf32> to vector<16xf32>
          %get3A_822 = arith.index_cast %add3A_659 : i32 to index
          %get3A_823 = arith.constant 112 : index
          %get3A_824 = tpu.vector_load %arg9[%get3A_822, %get3A_823] {strides = array<i32>} : memref<128x128xf32, #tpu.memory_space<vmem>>, vector<1x16xf32>,
          %get3A_825 = vector.shape_cast %get3A_824 : vector<1x16xf32> to vector<16xf32>
          %mul3A_826 = arith.mulf %get3A_821, %get3A_825 : vector<16xf32>
          %swap3A_827 = arith.constant 0 : i32
          %swap3A_828 = arith.constant 0 : i32
          %swap3A_829 = tpu.memref_slice %arg8[%scan3A_110, %swap3A_827, %swap3A_828] : memref<2x128x128xf32, #tpu.memory_space<vmem>> -> memref<1x128x128xf32, #tpu.memory_space<vmem>>
          %swap3A_830 = tpu.memref_squeeze %swap3A_829 : memref<1x128x128xf32, #tpu.memory_space<vmem>> -> memref<128x128xf32, #tpu.memory_space<vmem>>
          %swap3A_831 = arith.index_cast %add3A_659 : i32 to index
          %swap3A_832 = arith.constant 112 : index
          %swap3A_833 = tpu.vector_load %swap3A_830[%swap3A_831, %swap3A_832] {strides = array<i32>} : memref<128x128xf32, #tpu.memory_space<vmem>>, vector<1x16xf32>,
          %swap3A_834 = vector.shape_cast %swap3A_833 : vector<1x16xf32> to vector<16xf32>
          %swap3A_835 = vector.shape_cast %mul3A_826 : vector<16xf32> to vector<1x16xf32>
          tpu.vector_store %swap3A_830[%swap3A_831, %swap3A_832], %swap3A_835 {strides = array<i32>} : memref<128x128xf32, #tpu.memory_space<vmem>>, vector<1x16xf32>,
        }
        %scan3A_115 = arith.constant 32 : i32
        %run_scoped3A = arith.constant 1 : i32
        %run_scoped3A_116 = arith.constant 1 : i32
        "tpu.region"() ({
          %run_scoped3A_117 = tpu.sem_alloc : memref<!tpu.dma_semaphore, #tpu.memory_space<semaphore_mem>>
          %dma_start3A = arith.constant 0 : i32
          %dma_start3A_118 = arith.constant 0 : i32
          %dma_start3A_119 = tpu.memref_slice %arg8[%run_scoped3A, %dma_start3A, %dma_start3A_118] : memref<2x128x128xf32, #tpu.memory_space<vmem>> -> memref<1x128x128xf32, #tpu.memory_space<vmem>>
          %dma_start3A_120 = tpu.memref_squeeze %dma_start3A_119 : memref<1x128x128xf32, #tpu.memory_space<vmem>> -> memref<128x128xf32, #tpu.memory_space<vmem>>
          %dma_start3A_121 = arith.constant 0 : i32
          %dma_start3A_122 = tpu.memref_slice %arg7[%run_scoped3A_116, %dma_start3A_121] : memref<2x128xi32, #tpu.memory_space<vmem>> -> memref<1x128xi32, #tpu.memory_space<vmem>>
          %dma_start3A_123 = tpu.memref_squeeze %dma_start3A_122 : memref<1x128xi32, #tpu.memory_space<vmem>> -> memref<128xi32, #tpu.memory_space<vmem>>
          %dma_start3A_124 = arith.constant 0 : i32
          %dma_start3A_125 = arith.constant 0 : i32
          %dma_start3A_126 = tpu.memref_slice %arg11[%dma_start3A_124, %dma_start3A_125] : memref<10000x128xf32, #tpu.memory_space<vmem_shared>> -> memref<10000x128xf32, #tpu.memory_space<vmem_shared>>
          tpu.enqueue_indirect_dma source(%dma_start3A_120 : memref<128x128xf32, #tpu.memory_space<vmem>>) target(%dma_start3A_126 : memref<10000x128xf32, #tpu.memory_space<vmem_shared>>) offsets(%dma_start3A_123 : memref<128xi32, #tpu.memory_space<vmem>>) semaphore(%run_scoped3A_117 : memref<!tpu.dma_semaphore, #tpu.memory_space<semaphore_mem>>) {add = true}
          %dma_wait3A_127 = arith.constant 0 : i32
          %dma_wait3A_128 = arith.constant 0 : i32
          %dma_wait3A_129 = tpu.memref_slice %arg8[%run_scoped3A, %dma_wait3A_127, %dma_wait3A_128] : memref<2x128x128xf32, #tpu.memory_space<vmem>> -> memref<1x128x128xf32, #tpu.memory_space<vmem>>
          %dma_wait3A_130 = tpu.memref_squeeze %dma_wait3A_129 : memref<1x128x128xf32, #tpu.memory_space<vmem>> -> memref<128x128xf32, #tpu.memory_space<vmem>>
          %dma_wait3A_131 = arith.constant 0 : i32
          %dma_wait3A_132 = tpu.memref_slice %arg7[%run_scoped3A_116, %dma_wait3A_131] : memref<2x128xi32, #tpu.memory_space<vmem>> -> memref<1x128xi32, #tpu.memory_space<vmem>>
          %dma_wait3A_133 = tpu.memref_squeeze %dma_wait3A_132 : memref<1x128xi32, #tpu.memory_space<vmem>> -> memref<128xi32, #tpu.memory_space<vmem>>
          %dma_wait3A_134 = arith.constant 0 : i32
          %dma_wait3A_135 = arith.constant 0 : i32
          %dma_wait3A_136 = tpu.memref_slice %arg11[%dma_wait3A_134, %dma_wait3A_135] : memref<10000x128xf32, #tpu.memory_space<vmem_shared>> -> memref<10000x128xf32, #tpu.memory_space<vmem_shared>>
          tpu.wait_indirect_dma semaphore(%run_scoped3A_117 : memref<!tpu.dma_semaphore, #tpu.memory_space<semaphore_mem>>) src(%dma_wait3A_130 : memref<128x128xf32, #tpu.memory_space<vmem>>) dst(%dma_wait3A_136 : memref<10000x128xf32, #tpu.memory_space<vmem_shared>>)
          tpu.yield
        }) : () -> ()
      } else {
      }
    }
    %scan3A_46 = arith.constant 20 : i32
    %barrier3A_47 = arith.constant 0 : index
    tpu.barrier barrier_id(%barrier3A_47)
    %lt3A_48 = arith.constant 15 : i32
    %lt3A_49 = arith.cmpi slt, %arg1, %lt3A_48 : i32
    %convert_element_type3A_50 = arith.extui %lt3A_49 : i1 to i32
    %cond3A_51 = arith.constant 0 : i32
    %cond3A_52 = arith.cmpi ne, %convert_element_type3A_50, %cond3A_51 : i32
    scf.if %cond3A_52 {
      "tpu.region"() ({
        %run_scoped3A = tpu.sem_alloc : memref<!tpu.dma_semaphore, #tpu.memory_space<semaphore_mem>>
        %dma_start3A = arith.constant 0 : i32
        %dma_start3A_58 = tpu.memref_slice %arg5[%arg0, %mul3A_7, %dma_start3A] : memref<2x10000x128xf32, #tpu.memory_space<hbm>> -> memref<1x632x128xf32, #tpu.memory_space<hbm>>
        %dma_start3A_59 = tpu.memref_squeeze %dma_start3A_58 : memref<1x632x128xf32, #tpu.memory_space<hbm>> -> memref<632x128xf32, #tpu.memory_space<hbm>>
        %dma_start3A_60 = arith.constant 0 : i32
        %dma_start3A_61 = tpu.memref_slice %arg11[%mul3A_7, %dma_start3A_60] : memref<10000x128xf32, #tpu.memory_space<vmem_shared>> -> memref<632x128xf32, #tpu.memory_space<vmem_shared>>
        tpu.enqueue_dma source(%dma_start3A_61 : memref<632x128xf32, #tpu.memory_space<vmem_shared>>) target(%dma_start3A_59 : memref<632x128xf32, #tpu.memory_space<hbm>>) target_semaphore(%run_scoped3A : memref<!tpu.dma_semaphore, #tpu.memory_space<semaphore_mem>>)
        %dma_wait3A = arith.constant 0 : i32
        %dma_wait3A_62 = tpu.memref_slice %arg5[%arg0, %mul3A_7, %dma_wait3A] : memref<2x10000x128xf32, #tpu.memory_space<hbm>> -> memref<1x632x128xf32, #tpu.memory_space<hbm>>
        %dma_wait3A_63 = tpu.memref_squeeze %dma_wait3A_62 : memref<1x632x128xf32, #tpu.memory_space<hbm>> -> memref<632x128xf32, #tpu.memory_space<hbm>>
        %dma_wait3A_64 = arith.constant 0 : i32
        %dma_wait3A_65 = tpu.memref_slice %arg11[%mul3A_7, %dma_wait3A_64] : memref<10000x128xf32, #tpu.memory_space<vmem_shared>> -> memref<632x128xf32, #tpu.memory_space<vmem_shared>>
        tpu.wait_dma2 semaphore(%run_scoped3A : memref<!tpu.dma_semaphore, #tpu.memory_space<semaphore_mem>>) src(%dma_wait3A_65 : memref<632x128xf32, #tpu.memory_space<vmem_shared>>) dst(%dma_wait3A_63 : memref<632x128xf32, #tpu.memory_space<hbm>>)
        tpu.yield
      }) : () -> ()
    } else {
    }
    %eq3A_53 = arith.constant 15 : i32
    %eq3A_54 = arith.cmpi eq, %arg1, %eq3A_53 : i32
    %convert_element_type3A_55 = arith.extui %eq3A_54 : i1 to i32
    %cond3A_56 = arith.constant 0 : i32
    %cond3A_57 = arith.cmpi ne, %convert_element_type3A_55, %cond3A_56 : i32
    scf.if %cond3A_57 {
      "tpu.region"() ({
        %run_scoped3A = tpu.sem_alloc : memref<!tpu.dma_semaphore, #tpu.memory_space<semaphore_mem>>
        %dma_start3A = arith.constant 0 : i32
        %dma_start3A_58 = tpu.memref_slice %arg5[%arg0, %mul3A_7, %dma_start3A] : memref<2x10000x128xf32, #tpu.memory_space<hbm>> -> memref<1x520x128xf32, #tpu.memory_space<hbm>>
        %dma_start3A_59 = tpu.memref_squeeze %dma_start3A_58 : memref<1x520x128xf32, #tpu.memory_space<hbm>> -> memref<520x128xf32, #tpu.memory_space<hbm>>
        %dma_start3A_60 = arith.constant 0 : i32
        %dma_start3A_61 = tpu.memref_slice %arg11[%mul3A_7, %dma_start3A_60] : memref<10000x128xf32, #tpu.memory_space<vmem_shared>> -> memref<520x128xf32, #tpu.memory_space<vmem_shared>>
        tpu.enqueue_dma source(%dma_start3A_61 : memref<520x128xf32, #tpu.memory_space<vmem_shared>>) target(%dma_start3A_59 : memref<520x128xf32, #tpu.memory_space<hbm>>) target_semaphore(%run_scoped3A : memref<!tpu.dma_semaphore, #tpu.memory_space<semaphore_mem>>)
        %dma_wait3A = arith.constant 0 : i32
        %dma_wait3A_62 = tpu.memref_slice %arg5[%arg0, %mul3A_7, %dma_wait3A] : memref<2x10000x128xf32, #tpu.memory_space<hbm>> -> memref<1x520x128xf32, #tpu.memory_space<hbm>>
        %dma_wait3A_63 = tpu.memref_squeeze %dma_wait3A_62 : memref<1x520x128xf32, #tpu.memory_space<hbm>> -> memref<520x128xf32, #tpu.memory_space<hbm>>
        %dma_wait3A_64 = arith.constant 0 : i32
        %dma_wait3A_65 = tpu.memref_slice %arg11[%mul3A_7, %dma_wait3A_64] : memref<10000x128xf32, #tpu.memory_space<vmem_shared>> -> memref<520x128xf32, #tpu.memory_space<vmem_shared>>
        tpu.wait_dma2 semaphore(%run_scoped3A : memref<!tpu.dma_semaphore, #tpu.memory_space<semaphore_mem>>) src(%dma_wait3A_65 : memref<520x128xf32, #tpu.memory_space<vmem_shared>>) dst(%dma_wait3A_63 : memref<520x128xf32, #tpu.memory_space<hbm>>)
        tpu.yield
      }) : () -> ()
    } else {
    }
    return
  }
}

module attributes {stable_mosaic.version = 14 : i64} {
  func.func @_h_body(%arg0: i32, %arg1: memref<2000x128xf32, #tpu.memory_space<vmem>>, %arg2: memref<128x128xf32, #tpu.memory_space<vmem>>, %arg3: memref<2000x128xf32, #tpu.memory_space<vmem>>) attributes {dimension_semantics = [#tpu.dimension_semantics<arbitrary>], iteration_bounds = array<i64: 5>, scalar_prefetch = 0 : i64, scratch_operands = 0 : i64, tpu.core_type = #tpu.core_type<tc>, window_params = [{transform_indices = @transform_0, window_bounds = array<i64: 2000, 128>}, {pipeline_mode = #tpu.pipeline_mode<synchronous>, transform_indices = @transform_1, window_bounds = array<i64: 128, 128>}, {transform_indices = @transform_2, window_bounds = array<i64: 2000, 128>}]} {
    %get3A = arith.constant 0 : index
    %get3A_0 = arith.constant 0 : index
    %get3A_1 = vector.load %arg1[%get3A, %get3A_0] : memref<2000x128xf32, #tpu.memory_space<vmem>>, vector<2000x128xf32>
    %get3A_2 = arith.constant 0 : index
    %get3A_3 = arith.constant 0 : index
    %get3A_4 = vector.load %arg2[%get3A_2, %get3A_3] : memref<128x128xf32, #tpu.memory_space<vmem>>, vector<128x128xf32>
    %dot_general3A = arith.constant dense<0.000000e+00> : vector<2000x128xf32>
    %dot_general3A_5 = tpu.matmul %get3A_1, %get3A_4, %dot_general3A {dimension_numbers = #tpu.dot_dimension_numbers<[1], [0], [0], [1], [0, 0, 1, 1], [], []>, transpose_lhs_hint = false} : vector<2000x128xf32>, vector<128x128xf32>, vector<2000x128xf32> -> vector<2000x128xf32>
    %mul3A = arith.constant 0.0883883461 : f32
    %mul3A_6 = vector.broadcast %mul3A : f32 to vector<2000x128xf32>
    %mul3A_7 = arith.mulf %dot_general3A_5, %mul3A_6 : vector<2000x128xf32>
    %swap3A = arith.constant 0 : index
    %swap3A_8 = arith.constant 0 : index
    %swap3A_9 = vector.load %arg3[%swap3A, %swap3A_8] : memref<2000x128xf32, #tpu.memory_space<vmem>>, vector<2000x128xf32>
    tpu.vector_store %arg3[%swap3A, %swap3A_8], %mul3A_7 {strides = array<i32>} : memref<2000x128xf32, #tpu.memory_space<vmem>>, vector<2000x128xf32>,
    return
  }
  func.func @transform_0(%arg0: i32) -> (i32, i32) {
    %c0_i32 = arith.constant 0 : i32
    %c0_i32_0 = arith.constant 0 : i32
    return %arg0, %c0_i32 : i32, i32
  }
  func.func @transform_1(%arg0: i32) -> (i32, i32) {
    %c0_i32 = arith.constant 0 : i32
    %c0_i32_0 = arith.constant 0 : i32
    %c0_i32_1 = arith.constant 0 : i32
    return %c0_i32, %c0_i32_0 : i32, i32
  }
  func.func @transform_2(%arg0: i32) -> (i32, i32) {
    %c0_i32 = arith.constant 0 : i32
    %c0_i32_0 = arith.constant 0 : i32
    return %arg0, %c0_i32 : i32, i32
  }
}

module attributes {stable_mosaic.version = 14 : i64} {
  func.func @_edge_body(%arg0: i32, %arg1: memref<2000x12xf32, #tpu.memory_space<vmem>>, %arg2: memref<8x64xf32, #tpu.memory_space<vmem>>, %arg3: memref<64x64xf32, #tpu.memory_space<vmem>>, %arg4: memref<64x64xf32, #tpu.memory_space<vmem>>, %arg5: memref<64x512xf32, #tpu.memory_space<vmem>>, %arg6: memref<4x512xf32, #tpu.memory_space<vmem>>, %arg7: memref<2000x128xf32, #tpu.memory_space<vmem>>) attributes {dimension_semantics = [#tpu.dimension_semantics<parallel>], iteration_bounds = array<i64: 80>, scalar_prefetch = 0 : i64, scratch_operands = 0 : i64, tpu.core_type = #tpu.core_type<tc>, window_params = [{transform_indices = @transform_0, window_bounds = array<i64: 2000, 12>}, {pipeline_mode = #tpu.pipeline_mode<synchronous>, transform_indices = @transform_1, window_bounds = array<i64: 8, 64>}, {pipeline_mode = #tpu.pipeline_mode<synchronous>, transform_indices = @transform_2, window_bounds = array<i64: 64, 64>}, {pipeline_mode = #tpu.pipeline_mode<synchronous>, transform_indices = @transform_3, window_bounds = array<i64: 64, 64>}, {pipeline_mode = #tpu.pipeline_mode<synchronous>, transform_indices = @transform_4, window_bounds = array<i64: 64, 512>}, {pipeline_mode = #tpu.pipeline_mode<synchronous>, transform_indices = @transform_5, window_bounds = array<i64: 4, 512>}, {transform_indices = @transform_6, window_bounds = array<i64: 2000, 128>}]} {
    %get3A = arith.constant 0 : index
    %get3A_0 = arith.constant 0 : index
    %get3A_1 = vector.load %arg1[%get3A, %get3A_0] : memref<2000x12xf32, #tpu.memory_space<vmem>>, vector<2000x12xf32>
    %slice3A = vector.extract_strided_slice %get3A_1 {offsets = [0, 0], sizes = [2000, 8], strides = [1, 1]} : vector<2000x12xf32> to vector<2000x8xf32>
    %get3A_2 = arith.constant 0 : index
    %get3A_3 = arith.constant 0 : index
    %get3A_4 = vector.load %arg2[%get3A_2, %get3A_3] : memref<8x64xf32, #tpu.memory_space<vmem>>, vector<8x64xf32>
    %dot_general3A = arith.constant dense<0.000000e+00> : vector<2000x64xf32>
    %dot_general3A_5 = tpu.matmul %slice3A, %get3A_4, %dot_general3A {dimension_numbers = #tpu.dot_dimension_numbers<[1], [0], [0], [1], [0, 0, 1, 1], [], []>, transpose_lhs_hint = false} : vector<2000x8xf32>, vector<8x64xf32>, vector<2000x64xf32> -> vector<2000x64xf32>
    %mul3A = arith.constant 0.353553385 : f32
    %mul3A_6 = vector.broadcast %mul3A : f32 to vector<2000x64xf32>
    %mul3A_7 = arith.mulf %dot_general3A_5, %mul3A_6 : vector<2000x64xf32>
    %logistic3A = arith.negf %mul3A_7 : vector<2000x64xf32>
    %logistic3A_8 = math.exp %logistic3A : vector<2000x64xf32>
    %logistic3A_9 = arith.constant 1.000000e+00 : f32
    %logistic3A_10 = vector.broadcast %logistic3A_9 : f32 to vector<2000x64xf32>
    %logistic3A_11 = arith.addf %logistic3A_10, %logistic3A_8 : vector<2000x64xf32>
    %logistic3A_12 = arith.divf %logistic3A_10, %logistic3A_11 : vector<2000x64xf32>
    %mul3A_13 = arith.mulf %mul3A_7, %logistic3A_12 : vector<2000x64xf32>
    %get3A_14 = arith.constant 0 : index
    %get3A_15 = arith.constant 0 : index
    %get3A_16 = vector.load %arg3[%get3A_14, %get3A_15] : memref<64x64xf32, #tpu.memory_space<vmem>>, vector<64x64xf32>
    %dot_general3A_17 = arith.constant dense<0.000000e+00> : vector<2000x64xf32>
    %dot_general3A_18 = tpu.matmul %mul3A_13, %get3A_16, %dot_general3A_17 {dimension_numbers = #tpu.dot_dimension_numbers<[1], [0], [0], [1], [0, 0, 1, 1], [], []>, transpose_lhs_hint = false} : vector<2000x64xf32>, vector<64x64xf32>, vector<2000x64xf32> -> vector<2000x64xf32>
    %mul3A_19 = arith.constant 1.250000e-01 : f32
    %mul3A_20 = vector.broadcast %mul3A_19 : f32 to vector<2000x64xf32>
    %mul3A_21 = arith.mulf %dot_general3A_18, %mul3A_20 : vector<2000x64xf32>
    %logistic3A_22 = arith.negf %mul3A_21 : vector<2000x64xf32>
    %logistic3A_23 = math.exp %logistic3A_22 : vector<2000x64xf32>
    %logistic3A_24 = arith.constant 1.000000e+00 : f32
    %logistic3A_25 = vector.broadcast %logistic3A_24 : f32 to vector<2000x64xf32>
    %logistic3A_26 = arith.addf %logistic3A_25, %logistic3A_23 : vector<2000x64xf32>
    %logistic3A_27 = arith.divf %logistic3A_25, %logistic3A_26 : vector<2000x64xf32>
    %mul3A_28 = arith.mulf %mul3A_21, %logistic3A_27 : vector<2000x64xf32>
    %get3A_29 = arith.constant 0 : index
    %get3A_30 = arith.constant 0 : index
    %get3A_31 = vector.load %arg4[%get3A_29, %get3A_30] : memref<64x64xf32, #tpu.memory_space<vmem>>, vector<64x64xf32>
    %dot_general3A_32 = arith.constant dense<0.000000e+00> : vector<2000x64xf32>
    %dot_general3A_33 = tpu.matmul %mul3A_28, %get3A_31, %dot_general3A_32 {dimension_numbers = #tpu.dot_dimension_numbers<[1], [0], [0], [1], [0, 0, 1, 1], [], []>, transpose_lhs_hint = false} : vector<2000x64xf32>, vector<64x64xf32>, vector<2000x64xf32> -> vector<2000x64xf32>
    %mul3A_34 = arith.constant 1.250000e-01 : f32
    %mul3A_35 = vector.broadcast %mul3A_34 : f32 to vector<2000x64xf32>
    %mul3A_36 = arith.mulf %dot_general3A_33, %mul3A_35 : vector<2000x64xf32>
    %logistic3A_37 = arith.negf %mul3A_36 : vector<2000x64xf32>
    %logistic3A_38 = math.exp %logistic3A_37 : vector<2000x64xf32>
    %logistic3A_39 = arith.constant 1.000000e+00 : f32
    %logistic3A_40 = vector.broadcast %logistic3A_39 : f32 to vector<2000x64xf32>
    %logistic3A_41 = arith.addf %logistic3A_40, %logistic3A_38 : vector<2000x64xf32>
    %logistic3A_42 = arith.divf %logistic3A_40, %logistic3A_41 : vector<2000x64xf32>
    %mul3A_43 = arith.mulf %mul3A_36, %logistic3A_42 : vector<2000x64xf32>
    %get3A_44 = arith.constant 0 : index
    %get3A_45 = arith.constant 0 : index
    %get3A_46 = vector.load %arg5[%get3A_44, %get3A_45] : memref<64x512xf32, #tpu.memory_space<vmem>>, vector<64x512xf32>
    %dot_general3A_47 = arith.constant dense<0.000000e+00> : vector<2000x512xf32>
    %dot_general3A_48 = tpu.matmul %mul3A_43, %get3A_46, %dot_general3A_47 {dimension_numbers = #tpu.dot_dimension_numbers<[1], [0], [0], [1], [0, 0, 1, 1], [], []>, transpose_lhs_hint = false} : vector<2000x64xf32>, vector<64x512xf32>, vector<2000x512xf32> -> vector<2000x512xf32>
    %slice3A_49 = vector.extract_strided_slice %get3A_1 {offsets = [0, 8], sizes = [2000, 4], strides = [1, 1]} : vector<2000x12xf32> to vector<2000x4xf32>
    %get3A_50 = arith.constant 0 : index
    %get3A_51 = arith.constant 0 : index
    %get3A_52 = vector.load %arg6[%get3A_50, %get3A_51] : memref<4x512xf32, #tpu.memory_space<vmem>>, vector<4x512xf32>
    %dot_general3A_53 = arith.constant dense<0.000000e+00> : vector<2000x512xf32>
    %dot_general3A_54 = tpu.matmul %slice3A_49, %get3A_52, %dot_general3A_53 {dimension_numbers = #tpu.dot_dimension_numbers<[1], [0], [0], [1], [0, 0, 1, 1], [], []>, transpose_lhs_hint = false} : vector<2000x4xf32>, vector<4x512xf32>, vector<2000x512xf32> -> vector<2000x512xf32>
    %mul3A_55 = arith.mulf %dot_general3A_48, %dot_general3A_54 : vector<2000x512xf32>
    %slice3A_56 = vector.extract_strided_slice %mul3A_55 {offsets = [0, 0], sizes = [2000, 128], strides = [1, 1]} : vector<2000x512xf32> to vector<2000x128xf32>
    %slice3A_57 = vector.extract_strided_slice %mul3A_55 {offsets = [0, 128], sizes = [2000, 128], strides = [1, 1]} : vector<2000x512xf32> to vector<2000x128xf32>
    %add3A = arith.addf %slice3A_56, %slice3A_57 : vector<2000x128xf32>
    %slice3A_58 = vector.extract_strided_slice %mul3A_55 {offsets = [0, 256], sizes = [2000, 128], strides = [1, 1]} : vector<2000x512xf32> to vector<2000x128xf32>
    %add3A_59 = arith.addf %add3A, %slice3A_58 : vector<2000x128xf32>
    %slice3A_60 = vector.extract_strided_slice %mul3A_55 {offsets = [0, 384], sizes = [2000, 128], strides = [1, 1]} : vector<2000x512xf32> to vector<2000x128xf32>
    %add3A_61 = arith.addf %add3A_59, %slice3A_60 : vector<2000x128xf32>
    %mul3A_62 = arith.constant 6.250000e-02 : f32
    %mul3A_63 = vector.broadcast %mul3A_62 : f32 to vector<2000x128xf32>
    %mul3A_64 = arith.mulf %add3A_61, %mul3A_63 : vector<2000x128xf32>
    %swap3A = arith.constant 0 : index
    %swap3A_65 = arith.constant 0 : index
    %swap3A_66 = vector.load %arg7[%swap3A, %swap3A_65] : memref<2000x128xf32, #tpu.memory_space<vmem>>, vector<2000x128xf32>
    tpu.vector_store %arg7[%swap3A, %swap3A_65], %mul3A_64 {strides = array<i32>} : memref<2000x128xf32, #tpu.memory_space<vmem>>, vector<2000x128xf32>,
    return
  }
  func.func @transform_0(%arg0: i32) -> (i32, i32) {
    %c0_i32 = arith.constant 0 : i32
    %c0_i32_0 = arith.constant 0 : i32
    return %arg0, %c0_i32 : i32, i32
  }
  func.func @transform_1(%arg0: i32) -> (i32, i32) {
    %c0_i32 = arith.constant 0 : i32
    %c0_i32_0 = arith.constant 0 : i32
    %c0_i32_1 = arith.constant 0 : i32
    return %c0_i32, %c0_i32_0 : i32, i32
  }
  func.func @transform_2(%arg0: i32) -> (i32, i32) {
    %c0_i32 = arith.constant 0 : i32
    %c0_i32_0 = arith.constant 0 : i32
    %c0_i32_1 = arith.constant 0 : i32
    return %c0_i32, %c0_i32_0 : i32, i32
  }
  func.func @transform_3(%arg0: i32) -> (i32, i32) {
    %c0_i32 = arith.constant 0 : i32
    %c0_i32_0 = arith.constant 0 : i32
    %c0_i32_1 = arith.constant 0 : i32
    return %c0_i32, %c0_i32_0 : i32, i32
  }
  func.func @transform_4(%arg0: i32) -> (i32, i32) {
    %c0_i32 = arith.constant 0 : i32
    %c0_i32_0 = arith.constant 0 : i32
    %c0_i32_1 = arith.constant 0 : i32
    return %c0_i32, %c0_i32_0 : i32, i32
  }
  func.func @transform_5(%arg0: i32) -> (i32, i32) {
    %c0_i32 = arith.constant 0 : i32
    %c0_i32_0 = arith.constant 0 : i32
    %c0_i32_1 = arith.constant 0 : i32
    return %c0_i32, %c0_i32_0 : i32, i32
  }
  func.func @transform_6(%arg0: i32) -> (i32, i32) {
    %c0_i32 = arith.constant 0 : i32
    %c0_i32_0 = arith.constant 0 : i32
    return %arg0, %c0_i32 : i32, i32
  }
}

module attributes {stable_mosaic.version = 14 : i64} {
  func.func @_post_body(%arg0: i32, %arg1: memref<2x2000x128xf32, #tpu.memory_space<vmem>>, %arg2: memref<2000x128xf32, #tpu.memory_space<vmem>>, %arg3: memref<2000x16xf32, #tpu.memory_space<vmem>>, %arg4: memref<128x128xf32, #tpu.memory_space<vmem>>, %arg5: memref<128x16x128xf32, #tpu.memory_space<vmem>>, %arg6: memref<2000x128xf32, #tpu.memory_space<vmem>>, %arg7: memref<2000x128xf32, #tpu.memory_space<vmem>>) attributes {dimension_semantics = [#tpu.dimension_semantics<parallel>], iteration_bounds = array<i64: 5>, scalar_prefetch = 0 : i64, scratch_operands = 0 : i64, tpu.core_type = #tpu.core_type<tc>, window_params = [{transform_indices = @transform_0, window_bounds = array<i64: 2, 2000, 128>}, {transform_indices = @transform_1, window_bounds = array<i64: 2000, 128>}, {transform_indices = @transform_2, window_bounds = array<i64: 2000, 16>}, {pipeline_mode = #tpu.pipeline_mode<synchronous>, transform_indices = @transform_3, window_bounds = array<i64: 128, 128>}, {pipeline_mode = #tpu.pipeline_mode<synchronous>, transform_indices = @transform_4, window_bounds = array<i64: 128, 16, 128>}, {transform_indices = @transform_5, window_bounds = array<i64: 2000, 128>}, {transform_indices = @transform_6, window_bounds = array<i64: 2000, 128>}]} {
    %get3A = arith.constant 0 : index
    %get3A_0 = arith.constant 0 : index
    %get3A_1 = arith.constant 0 : index
    %get3A_2 = vector.load %arg1[%get3A, %get3A_0, %get3A_1] : memref<2x2000x128xf32, #tpu.memory_space<vmem>>, vector<1x2000x128xf32>
    %get3A_3 = vector.shape_cast %get3A_2 : vector<1x2000x128xf32> to vector<2000x128xf32>
    %get3A_4 = arith.constant 1 : index
    %get3A_5 = arith.constant 0 : index
    %get3A_6 = arith.constant 0 : index
    %get3A_7 = vector.load %arg1[%get3A_4, %get3A_5, %get3A_6] : memref<2x2000x128xf32, #tpu.memory_space<vmem>>, vector<1x2000x128xf32>
    %get3A_8 = vector.shape_cast %get3A_7 : vector<1x2000x128xf32> to vector<2000x128xf32>
    %add3A = arith.addf %get3A_3, %get3A_8 : vector<2000x128xf32>
    %get3A_9 = arith.constant 0 : index
    %get3A_10 = arith.constant 0 : index
    %get3A_11 = vector.load %arg2[%get3A_9, %get3A_10] : memref<2000x128xf32, #tpu.memory_space<vmem>>, vector<2000x128xf32>
    %get3A_12 = arith.constant 0 : index
    %get3A_13 = arith.constant 0 : index
    %get3A_14 = vector.load %arg3[%get3A_12, %get3A_13] : memref<2000x16xf32, #tpu.memory_space<vmem>>, vector<2000x16xf32>
    %broadcast_in_dim3A = arith.constant 0.000000e+00 : f32
    %broadcast_in_dim3A_15 = vector.broadcast %broadcast_in_dim3A : f32 to vector<2000x128xf32>
    %slice3A = vector.extract_strided_slice %get3A_14 {offsets = [0, 0], sizes = [2000, 1], strides = [1, 1]} : vector<2000x16xf32> to vector<2000x1xf32>
    %get3A_16 = arith.constant 0 : index
    %get3A_17 = arith.constant 0 : index
    %get3A_18 = arith.constant 0 : index
    %get3A_19 = vector.load %arg5[%get3A_16, %get3A_17, %get3A_18] : memref<128x16x128xf32, #tpu.memory_space<vmem>>, vector<128x1x128xf32>
    %get3A_20 = vector.shape_cast %get3A_19 : vector<128x1x128xf32> to vector<128x128xf32>
    %dot_general3A = arith.constant dense<0.000000e+00> : vector<2000x128xf32>
    %dot_general3A_21 = tpu.matmul %get3A_11, %get3A_20, %dot_general3A {dimension_numbers = #tpu.dot_dimension_numbers<[1], [0], [0], [1], [0, 0, 1, 1], [], []>, transpose_lhs_hint = false} : vector<2000x128xf32>, vector<128x128xf32>, vector<2000x128xf32> -> vector<2000x128xf32>
    %mul3A = vector.broadcast %slice3A : vector<2000x1xf32> to vector<2000x128xf32>
    %mul3A_22 = arith.mulf %mul3A, %dot_general3A_21 : vector<2000x128xf32>
    %add3A_23 = arith.addf %broadcast_in_dim3A_15, %mul3A_22 : vector<2000x128xf32>
    %slice3A_24 = vector.extract_strided_slice %get3A_14 {offsets = [0, 1], sizes = [2000, 1], strides = [1, 1]} : vector<2000x16xf32> to vector<2000x1xf32>
    %get3A_25 = arith.constant 0 : index
    %get3A_26 = arith.constant 1 : index
    %get3A_27 = arith.constant 0 : index
    %get3A_28 = vector.load %arg5[%get3A_25, %get3A_26, %get3A_27] : memref<128x16x128xf32, #tpu.memory_space<vmem>>, vector<128x1x128xf32>
    %get3A_29 = vector.shape_cast %get3A_28 : vector<128x1x128xf32> to vector<128x128xf32>
    %dot_general3A_30 = arith.constant dense<0.000000e+00> : vector<2000x128xf32>
    %dot_general3A_31 = tpu.matmul %get3A_11, %get3A_29, %dot_general3A_30 {dimension_numbers = #tpu.dot_dimension_numbers<[1], [0], [0], [1], [0, 0, 1, 1], [], []>, transpose_lhs_hint = false} : vector<2000x128xf32>, vector<128x128xf32>, vector<2000x128xf32> -> vector<2000x128xf32>
    %mul3A_32 = vector.broadcast %slice3A_24 : vector<2000x1xf32> to vector<2000x128xf32>
    %mul3A_33 = arith.mulf %mul3A_32, %dot_general3A_31 : vector<2000x128xf32>
    %add3A_34 = arith.addf %add3A_23, %mul3A_33 : vector<2000x128xf32>
    %slice3A_35 = vector.extract_strided_slice %get3A_14 {offsets = [0, 2], sizes = [2000, 1], strides = [1, 1]} : vector<2000x16xf32> to vector<2000x1xf32>
    %get3A_36 = arith.constant 0 : index
    %get3A_37 = arith.constant 2 : index
    %get3A_38 = arith.constant 0 : index
    %get3A_39 = vector.load %arg5[%get3A_36, %get3A_37, %get3A_38] : memref<128x16x128xf32, #tpu.memory_space<vmem>>, vector<128x1x128xf32>
    %get3A_40 = vector.shape_cast %get3A_39 : vector<128x1x128xf32> to vector<128x128xf32>
    %dot_general3A_41 = arith.constant dense<0.000000e+00> : vector<2000x128xf32>
    %dot_general3A_42 = tpu.matmul %get3A_11, %get3A_40, %dot_general3A_41 {dimension_numbers = #tpu.dot_dimension_numbers<[1], [0], [0], [1], [0, 0, 1, 1], [], []>, transpose_lhs_hint = false} : vector<2000x128xf32>, vector<128x128xf32>, vector<2000x128xf32> -> vector<2000x128xf32>
    %mul3A_43 = vector.broadcast %slice3A_35 : vector<2000x1xf32> to vector<2000x128xf32>
    %mul3A_44 = arith.mulf %mul3A_43, %dot_general3A_42 : vector<2000x128xf32>
    %add3A_45 = arith.addf %add3A_34, %mul3A_44 : vector<2000x128xf32>
    %slice3A_46 = vector.extract_strided_slice %get3A_14 {offsets = [0, 3], sizes = [2000, 1], strides = [1, 1]} : vector<2000x16xf32> to vector<2000x1xf32>
    %get3A_47 = arith.constant 0 : index
    %get3A_48 = arith.constant 3 : index
    %get3A_49 = arith.constant 0 : index
    %get3A_50 = vector.load %arg5[%get3A_47, %get3A_48, %get3A_49] : memref<128x16x128xf32, #tpu.memory_space<vmem>>, vector<128x1x128xf32>
    %get3A_51 = vector.shape_cast %get3A_50 : vector<128x1x128xf32> to vector<128x128xf32>
    %dot_general3A_52 = arith.constant dense<0.000000e+00> : vector<2000x128xf32>
    %dot_general3A_53 = tpu.matmul %get3A_11, %get3A_51, %dot_general3A_52 {dimension_numbers = #tpu.dot_dimension_numbers<[1], [0], [0], [1], [0, 0, 1, 1], [], []>, transpose_lhs_hint = false} : vector<2000x128xf32>, vector<128x128xf32>, vector<2000x128xf32> -> vector<2000x128xf32>
    %mul3A_54 = vector.broadcast %slice3A_46 : vector<2000x1xf32> to vector<2000x128xf32>
    %mul3A_55 = arith.mulf %mul3A_54, %dot_general3A_53 : vector<2000x128xf32>
    %add3A_56 = arith.addf %add3A_45, %mul3A_55 : vector<2000x128xf32>
    %slice3A_57 = vector.extract_strided_slice %get3A_14 {offsets = [0, 4], sizes = [2000, 1], strides = [1, 1]} : vector<2000x16xf32> to vector<2000x1xf32>
    %get3A_58 = arith.constant 0 : index
    %get3A_59 = arith.constant 4 : index
    %get3A_60 = arith.constant 0 : index
    %get3A_61 = vector.load %arg5[%get3A_58, %get3A_59, %get3A_60] : memref<128x16x128xf32, #tpu.memory_space<vmem>>, vector<128x1x128xf32>
    %get3A_62 = vector.shape_cast %get3A_61 : vector<128x1x128xf32> to vector<128x128xf32>
    %dot_general3A_63 = arith.constant dense<0.000000e+00> : vector<2000x128xf32>
    %dot_general3A_64 = tpu.matmul %get3A_11, %get3A_62, %dot_general3A_63 {dimension_numbers = #tpu.dot_dimension_numbers<[1], [0], [0], [1], [0, 0, 1, 1], [], []>, transpose_lhs_hint = false} : vector<2000x128xf32>, vector<128x128xf32>, vector<2000x128xf32> -> vector<2000x128xf32>
    %mul3A_65 = vector.broadcast %slice3A_57 : vector<2000x1xf32> to vector<2000x128xf32>
    %mul3A_66 = arith.mulf %mul3A_65, %dot_general3A_64 : vector<2000x128xf32>
    %add3A_67 = arith.addf %add3A_56, %mul3A_66 : vector<2000x128xf32>
    %slice3A_68 = vector.extract_strided_slice %get3A_14 {offsets = [0, 5], sizes = [2000, 1], strides = [1, 1]} : vector<2000x16xf32> to vector<2000x1xf32>
    %get3A_69 = arith.constant 0 : index
    %get3A_70 = arith.constant 5 : index
    %get3A_71 = arith.constant 0 : index
    %get3A_72 = vector.load %arg5[%get3A_69, %get3A_70, %get3A_71] : memref<128x16x128xf32, #tpu.memory_space<vmem>>, vector<128x1x128xf32>
    %get3A_73 = vector.shape_cast %get3A_72 : vector<128x1x128xf32> to vector<128x128xf32>
    %dot_general3A_74 = arith.constant dense<0.000000e+00> : vector<2000x128xf32>
    %dot_general3A_75 = tpu.matmul %get3A_11, %get3A_73, %dot_general3A_74 {dimension_numbers = #tpu.dot_dimension_numbers<[1], [0], [0], [1], [0, 0, 1, 1], [], []>, transpose_lhs_hint = false} : vector<2000x128xf32>, vector<128x128xf32>, vector<2000x128xf32> -> vector<2000x128xf32>
    %mul3A_76 = vector.broadcast %slice3A_68 : vector<2000x1xf32> to vector<2000x128xf32>
    %mul3A_77 = arith.mulf %mul3A_76, %dot_general3A_75 : vector<2000x128xf32>
    %add3A_78 = arith.addf %add3A_67, %mul3A_77 : vector<2000x128xf32>
    %slice3A_79 = vector.extract_strided_slice %get3A_14 {offsets = [0, 6], sizes = [2000, 1], strides = [1, 1]} : vector<2000x16xf32> to vector<2000x1xf32>
    %get3A_80 = arith.constant 0 : index
    %get3A_81 = arith.constant 6 : index
    %get3A_82 = arith.constant 0 : index
    %get3A_83 = vector.load %arg5[%get3A_80, %get3A_81, %get3A_82] : memref<128x16x128xf32, #tpu.memory_space<vmem>>, vector<128x1x128xf32>
    %get3A_84 = vector.shape_cast %get3A_83 : vector<128x1x128xf32> to vector<128x128xf32>
    %dot_general3A_85 = arith.constant dense<0.000000e+00> : vector<2000x128xf32>
    %dot_general3A_86 = tpu.matmul %get3A_11, %get3A_84, %dot_general3A_85 {dimension_numbers = #tpu.dot_dimension_numbers<[1], [0], [0], [1], [0, 0, 1, 1], [], []>, transpose_lhs_hint = false} : vector<2000x128xf32>, vector<128x128xf32>, vector<2000x128xf32> -> vector<2000x128xf32>
    %mul3A_87 = vector.broadcast %slice3A_79 : vector<2000x1xf32> to vector<2000x128xf32>
    %mul3A_88 = arith.mulf %mul3A_87, %dot_general3A_86 : vector<2000x128xf32>
    %add3A_89 = arith.addf %add3A_78, %mul3A_88 : vector<2000x128xf32>
    %slice3A_90 = vector.extract_strided_slice %get3A_14 {offsets = [0, 7], sizes = [2000, 1], strides = [1, 1]} : vector<2000x16xf32> to vector<2000x1xf32>
    %get3A_91 = arith.constant 0 : index
    %get3A_92 = arith.constant 7 : index
    %get3A_93 = arith.constant 0 : index
    %get3A_94 = vector.load %arg5[%get3A_91, %get3A_92, %get3A_93] : memref<128x16x128xf32, #tpu.memory_space<vmem>>, vector<128x1x128xf32>
    %get3A_95 = vector.shape_cast %get3A_94 : vector<128x1x128xf32> to vector<128x128xf32>
    %dot_general3A_96 = arith.constant dense<0.000000e+00> : vector<2000x128xf32>
    %dot_general3A_97 = tpu.matmul %get3A_11, %get3A_95, %dot_general3A_96 {dimension_numbers = #tpu.dot_dimension_numbers<[1], [0], [0], [1], [0, 0, 1, 1], [], []>, transpose_lhs_hint = false} : vector<2000x128xf32>, vector<128x128xf32>, vector<2000x128xf32> -> vector<2000x128xf32>
    %mul3A_98 = vector.broadcast %slice3A_90 : vector<2000x1xf32> to vector<2000x128xf32>
    %mul3A_99 = arith.mulf %mul3A_98, %dot_general3A_97 : vector<2000x128xf32>
    %add3A_100 = arith.addf %add3A_89, %mul3A_99 : vector<2000x128xf32>
    %slice3A_101 = vector.extract_strided_slice %get3A_14 {offsets = [0, 8], sizes = [2000, 1], strides = [1, 1]} : vector<2000x16xf32> to vector<2000x1xf32>
    %get3A_102 = arith.constant 0 : index
    %get3A_103 = arith.constant 8 : index
    %get3A_104 = arith.constant 0 : index
    %get3A_105 = vector.load %arg5[%get3A_102, %get3A_103, %get3A_104] : memref<128x16x128xf32, #tpu.memory_space<vmem>>, vector<128x1x128xf32>
    %get3A_106 = vector.shape_cast %get3A_105 : vector<128x1x128xf32> to vector<128x128xf32>
    %dot_general3A_107 = arith.constant dense<0.000000e+00> : vector<2000x128xf32>
    %dot_general3A_108 = tpu.matmul %get3A_11, %get3A_106, %dot_general3A_107 {dimension_numbers = #tpu.dot_dimension_numbers<[1], [0], [0], [1], [0, 0, 1, 1], [], []>, transpose_lhs_hint = false} : vector<2000x128xf32>, vector<128x128xf32>, vector<2000x128xf32> -> vector<2000x128xf32>
    %mul3A_109 = vector.broadcast %slice3A_101 : vector<2000x1xf32> to vector<2000x128xf32>
    %mul3A_110 = arith.mulf %mul3A_109, %dot_general3A_108 : vector<2000x128xf32>
    %add3A_111 = arith.addf %add3A_100, %mul3A_110 : vector<2000x128xf32>
    %slice3A_112 = vector.extract_strided_slice %get3A_14 {offsets = [0, 9], sizes = [2000, 1], strides = [1, 1]} : vector<2000x16xf32> to vector<2000x1xf32>
    %get3A_113 = arith.constant 0 : index
    %get3A_114 = arith.constant 9 : index
    %get3A_115 = arith.constant 0 : index
    %get3A_116 = vector.load %arg5[%get3A_113, %get3A_114, %get3A_115] : memref<128x16x128xf32, #tpu.memory_space<vmem>>, vector<128x1x128xf32>
    %get3A_117 = vector.shape_cast %get3A_116 : vector<128x1x128xf32> to vector<128x128xf32>
    %dot_general3A_118 = arith.constant dense<0.000000e+00> : vector<2000x128xf32>
    %dot_general3A_119 = tpu.matmul %get3A_11, %get3A_117, %dot_general3A_118 {dimension_numbers = #tpu.dot_dimension_numbers<[1], [0], [0], [1], [0, 0, 1, 1], [], []>, transpose_lhs_hint = false} : vector<2000x128xf32>, vector<128x128xf32>, vector<2000x128xf32> -> vector<2000x128xf32>
    %mul3A_120 = vector.broadcast %slice3A_112 : vector<2000x1xf32> to vector<2000x128xf32>
    %mul3A_121 = arith.mulf %mul3A_120, %dot_general3A_119 : vector<2000x128xf32>
    %add3A_122 = arith.addf %add3A_111, %mul3A_121 : vector<2000x128xf32>
    %slice3A_123 = vector.extract_strided_slice %get3A_14 {offsets = [0, 10], sizes = [2000, 1], strides = [1, 1]} : vector<2000x16xf32> to vector<2000x1xf32>
    %get3A_124 = arith.constant 0 : index
    %get3A_125 = arith.constant 10 : index
    %get3A_126 = arith.constant 0 : index
    %get3A_127 = vector.load %arg5[%get3A_124, %get3A_125, %get3A_126] : memref<128x16x128xf32, #tpu.memory_space<vmem>>, vector<128x1x128xf32>
    %get3A_128 = vector.shape_cast %get3A_127 : vector<128x1x128xf32> to vector<128x128xf32>
    %dot_general3A_129 = arith.constant dense<0.000000e+00> : vector<2000x128xf32>
    %dot_general3A_130 = tpu.matmul %get3A_11, %get3A_128, %dot_general3A_129 {dimension_numbers = #tpu.dot_dimension_numbers<[1], [0], [0], [1], [0, 0, 1, 1], [], []>, transpose_lhs_hint = false} : vector<2000x128xf32>, vector<128x128xf32>, vector<2000x128xf32> -> vector<2000x128xf32>
    %mul3A_131 = vector.broadcast %slice3A_123 : vector<2000x1xf32> to vector<2000x128xf32>
    %mul3A_132 = arith.mulf %mul3A_131, %dot_general3A_130 : vector<2000x128xf32>
    %add3A_133 = arith.addf %add3A_122, %mul3A_132 : vector<2000x128xf32>
    %slice3A_134 = vector.extract_strided_slice %get3A_14 {offsets = [0, 11], sizes = [2000, 1], strides = [1, 1]} : vector<2000x16xf32> to vector<2000x1xf32>
    %get3A_135 = arith.constant 0 : index
    %get3A_136 = arith.constant 11 : index
    %get3A_137 = arith.constant 0 : index
    %get3A_138 = vector.load %arg5[%get3A_135, %get3A_136, %get3A_137] : memref<128x16x128xf32, #tpu.memory_space<vmem>>, vector<128x1x128xf32>
    %get3A_139 = vector.shape_cast %get3A_138 : vector<128x1x128xf32> to vector<128x128xf32>
    %dot_general3A_140 = arith.constant dense<0.000000e+00> : vector<2000x128xf32>
    %dot_general3A_141 = tpu.matmul %get3A_11, %get3A_139, %dot_general3A_140 {dimension_numbers = #tpu.dot_dimension_numbers<[1], [0], [0], [1], [0, 0, 1, 1], [], []>, transpose_lhs_hint = false} : vector<2000x128xf32>, vector<128x128xf32>, vector<2000x128xf32> -> vector<2000x128xf32>
    %mul3A_142 = vector.broadcast %slice3A_134 : vector<2000x1xf32> to vector<2000x128xf32>
    %mul3A_143 = arith.mulf %mul3A_142, %dot_general3A_141 : vector<2000x128xf32>
    %add3A_144 = arith.addf %add3A_133, %mul3A_143 : vector<2000x128xf32>
    %slice3A_145 = vector.extract_strided_slice %get3A_14 {offsets = [0, 12], sizes = [2000, 1], strides = [1, 1]} : vector<2000x16xf32> to vector<2000x1xf32>
    %get3A_146 = arith.constant 0 : index
    %get3A_147 = arith.constant 12 : index
    %get3A_148 = arith.constant 0 : index
    %get3A_149 = vector.load %arg5[%get3A_146, %get3A_147, %get3A_148] : memref<128x16x128xf32, #tpu.memory_space<vmem>>, vector<128x1x128xf32>
    %get3A_150 = vector.shape_cast %get3A_149 : vector<128x1x128xf32> to vector<128x128xf32>
    %dot_general3A_151 = arith.constant dense<0.000000e+00> : vector<2000x128xf32>
    %dot_general3A_152 = tpu.matmul %get3A_11, %get3A_150, %dot_general3A_151 {dimension_numbers = #tpu.dot_dimension_numbers<[1], [0], [0], [1], [0, 0, 1, 1], [], []>, transpose_lhs_hint = false} : vector<2000x128xf32>, vector<128x128xf32>, vector<2000x128xf32> -> vector<2000x128xf32>
    %mul3A_153 = vector.broadcast %slice3A_145 : vector<2000x1xf32> to vector<2000x128xf32>
    %mul3A_154 = arith.mulf %mul3A_153, %dot_general3A_152 : vector<2000x128xf32>
    %add3A_155 = arith.addf %add3A_144, %mul3A_154 : vector<2000x128xf32>
    %slice3A_156 = vector.extract_strided_slice %get3A_14 {offsets = [0, 13], sizes = [2000, 1], strides = [1, 1]} : vector<2000x16xf32> to vector<2000x1xf32>
    %get3A_157 = arith.constant 0 : index
    %get3A_158 = arith.constant 13 : index
    %get3A_159 = arith.constant 0 : index
    %get3A_160 = vector.load %arg5[%get3A_157, %get3A_158, %get3A_159] : memref<128x16x128xf32, #tpu.memory_space<vmem>>, vector<128x1x128xf32>
    %get3A_161 = vector.shape_cast %get3A_160 : vector<128x1x128xf32> to vector<128x128xf32>
    %dot_general3A_162 = arith.constant dense<0.000000e+00> : vector<2000x128xf32>
    %dot_general3A_163 = tpu.matmul %get3A_11, %get3A_161, %dot_general3A_162 {dimension_numbers = #tpu.dot_dimension_numbers<[1], [0], [0], [1], [0, 0, 1, 1], [], []>, transpose_lhs_hint = false} : vector<2000x128xf32>, vector<128x128xf32>, vector<2000x128xf32> -> vector<2000x128xf32>
    %mul3A_164 = vector.broadcast %slice3A_156 : vector<2000x1xf32> to vector<2000x128xf32>
    %mul3A_165 = arith.mulf %mul3A_164, %dot_general3A_163 : vector<2000x128xf32>
    %add3A_166 = arith.addf %add3A_155, %mul3A_165 : vector<2000x128xf32>
    %slice3A_167 = vector.extract_strided_slice %get3A_14 {offsets = [0, 14], sizes = [2000, 1], strides = [1, 1]} : vector<2000x16xf32> to vector<2000x1xf32>
    %get3A_168 = arith.constant 0 : index
    %get3A_169 = arith.constant 14 : index
    %get3A_170 = arith.constant 0 : index
    %get3A_171 = vector.load %arg5[%get3A_168, %get3A_169, %get3A_170] : memref<128x16x128xf32, #tpu.memory_space<vmem>>, vector<128x1x128xf32>
    %get3A_172 = vector.shape_cast %get3A_171 : vector<128x1x128xf32> to vector<128x128xf32>
    %dot_general3A_173 = arith.constant dense<0.000000e+00> : vector<2000x128xf32>
    %dot_general3A_174 = tpu.matmul %get3A_11, %get3A_172, %dot_general3A_173 {dimension_numbers = #tpu.dot_dimension_numbers<[1], [0], [0], [1], [0, 0, 1, 1], [], []>, transpose_lhs_hint = false} : vector<2000x128xf32>, vector<128x128xf32>, vector<2000x128xf32> -> vector<2000x128xf32>
    %mul3A_175 = vector.broadcast %slice3A_167 : vector<2000x1xf32> to vector<2000x128xf32>
    %mul3A_176 = arith.mulf %mul3A_175, %dot_general3A_174 : vector<2000x128xf32>
    %add3A_177 = arith.addf %add3A_166, %mul3A_176 : vector<2000x128xf32>
    %slice3A_178 = vector.extract_strided_slice %get3A_14 {offsets = [0, 15], sizes = [2000, 1], strides = [1, 1]} : vector<2000x16xf32> to vector<2000x1xf32>
    %get3A_179 = arith.constant 0 : index
    %get3A_180 = arith.constant 15 : index
    %get3A_181 = arith.constant 0 : index
    %get3A_182 = vector.load %arg5[%get3A_179, %get3A_180, %get3A_181] : memref<128x16x128xf32, #tpu.memory_space<vmem>>, vector<128x1x128xf32>
    %get3A_183 = vector.shape_cast %get3A_182 : vector<128x1x128xf32> to vector<128x128xf32>
    %dot_general3A_184 = arith.constant dense<0.000000e+00> : vector<2000x128xf32>
    %dot_general3A_185 = tpu.matmul %get3A_11, %get3A_183, %dot_general3A_184 {dimension_numbers = #tpu.dot_dimension_numbers<[1], [0], [0], [1], [0, 0, 1, 1], [], []>, transpose_lhs_hint = false} : vector<2000x128xf32>, vector<128x128xf32>, vector<2000x128xf32> -> vector<2000x128xf32>
    %mul3A_186 = vector.broadcast %slice3A_178 : vector<2000x1xf32> to vector<2000x128xf32>
    %mul3A_187 = arith.mulf %mul3A_186, %dot_general3A_185 : vector<2000x128xf32>
    %add3A_188 = arith.addf %add3A_177, %mul3A_187 : vector<2000x128xf32>
    %mul3A_189 = arith.constant 0.0220970865 : f32
    %mul3A_190 = vector.broadcast %mul3A_189 : f32 to vector<2000x128xf32>
    %mul3A_191 = arith.mulf %add3A_188, %mul3A_190 : vector<2000x128xf32>
    %get3A_192 = arith.constant 0 : index
    %get3A_193 = arith.constant 0 : index
    %get3A_194 = vector.load %arg4[%get3A_192, %get3A_193] : memref<128x128xf32, #tpu.memory_space<vmem>>, vector<128x128xf32>
    %dot_general3A_195 = arith.constant dense<0.000000e+00> : vector<2000x128xf32>
    %dot_general3A_196 = tpu.matmul %add3A, %get3A_194, %dot_general3A_195 {dimension_numbers = #tpu.dot_dimension_numbers<[1], [0], [0], [1], [0, 0, 1, 1], [], []>, transpose_lhs_hint = false} : vector<2000x128xf32>, vector<128x128xf32>, vector<2000x128xf32> -> vector<2000x128xf32>
    %mul3A_197 = arith.constant 0.00276213582 : f32
    %mul3A_198 = vector.broadcast %mul3A_197 : f32 to vector<2000x128xf32>
    %mul3A_199 = arith.mulf %dot_general3A_196, %mul3A_198 : vector<2000x128xf32>
    %add3A_200 = arith.addf %mul3A_199, %mul3A_191 : vector<2000x128xf32>
    %logistic3A = arith.negf %add3A_200 : vector<2000x128xf32>
    %logistic3A_201 = math.exp %logistic3A : vector<2000x128xf32>
    %logistic3A_202 = arith.constant 1.000000e+00 : f32
    %logistic3A_203 = vector.broadcast %logistic3A_202 : f32 to vector<2000x128xf32>
    %logistic3A_204 = arith.addf %logistic3A_203, %logistic3A_201 : vector<2000x128xf32>
    %logistic3A_205 = arith.divf %logistic3A_203, %logistic3A_204 : vector<2000x128xf32>
    %mul3A_206 = arith.mulf %add3A_200, %logistic3A_205 : vector<2000x128xf32>
    %get3A_207 = arith.constant 0 : index
    %get3A_208 = arith.constant 0 : index
    %get3A_209 = vector.load %arg4[%get3A_207, %get3A_208] : memref<128x128xf32, #tpu.memory_space<vmem>>, vector<128x128xf32>
    %dot_general3A_210 = arith.constant dense<0.000000e+00> : vector<2000x128xf32>
    %dot_general3A_211 = tpu.matmul %mul3A_206, %get3A_209, %dot_general3A_210 {dimension_numbers = #tpu.dot_dimension_numbers<[1], [0], [0], [1], [0, 0, 1, 1], [], []>, transpose_lhs_hint = false} : vector<2000x128xf32>, vector<128x128xf32>, vector<2000x128xf32> -> vector<2000x128xf32>
    %mul3A_212 = arith.constant 0.00276213582 : f32
    %mul3A_213 = vector.broadcast %mul3A_212 : f32 to vector<2000x128xf32>
    %mul3A_214 = arith.mulf %dot_general3A_211, %mul3A_213 : vector<2000x128xf32>
    %logistic3A_215 = arith.negf %mul3A_214 : vector<2000x128xf32>
    %logistic3A_216 = math.exp %logistic3A_215 : vector<2000x128xf32>
    %logistic3A_217 = arith.constant 1.000000e+00 : f32
    %logistic3A_218 = vector.broadcast %logistic3A_217 : f32 to vector<2000x128xf32>
    %logistic3A_219 = arith.addf %logistic3A_218, %logistic3A_216 : vector<2000x128xf32>
    %logistic3A_220 = arith.divf %logistic3A_218, %logistic3A_219 : vector<2000x128xf32>
    %mul3A_221 = arith.mulf %mul3A_214, %logistic3A_220 : vector<2000x128xf32>
    %swap3A = arith.constant 0 : index
    %swap3A_222 = arith.constant 0 : index
    %swap3A_223 = vector.load %arg6[%swap3A, %swap3A_222] : memref<2000x128xf32, #tpu.memory_space<vmem>>, vector<2000x128xf32>
    tpu.vector_store %arg6[%swap3A, %swap3A_222], %mul3A_206 {strides = array<i32>} : memref<2000x128xf32, #tpu.memory_space<vmem>>, vector<2000x128xf32>,
    %swap3A_224 = arith.constant 0 : index
    %swap3A_225 = arith.constant 0 : index
    %swap3A_226 = vector.load %arg7[%swap3A_224, %swap3A_225] : memref<2000x128xf32, #tpu.memory_space<vmem>>, vector<2000x128xf32>
    tpu.vector_store %arg7[%swap3A_224, %swap3A_225], %mul3A_221 {strides = array<i32>} : memref<2000x128xf32, #tpu.memory_space<vmem>>, vector<2000x128xf32>,
    return
  }
  func.func @transform_0(%arg0: i32) -> (i32, i32, i32) {
    %c0_i32 = arith.constant 0 : i32
    %c0_i32_0 = arith.constant 0 : i32
    %c0_i32_1 = arith.constant 0 : i32
    return %c0_i32, %arg0, %c0_i32_0 : i32, i32, i32
  }
  func.func @transform_1(%arg0: i32) -> (i32, i32) {
    %c0_i32 = arith.constant 0 : i32
    %c0_i32_0 = arith.constant 0 : i32
    return %arg0, %c0_i32 : i32, i32
  }
  func.func @transform_2(%arg0: i32) -> (i32, i32) {
    %c0_i32 = arith.constant 0 : i32
    %c0_i32_0 = arith.constant 0 : i32
    return %arg0, %c0_i32 : i32, i32
  }
  func.func @transform_3(%arg0: i32) -> (i32, i32) {
    %c0_i32 = arith.constant 0 : i32
    %c0_i32_0 = arith.constant 0 : i32
    %c0_i32_1 = arith.constant 0 : i32
    return %c0_i32, %c0_i32_0 : i32, i32
  }
  func.func @transform_4(%arg0: i32) -> (i32, i32, i32) {
    %c0_i32 = arith.constant 0 : i32
    %c0_i32_0 = arith.constant 0 : i32
    %c0_i32_1 = arith.constant 0 : i32
    %c0_i32_2 = arith.constant 0 : i32
    return %c0_i32, %c0_i32_0, %c0_i32_1 : i32, i32, i32
  }
  func.func @transform_5(%arg0: i32) -> (i32, i32) {
    %c0_i32 = arith.constant 0 : i32
    %c0_i32_0 = arith.constant 0 : i32
    return %arg0, %c0_i32 : i32, i32
  }
  func.func @transform_6(%arg0: i32) -> (i32, i32) {
    %c0_i32 = arith.constant 0 : i32
    %c0_i32_0 = arith.constant 0 : i32
    return %arg0, %c0_i32 : i32, i32
  }
}

</mosaic_0001>

<sc_bundles>
// kernel: kernel.6.cloned.1.call-start
scs
__scs_entry_jumppad:
0x0: {  	(pc) =	sbr.rel $0x88, $3  }
0x1: {  	(tag) =	ssettag $0x0;
	lr =	simm.s32 $0x1  }
0x2: {  	[smem:$0x3F95] =	sst lr;
	_ =	strace $0xD0000000  }
0x3: {  	_ = 	snop  }
0x4: {  	_ = 	snop  }
0x5: {  	_ = 	snop  }
0x6: {  	_ = 	snop  }
0x7: {  	_ = 	snop  }
__scs_overlays_trampoline_lowered:
0x8: {  	[smem:$0x3FA4] =	sst s0  }
0x9: {  	[smem:$0x3FA5] =	sst s1  }
0xa: {  	[smem:$0x3FA6] =	sst s2  }
0xb: {  	[smem:$0x3FA7] =	sst s3  }
0xc: {  	[smem:$0x3FA8] =	sst s4  }
0xd: {  	[smem:$0x3FA9] =	sst s5  }
0xe: {  	[smem:$0x3FAA] =	sst s6  }
0xf: {  	[smem:$0x3FAB] =	sst s7  }
0x10: {  	[smem:$0x3FAC] =	sst s8  }
0x11: {  	[smem:$0x3FAD] =	sst s9;
	s0 =	simm.s32 @!p0 $0x0  }
0x12: {  	s1 =	sld [smem:$0x3F93];
	s0 =	simm.s32 @p0 $0x1  }
0x13: {  	[smem:$0x3FAE] =	sst s0;
	s0 =	simm.s32 @!p1 $0x0  }
0x14: {  	s2 =	sld [smem:$0x3F92];
	s0 =	simm.s32 @p1 $0x1  }
0x15: {  	[smem:$0x3FAF] =	sst s0;
	s0 =	simm.s32 @!p2 $0x0  }
0x16: {  	s3 =	sld [smem:$0x3FDB];
	s0 =	simm.s32 @p2 $0x1  }
0x17: {  	s4 =	simm.s32 $0x1BF5;
	[smem:$0x3FB1] =	sst s0  }
0x18: {  	s0 =	sld [smem:$0x3F94];
	_ =	swait.ge [sflag:s4], $0x0  }
0x19: {  	s7 =	sld [smem:$0x3F95]  }
0x1a: {  	s8 =	sadd.s32 $0xFFFFE003, lr  }
0x1b: {  	s9 =	sadd.s32 $0xFFFFFEF7, lr;
	s5 =	simm.s32 $0xFFFFFFFF;
	p2 =	slt.u32 s8, $0xFFFFF086  }
0x1c: {  	p1 =	slt.u32 s9, $0xF7A;
	s5 =	simm.s32 @!p2 $0x0  }
0x1d: {  	s5 =	simm.s32 @p1 $0x1;
	p0 =	seq.s32 s7, s2  }
0x1e: {  	s7 =	smul.u32 @!p0 $0xF7A, s2;
	p2 =	seq.s32 @!p0 s5, $0x0  }
0x1f: {  	s9 =	smul.u32 $0xF7A, s1;
	s8 =	simm.s32 @!p0 $0x1BF5;
	p2 =	por !p2, p0  }
0x20: {  	[sflag:s8] =	ssyncset.s32 @!p0 $0xFFFFF086;
	s6 =	sadd.s32 @!p0 s3, s7;
	s7 =	simm.s32 @!p0 $0x108  }
0x21: {  	s3 =	sadd.s32 s3, s9;
	s6 =	sadd.s32 @!p0 $0x88, s6;
	s7 =	simm.s32 @p2 $0x1082  }
0x22: {  	[simem:s7], [sflag:s8] =	dma.local @!p0 [hbm:s6], $0xF7A  }
0x23: {  	s9 =	sor.u32 $0xD0000000, s2;
	s6 =	simm.s32 $0x108;
	_ =	swait.ge @!p0 [sflag:s8], $0x0  }
0x24: {  	s3 =	sadd.s32 $0x88, s3;
	s6 =	simm.s32 @!p1 $0x1082;
	[sflag:s4] =	ssyncset.s32 $0xFFFFF086  }
0x25: {  	[simem:s6], [sflag:s4] =	dma.local [hbm:s3], $0xF7A  }
0x26: {  	[smem:$0x3F95] =	sst s1;
	(tag) =	ssettag s2;
	_ =	strace s9  }
0x27: {  	s1 =	sld [smem:$0x3FA5]  }
0x28: {  	s2 =	sld [smem:$0x3FA6]  }
0x29: {  	s4 =	sld [smem:$0x3FA8]  }
0x2a: {  	p0 =	seq.s32 s5, $0x0;
	s5 =	sld [smem:$0x3FA9]  }
0x2b: {  	s6 =	sld [smem:$0x3FAA]  }
0x2c: {  	s7 =	sld [smem:$0x3FAB]  }
0x2d: {  	s3 =	simm.s32 $0x108;
	s8 =	sld [smem:$0x3FAC]  }
0x2e: {  	s3 =	simm.s32 @!p0 $0x1082;
	s9 =	sld [smem:$0x3FAD]  }
0x2f: {  	lr =	sadd.s32 s0, s3;
	s0 =	sld [smem:$0x3FA4]  }
0x30: {  	s3 =	sld [smem:$0x3FA7]  }
0x31: {  	[smem:$0x3FB0] =	sst s10  }
0x32: {  	s10 =	sld [smem:$0x3FAE];
	_ =	sdelay $0x3  }
0x33: {  	p0 =	seq.s32 s10, $0x1;
	s10 =	sld [smem:$0x3FB0];
	_ =	sdelay $0x3  }
0x34: {  	[smem:$0x3FB0] =	sst s10  }
0x35: {  	s10 =	sld [smem:$0x3FAF];
	_ =	sdelay $0x3  }
0x36: {  	p1 =	seq.s32 s10, $0x1;
	s10 =	sld [smem:$0x3FB0];
	_ =	sdelay $0x3  }
0x37: {  	[smem:$0x3FB0] =	sst s10  }
0x38: {  	s10 =	sld [smem:$0x3FB1]  }
0x39: {  	_ = 	snop;
	(pc) =	sbr.ind lr, $3  }
0x3a: {  	_ = 	snop  }
0x3b: {  	_ = 	snop  }
0x3c: {  	p2 =	seq.s32 s10, $0x1;
	s10 =	sld [smem:$0x3FB0]  }
0x3d: {  	_ =	shalt  }
0x3e: {  	_ =	shalt  }
0x3f: {  	_ =	shalt  }
0x40: {  	_ =	shalt  }
0x41: {  	_ =	shalt  }
0x42: {  	_ =	shalt  }
0x43: {  	_ =	shalt  }
0x44: {  	_ =	shalt  }
0x45: {  	_ =	shalt  }
0x46: {  	_ =	shalt  }
0x47: {  	_ =	shalt  }
0x48: {  	_ =	shalt  }
0x49: {  	_ =	shalt  }
0x4a: {  	_ =	shalt  }
0x4b: {  	_ =	shalt  }
0x4c: {  	_ =	shalt  }
0x4d: {  	_ =	shalt  }
0x4e: {  	_ =	shalt  }
0x4f: {  	_ =	shalt  }
0x50: {  	_ =	shalt  }
0x51: {  	_ =	shalt  }
0x52: {  	_ =	shalt  }
0x53: {  	_ =	shalt  }
0x54: {  	_ =	shalt  }
0x55: {  	_ =	shalt  }
0x56: {  	_ =	shalt  }
0x57: {  	_ =	shalt  }
0x58: {  	_ =	shalt  }
0x59: {  	_ =	shalt  }
0x5a: {  	_ =	shalt  }
0x5b: {  	_ =	shalt  }
0x5c: {  	_ =	shalt  }
0x5d: {  	_ =	shalt  }
0x5e: {  	_ =	shalt  }
0x5f: {  	_ =	shalt  }
0x60: {  	_ =	shalt  }
0x61: {  	_ =	shalt  }
0x62: {  	_ =	shalt  }
0x63: {  	_ =	shalt  }
0x64: {  	_ =	shalt  }
0x65: {  	_ =	shalt  }
0x66: {  	_ =	shalt  }
0x67: {  	_ =	shalt  }
0x68: {  	_ =	shalt  }
0x69: {  	_ =	shalt  }
0x6a: {  	_ =	shalt  }
0x6b: {  	_ =	shalt  }
0x6c: {  	_ =	shalt  }
0x6d: {  	_ =	shalt  }
0x6e: {  	_ =	shalt  }
0x6f: {  	_ =	shalt  }
0x70: {  	_ =	shalt  }
0x71: {  	_ =	shalt  }
0x72: {  	_ =	shalt  }
0x73: {  	_ =	shalt  }
0x74: {  	_ =	shalt  }
0x75: {  	_ =	shalt  }
0x76: {  	_ =	shalt  }
0x77: {  	_ =	shalt  }
0x78: {  	_ =	shalt  }
0x79: {  	_ =	shalt  }
0x7a: {  	_ =	shalt  }
0x7b: {  	_ =	shalt  }
0x7c: {  	_ =	shalt  }
0x7d: {  	_ =	shalt  }
0x7e: {  	_ =	shalt  }
0x7f: {  	_ =	shalt  }
0x80: {  	_ =	shalt  }
0x81: {  	_ =	shalt  }
0x82: {  	_ =	shalt  }
0x83: {  	_ =	shalt  }
0x84: {  	_ =	shalt  }
0x85: {  	_ =	shalt  }
0x86: {  	_ =	shalt  }
0x87: {  	_ =	shalt  }
.Lfunc_end0:
.L_simem_size_0:
called_computation_lowered:
.L_overlay_start_0:
0x88: {  	s2 =	sld [smem:$0x3FD9]  }
0x89: {  	s3 =	sld [smem:$0x3FFE];
	_ =	sdelay $0x1  }
0x8a: {  	s1 =	srdreg.scid  }
0x8b: {  	s0 =	sand.u32 $0x1, s1  }
0x8c: {  	s17 =	sshll.u32 s0, $0xA;
	s2 =	sadd.s32 s3, s2  }
0x8d: {  	s2 =	sadd.s32 s2, s17  }
0x8e: {  	[smem:$0x3FBC] =	sst s2  }
0x8f: {  	_ = 	snop  }
0x90: {  	s2 =	sld [smem:$0x3FD0];
	(tm) =	ssettm $0x1  }
0x91: {  	s18 =	sld [smem:$0x3FFB];
	_ =	sdelay $0x3  }
0x92: {  	_ =	strace s18  }
0x93: {  	s3 =	sld [smem:$0x3FFC];
	_ =	sdelay $0x3  }
0x94: {  	_ =	strace s3  }
0x95: {  	s3 =	sld [smem:$0x3FFD];
	_ =	sdelay $0x3  }
0x96: {  	_ =	strace s3  }
0x97: {  	_ =	strace $0x8FFFFFFF  }
0x98: {  	s19 =	sld [smem:$0x3FDB];
	_ =	sdelay $0x1  }
0x99: {  	s4 =	simm.s32 $_scs_section_size  }
0x9a: {  	s5 =	simm.s32 $_size__tile_overlayer_lowered;
	s6 =	simm.s32 $_tile_overlayer_lowered  }
0x9b: {  	s22 =	simm.s32 $0x1BFF;
	s21 =	sshll.u32 s6, $0x1;
	s3 =	sadd.s32 s4, s19  }
0x9c: {  	s7 =	simm.s32 $0x0;
	s20 =	sshll.u32 s5, $0x1;
	s5 =	sadd.s32 s21, s3  }
0x9d: {  	[timem:s7], [sflag:s22] =	dma.local [hbm:s5], s20  }
0x9e: {  	_ =	swait.ge [sflag:s22], s20  }
0x9f: {  	s4 =	ssub.s32 $0x0, s20;
	[sflag:s22] =	ssyncset.done $0x0  }
0xa0: {  	[sflag:s22] =	ssyncadd.s32 s4;
	_ =	sdelay $0x1  }
0xa1: {  	s23 =	simm.s32 $0x1B8B  }
0xa2: {  	_ =	swait.ge [sflag:s23], $0x1  }
0xa3: {  	[sflag:s23] =	ssyncset.done $0x0  }
0xa4: {  	s25 =	simm.s32 $0x1B8E;
	s24 =	sld [smem:$0x3FFE];
	[sflag:s23] =	ssyncadd.s32 $0xFFFFFFFF  }
0xa5: {  	s26 =	simm.s32 $execute0_lowered;
	[smem:$0x3FD2] =	sst s25  }
0xa6: {  	s5 =	sshll.u32 s26, $0x1;
	_ =	strace $0x80000046;
	[dreg:$0x1] =	wrdreg $0xFFFFFFFF  }
0xa7: {  	s28 =	simm.s32 $_size_execute0_lowered;
	s3 =	sadd.s32 s3, s5;
	[dreg:$0x0] =	wrdreg $0x0  }
0xa8: {  	s5 =	sshll.u32 s28, $0x1;
	[dreg:$0x2] =	wrdreg s3  }
0xa9: {  	[dreg:$0x3] =	wrdreg s5  }
0xaa: {  	[dreg:$0x4] =	wrdreg $0xC0  }
0xab: {  	_ =	task [dreg:s7], $0x5FFFF  }
0xac: {  	[dreg:$0x1] =	wrdreg $0xFFFFFFFF  }
0xad: {  	[dreg:$0x0] =	wrdreg $0x60  }
0xae: {  	[dreg:$0x2] =	wrdreg s24  }
0xaf: {  	[dreg:$0x3] =	wrdreg s2  }
0xb0: {  	[dreg:$0x4] =	wrdreg $0xC6000  }
0xb1: {  	[dreg:$0x5] =	wrdreg $0x9  }
0xb2: {  	_ =	task.clear_ibuf [dreg:s7], $0x6FFFF;
	_ =	strace $0x90000046  }
0xb3: {  	s29 =	simm.s32 $0x9;
	_ =	strace $0x80000048  }
0xb4: {  	_ =	swait.ge [sflag:s29], $0x1  }
0xb5: {  	[sflag:s29] =	ssyncadd.s32 $0xFFFFFFFF  }
0xb6: {  	_ =	strace $0x90000048  }
0xb7: {  	_ =	sfence  }
0xb8: {  	s30 =	sld [smem:$0x0];
	_ =	sdelay $0x2  }
0xb9: {  	s31 =	sshll.u32 s1, $0xD;
	s1 =	sshrl.u32 s1, $0x2  }
0xba: {  	s3 =	sand.u32 $0x4000, s31;
	s1 =	sadd.s32 s1, s30  }
0xbb: {  	s0 =	sor.u32 s3, s0;
	s1 =	sshll.u32 s1, $0x11  }
0xbc: {  	s0 =	sor.u32 s1, s0  }
0xbd: {  	s0 =	sadd.s32 $0x8F2B, s0  }
0xbe: {  	[sflag:s0] =	ssyncadd.remote.s32 $0x1  }
0xbf: {  	_ =	sfence.sel $0xFFFF  }
0xc0: {  	[dreg:$0x0] =	wrdreg $0xFFFFFFFF;
	(pc) =	sbr.abs _section_cstart, $3  }
0xc1: {  	[dreg:$0x1] =	wrdreg $0xFFFFFFFF  }
0xc2: {  	_ =	task.clear_ibuf [dreg:s7], $0x2FFFF;
	_ =	strace $0x9FFFFFFF  }
0xc3: {  	(tm) =	ssettm $0x7FFFFFFF  }
tec
execute0_lowered:
.L_overlay_start_1:
0x0: {  	(tag) =	ssettag $0x1  }
0x1: {  	s0 =	rddreg [dreg:$0x0]  }
0x2: {  	s2 =	rddreg [dreg:$0x1]  }
0x3: {  	s1 =	rddreg [dreg:$0x2];
	s3 =	simm.s32 $0x0;
	s21 =	srdreg.scid  }
0x4: {  	s11 =	stileid.u32;
	s17 =	simm.s32 $0xC200;
	s18 =	simm.s32 $0x3  }
0x5: {  	s19 =	simm.s32 $0x100;
	s20 =	simm.s32 $0x80;
	s28 =	simm.s32 $0x180  }
0x6: {  	s29 =	simm.s32 $0x4200;
	s30 =	simm.s32 $0x0;
	s31 =	simm.s32 $0x0  }
0x7: {  	[smem:$0x7FF] =	sst s3;
	s4 =	sadd.s32 $0x27D000, s0;
	s3 =	sand.u32 $0x1, s21  }
0x8: {  	s5 =	sadd.s32 $0x2A4200, s0;
	s6 =	sadd.s32 $0x273200, s0;
	s9 =	sshll.u32 s11, $0x1  }
0x9: {  	s22 =	smul.u32 $0x4F000, s11;
	p0 =	seq.s32 s11, $0xF;
	s7 =	ssub.s32 $0x2, s3  }
0xa: {  	s13 =	smul.u32 $0x13C00, s11;
	s11 =	sadd.s32 $0x278020, s0;
	s8 =	sshrl.u32 s7, $0x1  }
0xb: {  	s21 =	simm.s32 $0x200;
	_ =	strace $0x80000047;
	s10 =	ssub.s32 s7, s8  }
0xc: {  	s7 =	sor.u32 s3, s9;
	s8 =	simm.s32 $0x41;
	s3 =	smul.u32 $0x138800, s3  }
0xd: {  	s9 =	sshrl.u32 s22, $0x2;
	s22 =	simm.s32 $0x1;
	s12 =	sshll.u32 s7, $0x4  }
0xe: {  	s8 =	simm.s32 @!p0 $0x4F;
	s9 =	sadd.s32 s9, s1;
	s26 =	smax.u32 s10, $0x1  }
0xf: {  	s23 =	sadd.s32 s6, s12;
	s24 =	sadd.s32 s13, s3;
	s3 =	sshrl.u32 s3, $0x3  }
0x10: {  	s12 =	sadd.s32 s12, s11;
	s13 =	sor.u32 $0x40, s7;
	[dreg:$0x8] =	wrdreg s26  }
.Ltmp0:
0x11: {  	[dreg:$0x4] =	wrdreg s23;
	s0 =	sshrl.u32 s24, $0x3;
	(pc) =	sbr.rel .LBB2_1-.Ltmp0, $4  }
0x12: {  	[dreg:$0x5] =	wrdreg s12;
	s3 =	sadd.s32 s2, s3;
	s0 =	sadd.s32 s2, s0  }
0x13: {  	s25 =	sadd.s32 $0x25080, s3;
	[dreg:$0x6] =	wrdreg s0;
	s0 =	sadd.s32 $0x128400, s1  }
0x14: {  	s26 =	simm.s32 $0x2;
	[dreg:$0x7] =	wrdreg s25;
	s0 =	sshrl.u32 @p0 s0, $0x3  }
0x15: {  	v0 =	vimm.f32 $0.0e+00;
	s23 =	simm.s32 $0x8200;
	s24 =	simm.s32 $0x4;
	[dreg:$0x9] =	wrdreg s0  }
.LBB2_13:
0x16: {  	[bflag:$0x0] =	sbarrier.arrive $0xFFFF  }
0x17: {  	s2 =	rddreg [dreg:$0x7]  }
0x18: {  	s0 =	simm.s32 @p0 $0x1FC3;
	s3 =	rddreg [dreg:$0x9]  }
0x19: {  	[hbm:s2], [sflag:s0] =	dma.local @p0 [spmem:s3], $0x2080  }
0x1a: {  	s0 =	simm.s32 @p0 $0x3  }
0x1b: {  	s2 =	stileid.u32;
	_ =	swait.ge @p0 [sflag:s0], $0x2080  }
0x1c: {  	s2 =	sshll.u32 @!p0 s2, $0x6;
	[sflag:s0] =	ssyncset.done @p0 $0x0;
	s3 =	rddreg [dreg:$0x6]  }
0x1d: {  	[sflag:s0] =	ssyncadd.s32 @p0 $0xFFFFDF80;
	s0 =	sor.u32 @!p0 $0x1C03, s2;
	s2 =	sshrl.u32 @!p0 s9, $0x3  }
0x1e: {  	[hbm:s3], [sflag:s0] =	dma.local @!p0 [spmem:s2], $0x2780  }
0x1f: {  	s0 =	simm.s32 @!p0 $0x3  }
0x20: {  	_ =	swait.ge @!p0 [sflag:s0], $0x2780  }
0x21: {  	s30 =	sadd.s32 $0x1, s30;
	s25 =	rddreg [dreg:$0x8]  }
0x22: {  	p1 =	sne.s32 s30, s25  }
.Ltmp1:
0x23: {  	_ = 	snop;
	(pc) =	sbr.rel @!p1 .LBB2_14-.Ltmp1, $3  }
0x24: {  	_ =	sdelay $0x1  }
0x25: {  	[sflag:s0] =	ssyncset.done @!p0 $0x0  }
0x26: {  	[sflag:s0] =	ssyncadd.s32 @!p0 $0xFFFFD880  }
.LBB2_1:
0x27: {  	s2 =	simm.s32 $0x0  }
0x28: {  	s0 =	sand.u32 $0xE00, s2  }
0x29: {  	s2 =	sand.u32 $0x70, s2;
	s3 =	sshrl.u32 s0, $0x2  }
0x2a: {  	s0 =	simm.s32 $0x40;
	s3 =	sor.u32 s2, s3;
	s2 =	simm.s32 $0x0  }
.LBB2_2:
0x2b: {  	p1 =	sne.s32 s0, $0xFC0  }
0x2c: {  	[tilespmem:s3+$0xC200] =	vst v0;
	s2 =	sadd.s32 $0x10, s2;
	s3 =	smov.u32 s0;
	s0 =	sadd.s32 $0x40, s0  }
.Ltmp2:
0x2d: {  	(pc) =	sbr.rel @p1 .LBB2_2-.Ltmp2, $4  }
0x2e: {  	_ = 	snop  }
0x2f: {  	s3 =	sand.u32 $0xE00, s3  }
0x30: {  	s10 =	sand.u32 $0x70, s2;
	s3 =	sshrl.u32 s3, $0x2  }
0x31: {  	s3 =	sor.u32 s10, s3  }
0x32: {  	p1 =	sne.s32 s8, $0x1  }
.Ltmp3:
0x33: {  	_ = 	snop;
	(pc) =	sbr.rel @!p1 .LBB2_5-.Ltmp3, $4  }
0x34: {  	[tilespmem:s3+$0xC200] =	vst v0  }
0x35: {  	[spmem:s9] =	stream.linear.scatter [tilespmem:s17], [sflag:$0x3], $0x400, $0x38;
	[tilespmem:$0x1FE80] =	vst v63  }
0x36: {  	_ =	swait.ge [sflag:s18], $0x400  }
0x37: {  	s0 =	sadd.s32 $0xFFFFFFFF, s8;
	s2 =	smov.u32 s9;
	[sflag:s18] =	ssyncset.done $0x0  }
.LBB2_4:
0x38: {  	p1 =	sne.s32 s0, $0x1;
	[sflag:s18] =	ssyncadd.s32 $0xFFFFFC00;
	s2 =	sadd.s32 $0x400, s2  }
.Ltmp4:
0x39: {  	s0 =	sadd.s32 $0xFFFFFFFF, s0;
	(pc) =	sbr.rel @p1 .LBB2_4-.Ltmp4, $4  }
0x3a: {  	_ = 	snop  }
0x3b: {  	[spmem:s2] =	stream.linear.scatter [tilespmem:s17], [sflag:$0x3], $0x400, $0x38;
	[tilespmem:$0x1FE80] =	vst v63  }
0x3c: {  	_ =	swait.ge [sflag:s18], $0x400  }
0x3d: {  	[sflag:s18] =	ssyncset.done $0x0  }
.LBB2_5:
0x3e: {  	[sflag:s18] =	ssyncadd.s32 $0xFFFFFC00  }
0x3f: {  	[bflag:$0x0] =	sbarrier.arrive $0xFFFF  }
0x40: {  	s0 =	rddreg [dreg:$0x4]  }
0x41: {  	[tilespmem:s31], [sflag:$0x3] =	stream.linear.gather [hbm4b:s0+s31], $0x80, $0x38;
	[tilespmem:$0x1FE80] =	vst v63  }
0x42: {  	_ =	swait.ge [sflag:s18], $0x80  }
0x43: {  	[sflag:s18] =	ssyncset.done $0x0  }
0x44: {  	s25 =	rddreg [dreg:$0x5];
	[sflag:s18] =	ssyncadd.s32 $0xFFFFFF80  }
0x45: {  	[tilespmem:s19], [sflag:$0x3] =	stream.linear.gather [hbm4b:s25+s31], $0x80, $0x38;
	[tilespmem:$0x1FE80] =	vst v63  }
.Ltmp5:
0x46: {  	_ = 	snop;
	(pc) =	sbr.rel .LBB2_6-.Ltmp5, $4  }
0x47: {  	_ =	swait.ge [sflag:s18], $0x80  }
0x48: {  	[sflag:s18] =	ssyncset.done $0x0  }
0x49: {  	s0 =	simm.s32 $0x0;
	[sflag:s18] =	ssyncadd.s32 $0xFFFFFF80  }
0x4a: {  	[tilespmem:s21], [sflag:$0x1] =	stream.indirect.gather [hbm4b:s4+s20], $0x80, s31, s20, $0xb8;
	[tilespmem:$0x1FE80] =	vst v63  }
.LBB2_12:
0x4b: {  	s0 =	sadd.s32 $0x1, s0  }
0x4c: {  	p1 =	sne.s32 s0, $0x14  }
.Ltmp6:
0x4d: {  	_ = 	snop;
	(pc) =	sbr.rel @!p1 .LBB2_13-.Ltmp6, $1  }
0x4e: {  	_ =	sdelay $0x3  }
.LBB2_6:
0x4f: {  	s2 =	sshll.u32 s0, $0x6  }
0x50: {  	s10 =	sor.u32 s7, s2  }
0x51: {  	_ =	swait.ge [sflag:s22], $0x4000;
	s3 =	sor.u32 $0x20, s10  }
0x52: {  	[sflag:s22] =	ssyncset.done $0x0;
	p1 =	sgt.u32 s3, $0x4E1  }
0x53: {  	[sflag:s22] =	ssyncadd.s32 $0xFFFFC000;
	s12 =	sshll.u32 @!p1 s3, $0x4  }
0x54: {  	s15 =	simm.s32 @!p1 $0x0;
	s16 =	simm.s32 @!p1 $0x80;
	s14 =	sadd.s32 @!p1 s6, s12  }
0x55: {  	[tilespmem:s16], [sflag:$0x4] =	stream.linear.gather @!p1 [hbm4b:s14+s15], $0x80, $0x38;
	[tilespmem:$0x1FE80] =	vst v63  }
0x56: {  	s14 =	simm.s32 @!p1 $0x4  }
0x57: {  	_ =	swait.ge @!p1 [sflag:s14], $0x80  }
0x58: {  	[sflag:s14] =	ssyncset.done @!p1 $0x0  }
0x59: {  	s25 =	simm.s32 @!p1 $0x180;
	s12 =	sadd.s32 @!p1 s12, s11;
	[sflag:s14] =	ssyncadd.s32 @!p1 $0xFFFFFF80  }
0x5a: {  	[tilespmem:s25], [sflag:$0x4] =	stream.linear.gather @!p1 [hbm4b:s12+s15], $0x80, $0x38;
	[tilespmem:$0x1FE80] =	vst v63  }
0x5b: {  	_ =	swait.ge @!p1 [sflag:s14], $0x80  }
0x5c: {  	[sflag:s14] =	ssyncset.done @!p1 $0x0  }
0x5d: {  	s10 =	sshll.u32 s10, $0xB;
	s12 =	simm.s32 @!p1 $0x4200;
	[sflag:s14] =	ssyncadd.s32 @!p1 $0xFFFFFF80  }
0x5e: {  	[tilespmem:s12], [sflag:$0x2] =	stream.indirect.gather @!p1 [hbm4b:s4+s16], $0x80, s16, s16, $0xb8;
	[tilespmem:$0x1FE80] =	vst v63  }
0x5f: {  	s10 =	sadd.s32 s5, s10  }
0x60: {  	[tilespmem:s23], [sflag:$0x4] =	stream.linear.gather [hbm4b:s10+s31], $0x4000, $0x38;
	[tilespmem:$0x1FE80] =	vst v63  }
0x61: {  	_ =	swait.ge [sflag:s24], $0x4000  }
0x62: {  	[sflag:s24] =	ssyncset.done $0x0  }
0x63: {  	s10 =	simm.s32 $0x0;
	[sflag:s24] =	ssyncadd.s32 $0xFFFFC000  }
0x64: {  	v7 =	vld [tilespmem:s10+$0x8200]  }
0x65: {  	v8 =	vld [tilespmem:s10+$0x8210]  }
0x66: {  	v9 =	vld [tilespmem:s10+$0x8220]  }
0x67: {  	v10 =	vld [tilespmem:s10+$0x8230]  }
0x68: {  	v11 =	vld [tilespmem:s10+$0x8240]  }
0x69: {  	v12 =	vld [tilespmem:s10+$0x8250]  }
0x6a: {  	v13 =	vld [tilespmem:s10+$0x8260]  }
0x6b: {  	v14 =	vld [tilespmem:s10+$0x8270]  }
0x6c: {  	v15 =	vld [tilespmem:s10+$0x8280]  }
0x6d: {  	v16 =	vld [tilespmem:s10+$0x8290]  }
0x6e: {  	v17 =	vld [tilespmem:s10+$0x82A0]  }
0x6f: {  	v18 =	vld [tilespmem:s10+$0x82B0]  }
0x70: {  	v19 =	vld [tilespmem:s10+$0x82C0]  }
0x71: {  	v20 =	vld [tilespmem:s10+$0x82D0]  }
0x72: {  	v21 =	vld [tilespmem:s10+$0x82E0]  }
0x73: {  	v22 =	vld [tilespmem:s10+$0x82F0]  }
0x74: {  	v23 =	vld [tilespmem:s10+$0x8300]  }
0x75: {  	v24 =	vld [tilespmem:s10+$0x8310]  }
0x76: {  	v25 =	vld [tilespmem:s10+$0x8320]  }
0x77: {  	v26 =	vld [tilespmem:s10+$0x8330]  }
0x78: {  	v27 =	vld [tilespmem:s10+$0x8340]  }
0x79: {  	v28 =	vld [tilespmem:s10+$0x8350]  }
0x7a: {  	v29 =	vld [tilespmem:s10+$0x8360]  }
0x7b: {  	v30 =	vld [tilespmem:s10+$0x8370]  }
0x7c: {  	v31 =	vld [tilespmem:s10+$0x8380]  }
0x7d: {  	v32 =	vld [tilespmem:s10+$0x8390]  }
0x7e: {  	v6 =	vld [tilespmem:s10+$0x83A0]  }
0x7f: {  	v5 =	vld [tilespmem:s10+$0x83B0]  }
0x80: {  	v4 =	vld [tilespmem:s10+$0x83C0]  }
0x81: {  	v3 =	vld [tilespmem:s10+$0x83D0]  }
0x82: {  	v2 =	vld [tilespmem:s10+$0x83E0]  }
0x83: {  	v33 =	vld [tilespmem:s10+$0x200]  }
0x84: {  	v34 =	vld [tilespmem:s10+$0x210]  }
0x85: {  	v35 =	vld [tilespmem:s10+$0x220]  }
0x86: {  	v36 =	vld [tilespmem:s10+$0x230]  }
0x87: {  	v37 =	vld [tilespmem:s10+$0x240]  }
0x88: {  	v63 =	vld [tilespmem:s10+$0x250];
	v7 =	vmul.f32 v7, v33  }
0x89: {  	v38 =	vld [tilespmem:s10+$0x260];
	v8 =	vmul.f32 v8, v34  }
0x8a: {  	v9 =	vmul.f32 v9, v35;
	[tilespmem:s10+$0x200] =	vst v7;
	v7 =	vld [tilespmem:s10+$0x270]  }
0x8b: {  	v10 =	vmul.f32 v10, v36;
	[tilespmem:s10+$0x210] =	vst v8;
	v8 =	vld [tilespmem:s10+$0x280]  }
0x8c: {  	v11 =	vmul.f32 v11, v37;
	[tilespmem:s10+$0x220] =	vst v9;
	v9 =	vld [tilespmem:s10+$0x290]  }
0x8d: {  	v12 =	vmul.f32 v12, v63;
	[tilespmem:s10+$0x230] =	vst v10;
	v10 =	vld [tilespmem:s10+$0x2A0]  }
0x8e: {  	v13 =	vmul.f32 v13, v38;
	[tilespmem:s10+$0x240] =	vst v11;
	v11 =	vld [tilespmem:s10+$0x2B0]  }
0x8f: {  	[tilespmem:s10+$0x250] =	vst v12;
	v12 =	vld [tilespmem:s10+$0x2C0];
	v7 =	vmul.f32 v14, v7  }
0x90: {  	[tilespmem:s10+$0x260] =	vst v13;
	v13 =	vld [tilespmem:s10+$0x2D0];
	v8 =	vmul.f32 v15, v8  }
0x91: {  	v9 =	vmul.f32 v16, v9;
	[tilespmem:s10+$0x270] =	vst v7;
	v7 =	vld [tilespmem:s10+$0x2E0]  }
0x92: {  	v10 =	vmul.f32 v17, v10;
	[tilespmem:s10+$0x280] =	vst v8;
	v8 =	vld [tilespmem:s10+$0x2F0]  }
0x93: {  	v11 =	vmul.f32 v18, v11;
	[tilespmem:s10+$0x290] =	vst v9;
	v9 =	vld [tilespmem:s10+$0x300]  }
0x94: {  	v12 =	vmul.f32 v19, v12;
	[tilespmem:s10+$0x2A0] =	vst v10;
	v10 =	vld [tilespmem:s10+$0x310]  }
0x95: {  	v13 =	vmul.f32 v20, v13;
	[tilespmem:s10+$0x2B0] =	vst v11;
	v11 =	vld [tilespmem:s10+$0x320]  }
0x96: {  	[tilespmem:s10+$0x2C0] =	vst v12;
	v12 =	vld [tilespmem:s10+$0x330];
	v7 =	vmul.f32 v21, v7  }
0x97: {  	[tilespmem:s10+$0x2D0] =	vst v13;
	v13 =	vld [tilespmem:s10+$0x340]  }
0x98: {  	v8 =	vmul.f32 v22, v8;
	[tilespmem:s10+$0x2E0] =	vst v7;
	v7 =	vld [tilespmem:s10+$0x350]  }
0x99: {  	v1 =	vld [tilespmem:s10+$0x83F0];
	v9 =	vmul.f32 v23, v9  }
0x9a: {  	[tilespmem:s10+$0x2F0] =	vst v8;
	v8 =	vmul.f32 v24, v10;
	v10 =	vld [tilespmem:s10+$0x370]  }
0x9b: {  	v14 =	vld [tilespmem:s10+$0x360];
	[tilespmem:s10+$0x300] =	vst v9;
	v9 =	vmul.f32 v25, v11  }
0x9c: {  	v11 =	vld [tilespmem:s10+$0x380];
	[tilespmem:s10+$0x310] =	vst v8;
	v8 =	vmul.f32 v26, v12  }
0x9d: {  	[tilespmem:s10+$0x320] =	vst v9;
	v12 =	vld [tilespmem:s10+$0x390];
	v9 =	vmul.f32 v27, v13;
	v13 =	vmul.f32 v28, v7  }
0x9e: {  	[tilespmem:s10+$0x330] =	vst v8;
	v8 =	vld [tilespmem:s10+$0x3A0]  }
0x9f: {  	v7 =	vld [tilespmem:s10+$0x3B0];
	[tilespmem:s10+$0x350] =	vst v13;
	v13 =	vmul.f32 v30, v10  }
0xa0: {  	v14 =	vmul.f32 v29, v14;
	[tilespmem:s10+$0x340] =	vst v9;
	v9 =	vld [tilespmem:s10+$0x3C0]  }
0xa1: {  	v10 =	vld [tilespmem:s10+$0x3D0];
	[tilespmem:s10+$0x370] =	vst v13;
	v13 =	vmul.f32 v31, v11  }
0xa2: {  	s12 =	simm.s32 $0x800;
	[tilespmem:s10+$0x360] =	vst v14;
	v12 =	vmul.f32 v32, v12;
	v11 =	vld [tilespmem:s10+$0x3E0]  }
.LBB2_7:
0xa3: {  	s14 =	sshra.s32 s12, $0x2;
	p2 =	sne.s32 s12, $0xF800;
	[tilespmem:s10+$0x380] =	vst v13;
	v6 =	vmul.f32 v6, v8;
	v8 =	vld [tilespmem:s10+$0x3F0]  }
0xa4: {  	v13 =	vld [tilespmem:s14+$0x8200];
	[tilespmem:s10+$0x390] =	vst v12;
	v5 =	vmul.f32 v5, v7  }
0xa5: {  	v7 =	vld [tilespmem:s14+$0x8210];
	[tilespmem:s10+$0x3A0] =	vst v6;
	v4 =	vmul.f32 v4, v9  }
0xa6: {  	v9 =	vld [tilespmem:s14+$0x8220];
	[tilespmem:s10+$0x3B0] =	vst v5;
	v3 =	vmul.f32 v3, v10  }
0xa7: {  	v10 =	vld [tilespmem:s14+$0x8230];
	[tilespmem:s10+$0x3C0] =	vst v4;
	v2 =	vmul.f32 v2, v11  }
0xa8: {  	v11 =	vld [tilespmem:s14+$0x8240];
	[tilespmem:s10+$0x3D0] =	vst v3;
	v1 =	vmul.f32 v1, v8  }
0xa9: {  	v8 =	vld [tilespmem:s14+$0x8250];
	[tilespmem:s10+$0x3E0] =	vst v2  }
0xaa: {  	v12 =	vld [tilespmem:s14+$0x8260];
	[tilespmem:s10+$0x3F0] =	vst v1;
	s10 =	smov.u32 s14  }
0xab: {  	v14 =	vld [tilespmem:s10+$0x8270]  }
0xac: {  	v15 =	vld [tilespmem:s10+$0x8280]  }
0xad: {  	v16 =	vld [tilespmem:s10+$0x8290]  }
0xae: {  	v17 =	vld [tilespmem:s10+$0x82A0]  }
0xaf: {  	v18 =	vld [tilespmem:s10+$0x82B0]  }
0xb0: {  	v19 =	vld [tilespmem:s10+$0x82C0]  }
0xb1: {  	v20 =	vld [tilespmem:s10+$0x82D0]  }
0xb2: {  	v21 =	vld [tilespmem:s10+$0x82E0]  }
0xb3: {  	v22 =	vld [tilespmem:s10+$0x82F0]  }
0xb4: {  	v23 =	vld [tilespmem:s10+$0x8300]  }
0xb5: {  	v24 =	vld [tilespmem:s10+$0x8310]  }
0xb6: {  	v25 =	vld [tilespmem:s10+$0x8320]  }
0xb7: {  	v26 =	vld [tilespmem:s10+$0x8330]  }
0xb8: {  	v27 =	vld [tilespmem:s10+$0x8340]  }
0xb9: {  	v28 =	vld [tilespmem:s10+$0x8350]  }
0xba: {  	v29 =	vld [tilespmem:s10+$0x8360]  }
0xbb: {  	v30 =	vld [tilespmem:s10+$0x8370]  }
0xbc: {  	v31 =	vld [tilespmem:s10+$0x8380]  }
0xbd: {  	v32 =	vld [tilespmem:s10+$0x8390]  }
0xbe: {  	v6 =	vld [tilespmem:s10+$0x83A0]  }
0xbf: {  	v5 =	vld [tilespmem:s10+$0x83B0]  }
0xc0: {  	v4 =	vld [tilespmem:s10+$0x83C0]  }
0xc1: {  	v3 =	vld [tilespmem:s10+$0x83D0]  }
0xc2: {  	v2 =	vld [tilespmem:s10+$0x83E0]  }
0xc3: {  	v1 =	vld [tilespmem:s10+$0x83F0]  }
0xc4: {  	v33 =	vld [tilespmem:s10+$0x200]  }
0xc5: {  	v34 =	vld [tilespmem:s10+$0x210]  }
0xc6: {  	v35 =	vld [tilespmem:s10+$0x220]  }
0xc7: {  	v36 =	vld [tilespmem:s10+$0x230]  }
0xc8: {  	v37 =	vld [tilespmem:s10+$0x240]  }
0xc9: {  	v13 =	vmul.f32 v13, v33;
	v33 =	vld [tilespmem:s10+$0x250]  }
0xca: {  	v7 =	vmul.f32 v7, v34;
	v34 =	vld [tilespmem:s10+$0x260]  }
0xcb: {  	[tilespmem:s10+$0x200] =	vst v13;
	v9 =	vmul.f32 v9, v35;
	v13 =	vld [tilespmem:s10+$0x270]  }
0xcc: {  	[tilespmem:s10+$0x210] =	vst v7;
	v7 =	vmul.f32 v10, v36;
	v10 =	vld [tilespmem:s10+$0x280]  }
0xcd: {  	[tilespmem:s10+$0x220] =	vst v9;
	v9 =	vmul.f32 v11, v37;
	v11 =	vld [tilespmem:s10+$0x290]  }
0xce: {  	[tilespmem:s10+$0x230] =	vst v7;
	v7 =	vmul.f32 v8, v33;
	v8 =	vld [tilespmem:s10+$0x2A0]  }
0xcf: {  	[tilespmem:s10+$0x240] =	vst v9;
	v9 =	vmul.f32 v12, v34;
	v12 =	vld [tilespmem:s10+$0x2B0]  }
0xd0: {  	[tilespmem:s10+$0x250] =	vst v7;
	v7 =	vmul.f32 v14, v13;
	v13 =	vld [tilespmem:s10+$0x2C0]  }
0xd1: {  	[tilespmem:s10+$0x260] =	vst v9;
	v9 =	vmul.f32 v15, v10;
	v10 =	vld [tilespmem:s10+$0x2D0]  }
0xd2: {  	[tilespmem:s10+$0x270] =	vst v7;
	v7 =	vmul.f32 v16, v11;
	v11 =	vld [tilespmem:s10+$0x2E0]  }
0xd3: {  	[tilespmem:s10+$0x280] =	vst v9;
	v8 =	vmul.f32 v17, v8;
	v9 =	vld [tilespmem:s10+$0x2F0]  }
0xd4: {  	[tilespmem:s10+$0x290] =	vst v7;
	v7 =	vmul.f32 v18, v12;
	v12 =	vld [tilespmem:s10+$0x300]  }
0xd5: {  	[tilespmem:s10+$0x2A0] =	vst v8;
	v8 =	vmul.f32 v19, v13;
	v13 =	vld [tilespmem:s10+$0x310]  }
0xd6: {  	[tilespmem:s10+$0x2B0] =	vst v7;
	v7 =	vmul.f32 v20, v10;
	v10 =	vld [tilespmem:s10+$0x320]  }
0xd7: {  	[tilespmem:s10+$0x2C0] =	vst v8;
	v8 =	vmul.f32 v21, v11;
	v11 =	vld [tilespmem:s10+$0x330]  }
0xd8: {  	[tilespmem:s10+$0x2D0] =	vst v7;
	v7 =	vmul.f32 v22, v9;
	v9 =	vld [tilespmem:s10+$0x340]  }
0xd9: {  	[tilespmem:s10+$0x2E0] =	vst v8;
	v8 =	vmul.f32 v23, v12;
	v12 =	vld [tilespmem:s10+$0x350]  }
0xda: {  	[tilespmem:s10+$0x2F0] =	vst v7;
	v7 =	vmul.f32 v24, v13;
	v13 =	vld [tilespmem:s10+$0x360]  }
0xdb: {  	[tilespmem:s10+$0x300] =	vst v8;
	v8 =	vmul.f32 v25, v10;
	v10 =	vld [tilespmem:s10+$0x370]  }
0xdc: {  	[tilespmem:s10+$0x310] =	vst v7;
	v7 =	vmul.f32 v26, v11;
	v11 =	vld [tilespmem:s10+$0x380]  }
0xdd: {  	[tilespmem:s10+$0x320] =	vst v8;
	v9 =	vmul.f32 v27, v9;
	v14 =	vld [tilespmem:s10+$0x390]  }
.Ltmp7:
0xde: {  	[tilespmem:s10+$0x330] =	vst v7;
	v12 =	vmul.f32 v28, v12;
	v8 =	vld [tilespmem:s10+$0x3A0];
	(pc) =	sbr.rel @p2 .LBB2_7-.Ltmp7, $4  }
0xdf: {  	[tilespmem:s10+$0x340] =	vst v9;
	v13 =	vmul.f32 v29, v13;
	v7 =	vld [tilespmem:s10+$0x3B0]  }
0xe0: {  	[tilespmem:s10+$0x350] =	vst v12;
	v12 =	vmul.f32 v30, v10;
	v9 =	vld [tilespmem:s10+$0x3C0]  }
0xe1: {  	[tilespmem:s10+$0x360] =	vst v13;
	v13 =	vmul.f32 v31, v11;
	v10 =	vld [tilespmem:s10+$0x3D0]  }
0xe2: {  	s12 =	sadd.s32 $0x800, s12;
	[tilespmem:s10+$0x370] =	vst v12;
	v12 =	vmul.f32 v32, v14;
	v11 =	vld [tilespmem:s10+$0x3E0]  }
0xe3: {  	[tilespmem:s10+$0x380] =	vst v13;
	v6 =	vmul.f32 v6, v8;
	v63 =	vld [tilespmem:s10+$0x3F0]  }
0xe4: {  	[tilespmem:s10+$0x390] =	vst v12;
	v5 =	vmul.f32 v5, v7  }
0xe5: {  	[tilespmem:s10+$0x3A0] =	vst v6;
	v4 =	vmul.f32 v4, v9  }
0xe6: {  	[tilespmem:s10+$0x3B0] =	vst v5;
	v3 =	vmul.f32 v3, v10  }
0xe7: {  	[tilespmem:s10+$0x3C0] =	vst v4;
	v2 =	vmul.f32 v2, v11  }
0xe8: {  	[tilespmem:s10+$0x3D0] =	vst v3;
	v1 =	vmul.f32 v1, v63  }
0xe9: {  	[tilespmem:s10+$0x3E0] =	vst v2  }
.Ltmp8:
0xea: {  	[tilespmem:s10+$0x3F0] =	vst v1;
	(pc) =	sbr.rel @p1 .LBB2_12-.Ltmp8, $4  }
0xeb: {  	[spmem:s1] =	stream.indirect.scatter.add.f32 [tilespmem:s21], [sflag:$0x4], $0x80, s19, s20, $0xb8;
	[tilespmem:$0x1FE80] =	vst v63  }
0xec: {  	_ =	swait.ge [sflag:s24], $0x4000  }
0xed: {  	[sflag:s24] =	ssyncset.done $0x0  }
0xee: {  	[sflag:s24] =	ssyncadd.s32 $0xFFFFC000  }
0xef: {  	s2 =	sadd.s32 s13, s2  }
0xf0: {  	_ =	swait.ge [sflag:s26], $0x4000;
	p1 =	sgt.u32 s2, $0x4E1  }
0xf1: {  	[sflag:s26] =	ssyncset.done $0x0;
	s2 =	sshll.u32 @!p1 s2, $0x4  }
0xf2: {  	[sflag:s26] =	ssyncadd.s32 $0xFFFFC000;
	s12 =	simm.s32 @!p1 $0x0;
	s10 =	sadd.s32 @!p1 s6, s2  }
0xf3: {  	[tilespmem:s12], [sflag:$0x4] =	stream.linear.gather @!p1 [hbm4b:s10+s12], $0x80, $0x38;
	[tilespmem:$0x1FE80] =	vst v63  }
0xf4: {  	s10 =	simm.s32 @!p1 $0x4  }
0xf5: {  	_ =	swait.ge @!p1 [sflag:s10], $0x80  }
0xf6: {  	[sflag:s10] =	ssyncset.done @!p1 $0x0  }
0xf7: {  	s14 =	simm.s32 @!p1 $0x100;
	s2 =	sadd.s32 @!p1 s2, s11;
	[sflag:s10] =	ssyncadd.s32 @!p1 $0xFFFFFF80  }
0xf8: {  	[tilespmem:s14], [sflag:$0x4] =	stream.linear.gather @!p1 [hbm4b:s2+s12], $0x80, $0x38;
	[tilespmem:$0x1FE80] =	vst v63  }
0xf9: {  	_ =	swait.ge @!p1 [sflag:s10], $0x80  }
0xfa: {  	s16 =	sshll.u32 s3, $0xB;
	[sflag:s10] =	ssyncset.done @!p1 $0x0  }
0xfb: {  	s2 =	simm.s32 @!p1 $0x80;
	[sflag:s10] =	ssyncadd.s32 @!p1 $0xFFFFFF80;
	s10 =	simm.s32 @!p1 $0x200  }
0xfc: {  	[tilespmem:s10], [sflag:$0x1] =	stream.indirect.gather @!p1 [hbm4b:s4+s2], $0x80, s12, s2, $0xb8;
	[tilespmem:$0x1FE80] =	vst v63  }
0xfd: {  	s25 =	simm.s32 $0x0;
	s2 =	sadd.s32 s5, s16  }
0xfe: {  	[tilespmem:s23], [sflag:$0x4] =	stream.linear.gather [hbm4b:s2+s25], $0x4000, $0x38;
	[tilespmem:$0x1FE80] =	vst v63  }
0xff: {  	_ =	swait.ge [sflag:s24], $0x4000  }
0x100: {  	[sflag:s24] =	ssyncset.done $0x0  }
0x101: {  	s2 =	simm.s32 $0x0;
	[sflag:s24] =	ssyncadd.s32 $0xFFFFC000  }
0x102: {  	v7 =	vld [tilespmem:s2+$0x8200]  }
0x103: {  	v8 =	vld [tilespmem:s2+$0x8210]  }
0x104: {  	v9 =	vld [tilespmem:s2+$0x8220]  }
0x105: {  	v10 =	vld [tilespmem:s2+$0x8230]  }
0x106: {  	v11 =	vld [tilespmem:s2+$0x8240]  }
0x107: {  	v12 =	vld [tilespmem:s2+$0x8250]  }
0x108: {  	v13 =	vld [tilespmem:s2+$0x8260]  }
0x109: {  	v14 =	vld [tilespmem:s2+$0x8270]  }
0x10a: {  	v15 =	vld [tilespmem:s2+$0x8280]  }
0x10b: {  	v16 =	vld [tilespmem:s2+$0x8290]  }
0x10c: {  	v17 =	vld [tilespmem:s2+$0x82A0]  }
0x10d: {  	v18 =	vld [tilespmem:s2+$0x82B0]  }
0x10e: {  	v19 =	vld [tilespmem:s2+$0x82C0]  }
0x10f: {  	v20 =	vld [tilespmem:s2+$0x82D0]  }
0x110: {  	v21 =	vld [tilespmem:s2+$0x82E0]  }
0x111: {  	v22 =	vld [tilespmem:s2+$0x82F0]  }
0x112: {  	v23 =	vld [tilespmem:s2+$0x8300]  }
0x113: {  	v24 =	vld [tilespmem:s2+$0x8310]  }
0x114: {  	v25 =	vld [tilespmem:s2+$0x8320]  }
0x115: {  	v26 =	vld [tilespmem:s2+$0x8330]  }
0x116: {  	v27 =	vld [tilespmem:s2+$0x8340]  }
0x117: {  	v28 =	vld [tilespmem:s2+$0x8350]  }
0x118: {  	v29 =	vld [tilespmem:s2+$0x8360]  }
0x119: {  	v30 =	vld [tilespmem:s2+$0x8370]  }
0x11a: {  	v31 =	vld [tilespmem:s2+$0x8380]  }
0x11b: {  	v32 =	vld [tilespmem:s2+$0x8390]  }
0x11c: {  	v6 =	vld [tilespmem:s2+$0x83A0]  }
0x11d: {  	v5 =	vld [tilespmem:s2+$0x83B0]  }
0x11e: {  	v4 =	vld [tilespmem:s2+$0x83C0]  }
0x11f: {  	v3 =	vld [tilespmem:s2+$0x83D0]  }
0x120: {  	v2 =	vld [tilespmem:s2+$0x83E0]  }
0x121: {  	v33 =	vld [tilespmem:s2+$0x4200]  }
0x122: {  	v34 =	vld [tilespmem:s2+$0x4210]  }
0x123: {  	v35 =	vld [tilespmem:s2+$0x4220]  }
0x124: {  	v36 =	vld [tilespmem:s2+$0x4230]  }
0x125: {  	v37 =	vld [tilespmem:s2+$0x4240]  }
0x126: {  	v63 =	vld [tilespmem:s2+$0x4250];
	v7 =	vmul.f32 v7, v33  }
0x127: {  	v38 =	vld [tilespmem:s2+$0x4260];
	v8 =	vmul.f32 v8, v34  }
0x128: {  	v9 =	vmul.f32 v9, v35;
	[tilespmem:s2+$0x4200] =	vst v7;
	v7 =	vld [tilespmem:s2+$0x4270]  }
0x129: {  	v10 =	vmul.f32 v10, v36;
	[tilespmem:s2+$0x4210] =	vst v8;
	v8 =	vld [tilespmem:s2+$0x4280]  }
0x12a: {  	v11 =	vmul.f32 v11, v37;
	[tilespmem:s2+$0x4220] =	vst v9;
	v9 =	vld [tilespmem:s2+$0x4290]  }
0x12b: {  	v12 =	vmul.f32 v12, v63;
	[tilespmem:s2+$0x4230] =	vst v10;
	v10 =	vld [tilespmem:s2+$0x42A0]  }
0x12c: {  	v13 =	vmul.f32 v13, v38;
	[tilespmem:s2+$0x4240] =	vst v11;
	v11 =	vld [tilespmem:s2+$0x42B0]  }
0x12d: {  	[tilespmem:s2+$0x4250] =	vst v12;
	v12 =	vld [tilespmem:s2+$0x42C0];
	v7 =	vmul.f32 v14, v7  }
0x12e: {  	[tilespmem:s2+$0x4260] =	vst v13;
	v13 =	vld [tilespmem:s2+$0x42D0];
	v8 =	vmul.f32 v15, v8  }
0x12f: {  	v9 =	vmul.f32 v16, v9;
	[tilespmem:s2+$0x4270] =	vst v7;
	v7 =	vld [tilespmem:s2+$0x42E0]  }
0x130: {  	v10 =	vmul.f32 v17, v10;
	[tilespmem:s2+$0x4280] =	vst v8;
	v8 =	vld [tilespmem:s2+$0x42F0]  }
0x131: {  	v11 =	vmul.f32 v18, v11;
	[tilespmem:s2+$0x4290] =	vst v9;
	v9 =	vld [tilespmem:s2+$0x4300]  }
0x132: {  	v12 =	vmul.f32 v19, v12;
	[tilespmem:s2+$0x42A0] =	vst v10;
	v10 =	vld [tilespmem:s2+$0x4310]  }
0x133: {  	v13 =	vmul.f32 v20, v13;
	[tilespmem:s2+$0x42B0] =	vst v11;
	v11 =	vld [tilespmem:s2+$0x4320]  }
0x134: {  	[tilespmem:s2+$0x42C0] =	vst v12;
	v12 =	vld [tilespmem:s2+$0x4330];
	v7 =	vmul.f32 v21, v7  }
0x135: {  	[tilespmem:s2+$0x42D0] =	vst v13;
	v13 =	vld [tilespmem:s2+$0x4340]  }
0x136: {  	v8 =	vmul.f32 v22, v8;
	[tilespmem:s2+$0x42E0] =	vst v7;
	v7 =	vld [tilespmem:s2+$0x4350]  }
0x137: {  	v1 =	vld [tilespmem:s2+$0x83F0];
	v9 =	vmul.f32 v23, v9  }
0x138: {  	[tilespmem:s2+$0x42F0] =	vst v8;
	v8 =	vmul.f32 v24, v10;
	v10 =	vld [tilespmem:s2+$0x4370]  }
0x139: {  	v14 =	vld [tilespmem:s2+$0x4360];
	[tilespmem:s2+$0x4300] =	vst v9;
	v9 =	vmul.f32 v25, v11  }
0x13a: {  	v11 =	vld [tilespmem:s2+$0x4380];
	[tilespmem:s2+$0x4310] =	vst v8;
	v8 =	vmul.f32 v26, v12  }
0x13b: {  	[tilespmem:s2+$0x4320] =	vst v9;
	v12 =	vld [tilespmem:s2+$0x4390];
	v9 =	vmul.f32 v27, v13;
	v13 =	vmul.f32 v28, v7  }
0x13c: {  	[tilespmem:s2+$0x4330] =	vst v8;
	v8 =	vld [tilespmem:s2+$0x43A0]  }
0x13d: {  	v7 =	vld [tilespmem:s2+$0x43B0];
	[tilespmem:s2+$0x4350] =	vst v13;
	v13 =	vmul.f32 v30, v10  }
0x13e: {  	v14 =	vmul.f32 v29, v14;
	[tilespmem:s2+$0x4340] =	vst v9;
	v9 =	vld [tilespmem:s2+$0x43C0]  }
0x13f: {  	v10 =	vld [tilespmem:s2+$0x43D0];
	[tilespmem:s2+$0x4370] =	vst v13;
	v13 =	vmul.f32 v31, v11  }
0x140: {  	s3 =	simm.s32 $0x800;
	[tilespmem:s2+$0x4360] =	vst v14;
	v12 =	vmul.f32 v32, v12;
	v11 =	vld [tilespmem:s2+$0x43E0]  }
.LBB2_10:
0x141: {  	s10 =	sshra.s32 s3, $0x2;
	p1 =	sne.s32 s3, $0xF800;
	[tilespmem:s2+$0x4380] =	vst v13;
	v6 =	vmul.f32 v6, v8;
	v8 =	vld [tilespmem:s2+$0x43F0]  }
0x142: {  	v13 =	vld [tilespmem:s10+$0x8200];
	[tilespmem:s2+$0x4390] =	vst v12;
	v5 =	vmul.f32 v5, v7  }
0x143: {  	v7 =	vld [tilespmem:s10+$0x8210];
	[tilespmem:s2+$0x43A0] =	vst v6;
	v4 =	vmul.f32 v4, v9  }
0x144: {  	v9 =	vld [tilespmem:s10+$0x8220];
	[tilespmem:s2+$0x43B0] =	vst v5;
	v3 =	vmul.f32 v3, v10  }
0x145: {  	v10 =	vld [tilespmem:s10+$0x8230];
	[tilespmem:s2+$0x43C0] =	vst v4;
	v2 =	vmul.f32 v2, v11  }
0x146: {  	v11 =	vld [tilespmem:s10+$0x8240];
	[tilespmem:s2+$0x43D0] =	vst v3;
	v1 =	vmul.f32 v1, v8  }
0x147: {  	v8 =	vld [tilespmem:s10+$0x8250];
	[tilespmem:s2+$0x43E0] =	vst v2  }
0x148: {  	v12 =	vld [tilespmem:s10+$0x8260];
	[tilespmem:s2+$0x43F0] =	vst v1;
	s2 =	smov.u32 s10  }
0x149: {  	v14 =	vld [tilespmem:s2+$0x8270]  }
0x14a: {  	v15 =	vld [tilespmem:s2+$0x8280]  }
0x14b: {  	v16 =	vld [tilespmem:s2+$0x8290]  }
0x14c: {  	v17 =	vld [tilespmem:s2+$0x82A0]  }
0x14d: {  	v18 =	vld [tilespmem:s2+$0x82B0]  }
0x14e: {  	v19 =	vld [tilespmem:s2+$0x82C0]  }
0x14f: {  	v20 =	vld [tilespmem:s2+$0x82D0]  }
0x150: {  	v21 =	vld [tilespmem:s2+$0x82E0]  }
0x151: {  	v22 =	vld [tilespmem:s2+$0x82F0]  }
0x152: {  	v23 =	vld [tilespmem:s2+$0x8300]  }
0x153: {  	v24 =	vld [tilespmem:s2+$0x8310]  }
0x154: {  	v25 =	vld [tilespmem:s2+$0x8320]  }
0x155: {  	v26 =	vld [tilespmem:s2+$0x8330]  }
0x156: {  	v27 =	vld [tilespmem:s2+$0x8340]  }
0x157: {  	v28 =	vld [tilespmem:s2+$0x8350]  }
0x158: {  	v29 =	vld [tilespmem:s2+$0x8360]  }
0x159: {  	v30 =	vld [tilespmem:s2+$0x8370]  }
0x15a: {  	v31 =	vld [tilespmem:s2+$0x8380]  }
0x15b: {  	v32 =	vld [tilespmem:s2+$0x8390]  }
0x15c: {  	v6 =	vld [tilespmem:s2+$0x83A0]  }
0x15d: {  	v5 =	vld [tilespmem:s2+$0x83B0]  }
0x15e: {  	v4 =	vld [tilespmem:s2+$0x83C0]  }
0x15f: {  	v3 =	vld [tilespmem:s2+$0x83D0]  }
0x160: {  	v2 =	vld [tilespmem:s2+$0x83E0]  }
0x161: {  	v1 =	vld [tilespmem:s2+$0x83F0]  }
0x162: {  	v33 =	vld [tilespmem:s2+$0x4200]  }
0x163: {  	v34 =	vld [tilespmem:s2+$0x4210]  }
0x164: {  	v35 =	vld [tilespmem:s2+$0x4220]  }
0x165: {  	v36 =	vld [tilespmem:s2+$0x4230]  }
0x166: {  	v37 =	vld [tilespmem:s2+$0x4240]  }
0x167: {  	v13 =	vmul.f32 v13, v33;
	v33 =	vld [tilespmem:s2+$0x4250]  }
0x168: {  	v7 =	vmul.f32 v7, v34;
	v34 =	vld [tilespmem:s2+$0x4260]  }
0x169: {  	[tilespmem:s2+$0x4200] =	vst v13;
	v9 =	vmul.f32 v9, v35;
	v13 =	vld [tilespmem:s2+$0x4270]  }
0x16a: {  	[tilespmem:s2+$0x4210] =	vst v7;
	v7 =	vmul.f32 v10, v36;
	v10 =	vld [tilespmem:s2+$0x4280]  }
0x16b: {  	[tilespmem:s2+$0x4220] =	vst v9;
	v9 =	vmul.f32 v11, v37;
	v11 =	vld [tilespmem:s2+$0x4290]  }
0x16c: {  	[tilespmem:s2+$0x4230] =	vst v7;
	v7 =	vmul.f32 v8, v33;
	v8 =	vld [tilespmem:s2+$0x42A0]  }
0x16d: {  	[tilespmem:s2+$0x4240] =	vst v9;
	v9 =	vmul.f32 v12, v34;
	v12 =	vld [tilespmem:s2+$0x42B0]  }
0x16e: {  	[tilespmem:s2+$0x4250] =	vst v7;
	v7 =	vmul.f32 v14, v13;
	v13 =	vld [tilespmem:s2+$0x42C0]  }
0x16f: {  	[tilespmem:s2+$0x4260] =	vst v9;
	v9 =	vmul.f32 v15, v10;
	v10 =	vld [tilespmem:s2+$0x42D0]  }
0x170: {  	[tilespmem:s2+$0x4270] =	vst v7;
	v7 =	vmul.f32 v16, v11;
	v11 =	vld [tilespmem:s2+$0x42E0]  }
0x171: {  	[tilespmem:s2+$0x4280] =	vst v9;
	v8 =	vmul.f32 v17, v8;
	v9 =	vld [tilespmem:s2+$0x42F0]  }
0x172: {  	[tilespmem:s2+$0x4290] =	vst v7;
	v7 =	vmul.f32 v18, v12;
	v12 =	vld [tilespmem:s2+$0x4300]  }
0x173: {  	[tilespmem:s2+$0x42A0] =	vst v8;
	v8 =	vmul.f32 v19, v13;
	v13 =	vld [tilespmem:s2+$0x4310]  }
0x174: {  	[tilespmem:s2+$0x42B0] =	vst v7;
	v7 =	vmul.f32 v20, v10;
	v10 =	vld [tilespmem:s2+$0x4320]  }
0x175: {  	[tilespmem:s2+$0x42C0] =	vst v8;
	v8 =	vmul.f32 v21, v11;
	v11 =	vld [tilespmem:s2+$0x4330]  }
0x176: {  	[tilespmem:s2+$0x42D0] =	vst v7;
	v7 =	vmul.f32 v22, v9;
	v9 =	vld [tilespmem:s2+$0x4340]  }
0x177: {  	[tilespmem:s2+$0x42E0] =	vst v8;
	v8 =	vmul.f32 v23, v12;
	v12 =	vld [tilespmem:s2+$0x4350]  }
0x178: {  	[tilespmem:s2+$0x42F0] =	vst v7;
	v7 =	vmul.f32 v24, v13;
	v13 =	vld [tilespmem:s2+$0x4360]  }
0x179: {  	[tilespmem:s2+$0x4300] =	vst v8;
	v8 =	vmul.f32 v25, v10;
	v10 =	vld [tilespmem:s2+$0x4370]  }
0x17a: {  	[tilespmem:s2+$0x4310] =	vst v7;
	v7 =	vmul.f32 v26, v11;
	v11 =	vld [tilespmem:s2+$0x4380]  }
0x17b: {  	[tilespmem:s2+$0x4320] =	vst v8;
	v9 =	vmul.f32 v27, v9;
	v14 =	vld [tilespmem:s2+$0x4390]  }
.Ltmp9:
0x17c: {  	[tilespmem:s2+$0x4330] =	vst v7;
	v12 =	vmul.f32 v28, v12;
	v8 =	vld [tilespmem:s2+$0x43A0];
	(pc) =	sbr.rel @p1 .LBB2_10-.Ltmp9, $4  }
0x17d: {  	[tilespmem:s2+$0x4340] =	vst v9;
	v13 =	vmul.f32 v29, v13;
	v7 =	vld [tilespmem:s2+$0x43B0]  }
0x17e: {  	[tilespmem:s2+$0x4350] =	vst v12;
	v12 =	vmul.f32 v30, v10;
	v9 =	vld [tilespmem:s2+$0x43C0]  }
0x17f: {  	[tilespmem:s2+$0x4360] =	vst v13;
	v13 =	vmul.f32 v31, v11;
	v10 =	vld [tilespmem:s2+$0x43D0]  }
0x180: {  	s3 =	sadd.s32 $0x800, s3;
	[tilespmem:s2+$0x4370] =	vst v12;
	v12 =	vmul.f32 v32, v14;
	v11 =	vld [tilespmem:s2+$0x43E0]  }
0x181: {  	[tilespmem:s2+$0x4380] =	vst v13;
	v6 =	vmul.f32 v6, v8;
	v63 =	vld [tilespmem:s2+$0x43F0]  }
0x182: {  	[tilespmem:s2+$0x4390] =	vst v12;
	v5 =	vmul.f32 v5, v7  }
0x183: {  	[tilespmem:s2+$0x43A0] =	vst v6;
	v4 =	vmul.f32 v4, v9  }
0x184: {  	[tilespmem:s2+$0x43B0] =	vst v5;
	v3 =	vmul.f32 v3, v10  }
0x185: {  	[tilespmem:s2+$0x43C0] =	vst v4;
	v2 =	vmul.f32 v2, v11  }
0x186: {  	[tilespmem:s2+$0x43D0] =	vst v3;
	v1 =	vmul.f32 v1, v63  }
0x187: {  	[tilespmem:s2+$0x43E0] =	vst v2  }
.Ltmp10:
0x188: {  	[tilespmem:s2+$0x43F0] =	vst v1;
	(pc) =	sbr.rel .LBB2_12-.Ltmp10, $4  }
0x189: {  	[spmem:s1] =	stream.indirect.scatter.add.f32 [tilespmem:s29], [sflag:$0x3], $0x80, s28, s20, $0xb8;
	[tilespmem:$0x1FE80] =	vst v63  }
0x18a: {  	_ =	swait.ge [sflag:s18], $0x4000  }
0x18b: {  	[sflag:s18] =	ssyncset.done $0x0  }
0x18c: {  	[sflag:s18] =	ssyncadd.s32 $0xFFFFC000  }
.LBB2_14:
0x18d: {  	_ =	sfence.sel $0x180000  }
0x18e: {  	[bflag:$0x0] =	sbarrier.arrive $0xFFFF  }
0x18f: {  	_ =	strace $0x90000047  }
0x190: {  	s0 =	stileid.u32;
	[bflag:$0x2] =	sbarrier.arrive $0xFFFF  }
0x191: {  	p0 =	sne.s32 s0, $0x0;
	s0 =	rddreg [dreg:$0x3]  }
0x192: {  	s0 =	sadd.s32 @!p0 $0x100000, s0  }
0x193: {  	[sflag:s0] =	ssyncadd.tile.s32 @!p0 $0x1;
	_ =	shalt  }
.Lfunc_end2:
_tile_overlayer_lowered:
.L_overlay_start_2:
0x194: {  	(tag) =	ssettag $0x2  }
0x195: {  	s0 =	rddreg [dreg:$0x0];
	s2 =	stileid.u32  }
0x196: {  	s1 =	rddreg [dreg:$0x1];
	p0 =	sne.s32 s2, $0x0  }
0x197: {  	s3 =	rddreg [dreg:$0x2];
	[bflag:$0x3] =	sbarrier.arrive $0xFFFF;
	s2 =	simm.s32 @!p0 $0x1C03  }
0x198: {  	[timem:s3], [sflag:s2] =	dma.local @!p0 [hbm:s0], s1  }
0x199: {  	s0 =	simm.s32 @!p0 $0x3  }
0x19a: {  	_ =	swait.ge @!p0 [sflag:s0], s1  }
0x19b: {  	s1 =	ssub.s32 @!p0 $0x0, s1;
	[sflag:s0] =	ssyncset.done @!p0 $0x0  }
0x19c: {  	[sflag:s0] =	ssyncadd.s32 @!p0 s1  }
0x19d: {  	[bflag:$0x3] =	sbarrier.arrive $0xFFFF  }
0x19e: {  	_ =	shalt  }

</sc_bundles>
